<compile_context>
chip_gen: v7x
topology: tpu7x:2x2x1
jax: 0.10.2.dev20260603
libtpu: 0.0.44.dev20260713+nightly
codegen_flags: <defaults>
</compile_context>

<pallas_src>
import functools

import jax
import jax.numpy as jnp
from jax import lax
from jax.experimental import pallas as pl
from jax.experimental.pallas import tpu as pltpu
from jax.experimental.pallas import tpu_sc as plsc

B = 4096
C = 20
N_NEGS = 20
P = C + C * N_NEGS
F = 64
FP = F // 2
PW = 432
NCHUNK = 4
CHUNK = PW // NCHUNK
NC, NS = 2, 16
NW = NC * NS
BPW = B // NW

_mesh = plsc.VectorSubcoreMesh(core_axis_name="c", subcore_axis_name="s")


@functools.partial(
    pl.kernel,
    mesh=_mesh,
    out_type=jax.ShapeDtypeStruct((B, PW), jnp.float32),
    scratch_types=[
        pltpu.VMEM((BPW,), jnp.int32),
        pltpu.VMEM((BPW, FP), jnp.int32),
        pltpu.VMEM((NCHUNK, CHUNK), jnp.int32),
        pltpu.VMEM((NCHUNK, CHUNK), jnp.int32),
        pltpu.VMEM((PW, FP), jnp.int32),
        pltpu.VMEM((PW, FP), jnp.int32),
        pltpu.VMEM((PW,), jnp.float32),
        pltpu.VMEM((PW,), jnp.float32),
        pltpu.SemaphoreType.DMA,
        pltpu.SemaphoreType.DMA,
        pltpu.SemaphoreType.DMA,
        pltpu.SemaphoreType.DMA,
        pltpu.SemaphoreType.DMA,
        pltpu.SemaphoreType.DMA,
        pltpu.SemaphoreType.DMA,
    ],
    compiler_params=pltpu.CompilerParams(
        needs_layout_passes=False, use_tc_tiling_on_sc=False),
)
def _sc_scores(ovec_hbm, ivec_hbm, iitem_hbm, idx_hbm, out_hbm,
               ii_v, iv_v, idx0, idx1, rows0, rows1, sc0, sc1,
               ivsem, isem0, isem1, gsem0, gsem1, osem0, osem1):
    wid = lax.axis_index("s") * NC + lax.axis_index("c")
    base = wid * BPW
    idxb = (idx0, idx1)
    rowsb = (rows0, rows1)
    scb = (sc0, sc1)
    isem = (isem0, isem1)
    gsem = (gsem0, gsem1)
    osem = (osem0, osem1)
    lane = lax.iota(jnp.int32, 16)

    def fire_idx(b, p):
        pltpu.async_copy(idx_hbm.at[base + b], idxb[p], isem[p])

    def drain_idx(p):
        pltpu.make_async_copy(idx_hbm.at[0], idxb[p], isem[p]).wait()

    def fire_gather(p):
        for c in range(NCHUNK):
            pltpu.async_copy(
                ovec_hbm.at[idxb[p].at[c]],
                rowsb[p].at[pl.ds(c * CHUNK, CHUNK)],
                gsem[p],
            )

    def drain_gather(p):
        pltpu.make_async_copy(
            ovec_hbm.at[pl.ds(0, PW)], rowsb[p], gsem[p]).wait()

    def fire_out(b, p):
        pltpu.async_copy(scb[p], out_hbm.at[base + b], osem[p])

    def drain_out(p):
        pltpu.make_async_copy(out_hbm.at[0], scb[p], osem[p]).wait()

    def unpack2(x_i32):
        return plsc.unpack(
            plsc.bitcast(x_i32, jnp.bfloat16),
            format=plsc.PackFormat.INTERLEAVED,
            preferred_element_type=jnp.float32,
        )

    def compute(b, p):
        rows = rowsb[p]
        sc = scb[p]
        iv4 = []
        for c2 in range(2):
            lo, hi = unpack2(iv_v[b, pl.ds(16 * c2, 16)])
            iv4 += [lo, hi]

        def per_g(g, carry_g):
            sels = []
            for u in range(16):
                jj = g * 16 + u
                a0, a1 = unpack2(rows[jj, pl.ds(0, 16)])
                a2, a3 = unpack2(rows[jj, pl.ds(16, 16)])
                pvec = (a0 * iv4[0] + a1 * iv4[1]) + (a2 * iv4[2]
                                                      + a3 * iv4[3])
                cpre = plsc.cumsum(pvec)
                csuf = lax.rev(plsc.cumsum(lax.rev(pvec, (0,))), (0,))
                tot = (cpre + csuf) - pvec
                sels.append(jnp.where(lane == u, tot, 0.0))
            while len(sels) > 1:
                sels = [a + bb for a, bb in zip(sels[::2], sels[1::2])]
            sc[pl.ds(g * 16, 16)] = sels[0]
            return carry_g

        lax.fori_loop(0, PW // 16, per_g, 0)

    pltpu.sync_copy(iitem_hbm.at[pl.ds(base, BPW)], ii_v)
    pltpu.async_copy(ivec_hbm.at[ii_v], iv_v, ivsem).wait()

    fire_idx(0, 0)
    fire_idx(1, 1)
    drain_idx(0)
    fire_gather(0)

    def half(b, p):
        drain_gather(p)

        @pl.when(b + 2 < BPW)
        def _():
            fire_idx(b + 2, p)

        @pl.when(b + 1 < BPW)
        def _():
            drain_idx(1 - p)
            fire_gather(1 - p)

        @pl.when(b >= 2)
        def _():
            drain_out(p)

        compute(b, p)
        fire_out(b, p)

    def iter2(i, carry):
        half(2 * i, 0)
        half(2 * i + 1, 1)
        return carry

    lax.fori_loop(0, BPW // 2, iter2, 0)
    drain_out(0)
    drain_out(1)


def _loss_body(s_ref, o_ref):
    blk = s_ref[...]
    col = lax.broadcasted_iota(jnp.int32, blk.shape, 1)
    t = jnp.exp(-jnp.abs(blk))
    log1pt = jnp.log(1.0 + t)
    ls_pos = jnp.where(blk >= 0, -log1pt, blk - log1pt)
    ls_neg = jnp.where(blk >= 0, -blk - log1pt, -log1pt)
    contrib = (jnp.where(col < C, ls_pos, 0.0)
               + jnp.where((col >= C) & (col < P), ls_neg, 0.0))
    part = jnp.sum(contrib) * (-1.0 / (C * B))

    @pl.when(pl.program_id(0) == 0)
    def _():
        o_ref[0, 0] = 0.0

    o_ref[0, 0] += part


def _tc_loss(scores):
    return pl.pallas_call(
        _loss_body,
        grid=(16,),
        in_specs=[pl.BlockSpec((B // 16, PW), lambda i: (i, 0))],
        out_specs=pl.BlockSpec(memory_space=pltpu.SMEM),
        out_shape=jax.ShapeDtypeStruct((1, 1), jnp.float32),
    )(scores)


def kernel(iitem, oitems, ivec_w, ovec_w):
    item_num = ivec_w.shape[0]
    nkey = jax.random.key(1)
    nitems = jnp.floor(
        jax.random.uniform(nkey, (B, C * N_NEGS), dtype=jnp.float32)
        * (item_num - 1)
    ).astype(jnp.int32)

    all_idx = jnp.concatenate([oitems.astype(jnp.int32), nitems], axis=1)
    all_idx = jnp.pad(all_idx, ((0, 0), (0, PW - P)))
    idx3 = all_idx.reshape(B, NCHUNK, CHUNK)
    iitem32 = iitem.astype(jnp.int32)

    def pack_bf16(t):
        bits = lax.bitcast_convert_type(t, jnp.uint32)

        def rtne(x):
            return (x + 0x7FFF + ((x >> 16) & 1)) >> 16

        packed = rtne(bits[:, :FP]) | (rtne(bits[:, FP:]) << 16)
        return lax.bitcast_convert_type(packed, jnp.int32)

    scores = _sc_scores(pack_bf16(ovec_w), pack_bf16(ivec_w), iitem32, idx3)
    loss = _tc_loss(scores)
    return loss[0, 0]

# --- scband reference (transcript-rebuilt; emitter-appended) ---
"""Pipeline reference for scband-item2-vec-75033078661557 (READ-ONLY COPY).

The authoritative reference and input builder live on the scoring server;
editing this copy changes nothing except your own understanding.
"""

import jax, jax.numpy as jnp
import numpy as np

ITEM_NUM = 100000
FACTORS = 64
BATCH = 4096
CONTEXT = 20
N_NEGS = 20


def setup_inputs(seed: int = 0) -> dict:
    key = jax.random.key(seed)
    k1, k2, k3, k4 = jax.random.split(key, 4)
    iitem = jax.random.randint(k1, (BATCH,), 0, ITEM_NUM, dtype=jnp.int32).astype(jnp.int64)
    oitems = jax.random.randint(k2, (BATCH, CONTEXT), 0, ITEM_NUM, dtype=jnp.int32).astype(jnp.int64)
    bound = 0.5 / FACTORS
    ivec_w = jnp.concatenate([
        jnp.zeros((1, FACTORS), dtype=jnp.float32),
        jax.random.uniform(k3, (ITEM_NUM - 1, FACTORS), minval=-bound, maxval=bound, dtype=jnp.float32),
    ], axis=0)
    ovec_w = jnp.concatenate([
        jnp.zeros((1, FACTORS), dtype=jnp.float32),
        jax.random.uniform(k4, (ITEM_NUM - 1, FACTORS), minval=-bound, maxval=bound, dtype=jnp.float32),
    ], axis=0)
    return {"iitem": iitem, "oitems": oitems, "ivec_w": ivec_w, "ovec_w": ovec_w}


def reference(iitem, oitems, ivec_w, ovec_w):
    B = iitem.shape[0]
    C = oitems.shape[1]
    item_num = ivec_w.shape[0]
    # weights is None -> negatives drawn uniform(0, item_num-1) then .long()
    nkey = jax.random.key(1)
    nitems = jnp.floor(
        jax.random.uniform(nkey, (B, C * N_NEGS), dtype=jnp.float32) * (item_num - 1)
    ).astype(jnp.int32)
    # embedding lookups (SparseCore gathers)
    ivectors = jnp.take(ivec_w, iitem.astype(jnp.int32), axis=0)[:, :, None]   # [B, F, 1]
    ovectors = jnp.take(ovec_w, oitems.astype(jnp.int32), axis=0)              # [B, C, F]
    nvectors = -jnp.take(ovec_w, nitems, axis=0)                               # [B, C*N, F]
    oscore = jnp.squeeze(jnp.matmul(ovectors, ivectors), axis=-1)              # [B, C]
    oloss = jnp.mean(jnp.log(jax.nn.sigmoid(oscore)), axis=1)                  # [B]
    nscore = jnp.squeeze(jnp.matmul(nvectors, ivectors), axis=-1)              # [B, C*N]
    nloss = jnp.mean(
        jnp.sum(jnp.log(jax.nn.sigmoid(nscore)).reshape(-1, C, N_NEGS), axis=2), axis=1
    )                                                                          # [B]
    return -jnp.mean(oloss + nloss)

if __name__ == "__main__":
    import jax
    _d = setup_inputs()
    print(jax.jit(kernel)(*tuple(_d.values())))

</pallas_src>

<mosaic_0001>
#map = affine_map<(d0, d1) -> (0, 0)>
#map1 = affine_map<(d0, d1) -> (0)>
#map2 = affine_map<(d0, d1) -> (0, 0, 0)>
module attributes {stable_mosaic.version = 14 : i64} {
  func.func @_sc_scores(%arg0: i32, %arg1: i32, %arg2: memref<100000x32xi32, #tpu.memory_space<hbm>>, %arg3: memref<100000x32xi32, #tpu.memory_space<hbm>>, %arg4: memref<4096xi32, #tpu.memory_space<hbm>>, %arg5: memref<4096x4x108xi32, #tpu.memory_space<hbm>>, %arg6: memref<4096x432xf32, #tpu.memory_space<hbm>>, %arg7: memref<128xi32, #tpu.memory_space<vmem>>, %arg8: memref<128x32xi32, #tpu.memory_space<vmem>>, %arg9: memref<4x108xi32, #tpu.memory_space<vmem>>, %arg10: memref<4x108xi32, #tpu.memory_space<vmem>>, %arg11: memref<432x32xi32, #tpu.memory_space<vmem>>, %arg12: memref<432x32xi32, #tpu.memory_space<vmem>>, %arg13: memref<432xf32, #tpu.memory_space<vmem>>, %arg14: memref<432xf32, #tpu.memory_space<vmem>>, %arg15: memref<!tpu.dma_semaphore, #tpu.memory_space<semaphore_mem>>, %arg16: memref<!tpu.dma_semaphore, #tpu.memory_space<semaphore_mem>>, %arg17: memref<!tpu.dma_semaphore, #tpu.memory_space<semaphore_mem>>, %arg18: memref<!tpu.dma_semaphore, #tpu.memory_space<semaphore_mem>>, %arg19: memref<!tpu.dma_semaphore, #tpu.memory_space<semaphore_mem>>, %arg20: memref<!tpu.dma_semaphore, #tpu.memory_space<semaphore_mem>>, %arg21: memref<!tpu.dma_semaphore, #tpu.memory_space<semaphore_mem>>) attributes {dimension_semantics = [#tpu.dimension_semantics<core_parallel>, #tpu.dimension_semantics<subcore_parallel>], iteration_bounds = array<i64: 2, 16>, scalar_prefetch = 0 : i64, scratch_operands = 15 : i64, tpu.core_type = #tpu.core_type<sc_vector_subcore>, window_params = [{transform_indices = #map}, {transform_indices = #map}, {transform_indices = #map1}, {transform_indices = #map2}, {transform_indices = #map}]} {
    %mul3A = arith.constant 2 : i32
    %mul3A_0 = arith.muli %arg1, %mul3A : i32
    %add3A = arith.addi %mul3A_0, %arg0 : i32
    %mul3A_1 = arith.constant 128 : i32
    %mul3A_2 = arith.muli %add3A, %mul3A_1 : i32
    %iota3A = tpu.iota {dimensions = array<i32: 0>} : vector<16xi32>
    "tpu.region"() ({
      %run_scoped3A = tpu.sem_alloc : memref<!tpu.dma_semaphore, #tpu.memory_space<semaphore_mem>>
      %dma_start3A_95 = tpu.memref_slice %arg4[%mul3A_2] : memref<4096xi32, #tpu.memory_space<hbm>> -> memref<128xi32, #tpu.memory_space<hbm>>
      %dma_start3A_96 = tpu.memref_slice %arg4[%mul3A_2] : memref<4096xi32, #tpu.memory_space<hbm>> -> memref<128xi32, #tpu.memory_space<hbm>>
      tpu.enqueue_dma source(%dma_start3A_96 : memref<128xi32, #tpu.memory_space<hbm>>) target(%arg7 : memref<128xi32, #tpu.memory_space<vmem>>) target_semaphore(%run_scoped3A : memref<!tpu.dma_semaphore, #tpu.memory_space<semaphore_mem>>)
      %dma_wait3A_97 = tpu.memref_slice %arg4[%mul3A_2] : memref<4096xi32, #tpu.memory_space<hbm>> -> memref<128xi32, #tpu.memory_space<hbm>>
      %dma_wait3A_98 = tpu.memref_slice %arg4[%mul3A_2] : memref<4096xi32, #tpu.memory_space<hbm>> -> memref<128xi32, #tpu.memory_space<hbm>>
      tpu.wait_dma2 semaphore(%run_scoped3A : memref<!tpu.dma_semaphore, #tpu.memory_space<semaphore_mem>>) src(%dma_wait3A_98 : memref<128xi32, #tpu.memory_space<hbm>>) dst(%arg7 : memref<128xi32, #tpu.memory_space<vmem>>)
      tpu.yield
    }) : () -> ()
    %dma_start3A = arith.constant 0 : i32
    %dma_start3A_3 = arith.constant 0 : i32
    %dma_start3A_4 = tpu.memref_slice %arg3[%dma_start3A, %dma_start3A_3] : memref<100000x32xi32, #tpu.memory_space<hbm>> -> memref<100000x32xi32, #tpu.memory_space<hbm>>
    tpu.enqueue_indirect_dma source(%dma_start3A_4 : memref<100000x32xi32, #tpu.memory_space<hbm>>) target(%arg8 : memref<128x32xi32, #tpu.memory_space<vmem>>) offsets(%arg7 : memref<128xi32, #tpu.memory_space<vmem>>) semaphore(%arg15 : memref<!tpu.dma_semaphore, #tpu.memory_space<semaphore_mem>>)
    %dma_wait3A = arith.constant 0 : i32
    %dma_wait3A_5 = arith.constant 0 : i32
    %dma_wait3A_6 = tpu.memref_slice %arg3[%dma_wait3A, %dma_wait3A_5] : memref<100000x32xi32, #tpu.memory_space<hbm>> -> memref<100000x32xi32, #tpu.memory_space<hbm>>
    tpu.wait_indirect_dma semaphore(%arg15 : memref<!tpu.dma_semaphore, #tpu.memory_space<semaphore_mem>>) src(%dma_wait3A_6 : memref<100000x32xi32, #tpu.memory_space<hbm>>) dst(%arg8 : memref<128x32xi32, #tpu.memory_space<vmem>>)
    %add3A_7 = arith.constant 0 : i32
    %add3A_8 = arith.addi %mul3A_2, %add3A_7 : i32
    %dma_start3A_9 = arith.constant 0 : i32
    %dma_start3A_10 = arith.constant 0 : i32
    %dma_start3A_11 = tpu.memref_slice %arg5[%add3A_8, %dma_start3A_9, %dma_start3A_10] : memref<4096x4x108xi32, #tpu.memory_space<hbm>> -> memref<1x4x108xi32, #tpu.memory_space<hbm>>
    %dma_start3A_12 = tpu.memref_squeeze %dma_start3A_11 : memref<1x4x108xi32, #tpu.memory_space<hbm>> -> memref<4x108xi32, #tpu.memory_space<hbm>>
    %dma_start3A_13 = arith.constant 0 : i32
    %dma_start3A_14 = arith.constant 0 : i32
    %dma_start3A_15 = tpu.memref_slice %arg5[%add3A_8, %dma_start3A_13, %dma_start3A_14] : memref<4096x4x108xi32, #tpu.memory_space<hbm>> -> memref<1x4x108xi32, #tpu.memory_space<hbm>>
    %dma_start3A_16 = tpu.memref_squeeze %dma_start3A_15 : memref<1x4x108xi32, #tpu.memory_space<hbm>> -> memref<4x108xi32, #tpu.memory_space<hbm>>
    tpu.enqueue_dma source(%dma_start3A_16 : memref<4x108xi32, #tpu.memory_space<hbm>>) target(%arg9 : memref<4x108xi32, #tpu.memory_space<vmem>>) target_semaphore(%arg16 : memref<!tpu.dma_semaphore, #tpu.memory_space<semaphore_mem>>)
    %add3A_17 = arith.constant 1 : i32
    %add3A_18 = arith.addi %mul3A_2, %add3A_17 : i32
    %dma_start3A_19 = arith.constant 0 : i32
    %dma_start3A_20 = arith.constant 0 : i32
    %dma_start3A_21 = tpu.memref_slice %arg5[%add3A_18, %dma_start3A_19, %dma_start3A_20] : memref<4096x4x108xi32, #tpu.memory_space<hbm>> -> memref<1x4x108xi32, #tpu.memory_space<hbm>>
    %dma_start3A_22 = tpu.memref_squeeze %dma_start3A_21 : memref<1x4x108xi32, #tpu.memory_space<hbm>> -> memref<4x108xi32, #tpu.memory_space<hbm>>
    %dma_start3A_23 = arith.constant 0 : i32
    %dma_start3A_24 = arith.constant 0 : i32
    %dma_start3A_25 = tpu.memref_slice %arg5[%add3A_18, %dma_start3A_23, %dma_start3A_24] : memref<4096x4x108xi32, #tpu.memory_space<hbm>> -> memref<1x4x108xi32, #tpu.memory_space<hbm>>
    %dma_start3A_26 = tpu.memref_squeeze %dma_start3A_25 : memref<1x4x108xi32, #tpu.memory_space<hbm>> -> memref<4x108xi32, #tpu.memory_space<hbm>>
    tpu.enqueue_dma source(%dma_start3A_26 : memref<4x108xi32, #tpu.memory_space<hbm>>) target(%arg10 : memref<4x108xi32, #tpu.memory_space<vmem>>) target_semaphore(%arg17 : memref<!tpu.dma_semaphore, #tpu.memory_space<semaphore_mem>>)
    %dma_wait3A_27 = arith.constant 0 : i32
    %dma_wait3A_28 = arith.constant 0 : i32
    %dma_wait3A_29 = arith.constant 0 : i32
    %dma_wait3A_30 = tpu.memref_slice %arg5[%dma_wait3A_27, %dma_wait3A_28, %dma_wait3A_29] : memref<4096x4x108xi32, #tpu.memory_space<hbm>> -> memref<1x4x108xi32, #tpu.memory_space<hbm>>
    %dma_wait3A_31 = tpu.memref_squeeze %dma_wait3A_30 : memref<1x4x108xi32, #tpu.memory_space<hbm>> -> memref<4x108xi32, #tpu.memory_space<hbm>>
    %dma_wait3A_32 = arith.constant 0 : i32
    %dma_wait3A_33 = arith.constant 0 : i32
    %dma_wait3A_34 = tpu.memref_slice %arg5[%dma_wait3A_27, %dma_wait3A_32, %dma_wait3A_33] : memref<4096x4x108xi32, #tpu.memory_space<hbm>> -> memref<1x4x108xi32, #tpu.memory_space<hbm>>
    %dma_wait3A_35 = tpu.memref_squeeze %dma_wait3A_34 : memref<1x4x108xi32, #tpu.memory_space<hbm>> -> memref<4x108xi32, #tpu.memory_space<hbm>>
    tpu.wait_dma2 semaphore(%arg16 : memref<!tpu.dma_semaphore, #tpu.memory_space<semaphore_mem>>) src(%dma_wait3A_35 : memref<4x108xi32, #tpu.memory_space<hbm>>) dst(%arg9 : memref<4x108xi32, #tpu.memory_space<vmem>>)
    %dma_start3A_36 = arith.constant 0 : i32
    %dma_start3A_37 = arith.constant 0 : i32
    %dma_start3A_38 = arith.constant 0 : i32
    %dma_start3A_39 = tpu.memref_slice %arg11[%dma_start3A_37, %dma_start3A_38] : memref<432x32xi32, #tpu.memory_space<vmem>> -> memref<108x32xi32, #tpu.memory_space<vmem>>
    %dma_start3A_40 = arith.constant 0 : i32
    %dma_start3A_41 = tpu.memref_slice %arg9[%dma_start3A_36, %dma_start3A_40] : memref<4x108xi32, #tpu.memory_space<vmem>> -> memref<1x108xi32, #tpu.memory_space<vmem>>
    %dma_start3A_42 = tpu.memref_squeeze %dma_start3A_41 : memref<1x108xi32, #tpu.memory_space<vmem>> -> memref<108xi32, #tpu.memory_space<vmem>>
    %dma_start3A_43 = arith.constant 0 : i32
    %dma_start3A_44 = arith.constant 0 : i32
    %dma_start3A_45 = tpu.memref_slice %arg2[%dma_start3A_43, %dma_start3A_44] : memref<100000x32xi32, #tpu.memory_space<hbm>> -> memref<100000x32xi32, #tpu.memory_space<hbm>>
    tpu.enqueue_indirect_dma source(%dma_start3A_45 : memref<100000x32xi32, #tpu.memory_space<hbm>>) target(%dma_start3A_39 : memref<108x32xi32, #tpu.memory_space<vmem>>) offsets(%dma_start3A_42 : memref<108xi32, #tpu.memory_space<vmem>>) semaphore(%arg18 : memref<!tpu.dma_semaphore, #tpu.memory_space<semaphore_mem>>)
    %dma_start3A_46 = arith.constant 1 : i32
    %dma_start3A_47 = arith.constant 108 : i32
    %dma_start3A_48 = arith.constant 0 : i32
    %dma_start3A_49 = tpu.memref_slice %arg11[%dma_start3A_47, %dma_start3A_48] : memref<432x32xi32, #tpu.memory_space<vmem>> -> memref<108x32xi32, #tpu.memory_space<vmem>>
    %dma_start3A_50 = arith.constant 0 : i32
    %dma_start3A_51 = tpu.memref_slice %arg9[%dma_start3A_46, %dma_start3A_50] : memref<4x108xi32, #tpu.memory_space<vmem>> -> memref<1x108xi32, #tpu.memory_space<vmem>>
    %dma_start3A_52 = tpu.memref_squeeze %dma_start3A_51 : memref<1x108xi32, #tpu.memory_space<vmem>> -> memref<108xi32, #tpu.memory_space<vmem>>
    %dma_start3A_53 = arith.constant 0 : i32
    %dma_start3A_54 = arith.constant 0 : i32
    %dma_start3A_55 = tpu.memref_slice %arg2[%dma_start3A_53, %dma_start3A_54] : memref<100000x32xi32, #tpu.memory_space<hbm>> -> memref<100000x32xi32, #tpu.memory_space<hbm>>
    tpu.enqueue_indirect_dma source(%dma_start3A_55 : memref<100000x32xi32, #tpu.memory_space<hbm>>) target(%dma_start3A_49 : memref<108x32xi32, #tpu.memory_space<vmem>>) offsets(%dma_start3A_52 : memref<108xi32, #tpu.memory_space<vmem>>) semaphore(%arg18 : memref<!tpu.dma_semaphore, #tpu.memory_space<semaphore_mem>>)
    %dma_start3A_56 = arith.constant 2 : i32
    %dma_start3A_57 = arith.constant 216 : i32
    %dma_start3A_58 = arith.constant 0 : i32
    %dma_start3A_59 = tpu.memref_slice %arg11[%dma_start3A_57, %dma_start3A_58] : memref<432x32xi32, #tpu.memory_space<vmem>> -> memref<108x32xi32, #tpu.memory_space<vmem>>
    %dma_start3A_60 = arith.constant 0 : i32
    %dma_start3A_61 = tpu.memref_slice %arg9[%dma_start3A_56, %dma_start3A_60] : memref<4x108xi32, #tpu.memory_space<vmem>> -> memref<1x108xi32, #tpu.memory_space<vmem>>
    %dma_start3A_62 = tpu.memref_squeeze %dma_start3A_61 : memref<1x108xi32, #tpu.memory_space<vmem>> -> memref<108xi32, #tpu.memory_space<vmem>>
    %dma_start3A_63 = arith.constant 0 : i32
    %dma_start3A_64 = arith.constant 0 : i32
    %dma_start3A_65 = tpu.memref_slice %arg2[%dma_start3A_63, %dma_start3A_64] : memref<100000x32xi32, #tpu.memory_space<hbm>> -> memref<100000x32xi32, #tpu.memory_space<hbm>>
    tpu.enqueue_indirect_dma source(%dma_start3A_65 : memref<100000x32xi32, #tpu.memory_space<hbm>>) target(%dma_start3A_59 : memref<108x32xi32, #tpu.memory_space<vmem>>) offsets(%dma_start3A_62 : memref<108xi32, #tpu.memory_space<vmem>>) semaphore(%arg18 : memref<!tpu.dma_semaphore, #tpu.memory_space<semaphore_mem>>)
    %dma_start3A_66 = arith.constant 3 : i32
    %dma_start3A_67 = arith.constant 324 : i32
    %dma_start3A_68 = arith.constant 0 : i32
    %dma_start3A_69 = tpu.memref_slice %arg11[%dma_start3A_67, %dma_start3A_68] : memref<432x32xi32, #tpu.memory_space<vmem>> -> memref<108x32xi32, #tpu.memory_space<vmem>>
    %dma_start3A_70 = arith.constant 0 : i32
    %dma_start3A_71 = tpu.memref_slice %arg9[%dma_start3A_66, %dma_start3A_70] : memref<4x108xi32, #tpu.memory_space<vmem>> -> memref<1x108xi32, #tpu.memory_space<vmem>>
    %dma_start3A_72 = tpu.memref_squeeze %dma_start3A_71 : memref<1x108xi32, #tpu.memory_space<vmem>> -> memref<108xi32, #tpu.memory_space<vmem>>
    %dma_start3A_73 = arith.constant 0 : i32
    %dma_start3A_74 = arith.constant 0 : i32
    %dma_start3A_75 = tpu.memref_slice %arg2[%dma_start3A_73, %dma_start3A_74] : memref<100000x32xi32, #tpu.memory_space<hbm>> -> memref<100000x32xi32, #tpu.memory_space<hbm>>
    tpu.enqueue_indirect_dma source(%dma_start3A_75 : memref<100000x32xi32, #tpu.memory_space<hbm>>) target(%dma_start3A_69 : memref<108x32xi32, #tpu.memory_space<vmem>>) offsets(%dma_start3A_72 : memref<108xi32, #tpu.memory_space<vmem>>) semaphore(%arg18 : memref<!tpu.dma_semaphore, #tpu.memory_space<semaphore_mem>>)
    %scan3A = arith.constant 0 : i32
    %scan3A_76 = arith.constant 0 : i32
    %scan3A_77 = arith.constant 64 : i32
    %scan3A_78 = arith.addi %scan3A_76, %scan3A_77 : i32
    %scan3A_79 = arith.constant 1 : i32
    scf.for %scan3A_95 = %scan3A_76 to %scan3A_78 step %scan3A_79  : i32 {
      %mul3A_96 = arith.constant 2 : i32
      %mul3A_97 = arith.muli %mul3A_96, %scan3A_95 : i32
      %dma_wait3A_98 = arith.constant 0 : i32
      %dma_wait3A_99 = arith.constant 0 : i32
      %dma_wait3A_100 = tpu.memref_slice %arg2[%dma_wait3A_98, %dma_wait3A_99] : memref<100000x32xi32, #tpu.memory_space<hbm>> -> memref<432x32xi32, #tpu.memory_space<hbm>>
      %dma_wait3A_101 = arith.constant 0 : i32
      %dma_wait3A_102 = arith.constant 0 : i32
      %dma_wait3A_103 = tpu.memref_slice %arg2[%dma_wait3A_101, %dma_wait3A_102] : memref<100000x32xi32, #tpu.memory_space<hbm>> -> memref<432x32xi32, #tpu.memory_space<hbm>>
      tpu.wait_dma2 semaphore(%arg18 : memref<!tpu.dma_semaphore, #tpu.memory_space<semaphore_mem>>) src(%dma_wait3A_103 : memref<432x32xi32, #tpu.memory_space<hbm>>) dst(%arg11 : memref<432x32xi32, #tpu.memory_space<vmem>>)
      %add3A_104 = arith.constant 2 : i32
      %add3A_105 = arith.addi %mul3A_97, %add3A_104 : i32
      %lt3A = arith.constant 128 : i32
      %lt3A_106 = arith.cmpi slt, %add3A_105, %lt3A : i32
      %convert_element_type3A = arith.extui %lt3A_106 : i1 to i32
      %cond3A = arith.constant 0 : i32
      %cond3A_107 = arith.cmpi ne, %convert_element_type3A, %cond3A : i32
      scf.if %cond3A_107 {
        %add3A_195 = arith.constant 2 : i32
        %add3A_196 = arith.addi %mul3A_97, %add3A_195 : i32
        %add3A_197 = arith.addi %mul3A_2, %add3A_196 : i32
        %dma_start3A_198 = arith.constant 0 : i32
        %dma_start3A_199 = arith.constant 0 : i32
        %dma_start3A_200 = tpu.memref_slice %arg5[%add3A_197, %dma_start3A_198, %dma_start3A_199] : memref<4096x4x108xi32, #tpu.memory_space<hbm>> -> memref<1x4x108xi32, #tpu.memory_space<hbm>>
        %dma_start3A_201 = tpu.memref_squeeze %dma_start3A_200 : memref<1x4x108xi32, #tpu.memory_space<hbm>> -> memref<4x108xi32, #tpu.memory_space<hbm>>
        %dma_start3A_202 = arith.constant 0 : i32
        %dma_start3A_203 = arith.constant 0 : i32
        %dma_start3A_204 = tpu.memref_slice %arg5[%add3A_197, %dma_start3A_202, %dma_start3A_203] : memref<4096x4x108xi32, #tpu.memory_space<hbm>> -> memref<1x4x108xi32, #tpu.memory_space<hbm>>
        %dma_start3A_205 = tpu.memref_squeeze %dma_start3A_204 : memref<1x4x108xi32, #tpu.memory_space<hbm>> -> memref<4x108xi32, #tpu.memory_space<hbm>>
        tpu.enqueue_dma source(%dma_start3A_205 : memref<4x108xi32, #tpu.memory_space<hbm>>) target(%arg9 : memref<4x108xi32, #tpu.memory_space<vmem>>) target_semaphore(%arg16 : memref<!tpu.dma_semaphore, #tpu.memory_space<semaphore_mem>>)
      } else {
      }
      %add3A_108 = arith.constant 1 : i32
      %add3A_109 = arith.addi %mul3A_97, %add3A_108 : i32
      %lt3A_110 = arith.constant 128 : i32
      %lt3A_111 = arith.cmpi slt, %add3A_109, %lt3A_110 : i32
      %convert_element_type3A_112 = arith.extui %lt3A_111 : i1 to i32
      %cond3A_113 = arith.constant 0 : i32
      %cond3A_114 = arith.cmpi ne, %convert_element_type3A_112, %cond3A_113 : i32
      scf.if %cond3A_114 {
        %dma_wait3A_195 = arith.constant 0 : i32
        %dma_wait3A_196 = arith.constant 0 : i32
        %dma_wait3A_197 = arith.constant 0 : i32
        %dma_wait3A_198 = tpu.memref_slice %arg5[%dma_wait3A_195, %dma_wait3A_196, %dma_wait3A_197] : memref<4096x4x108xi32, #tpu.memory_space<hbm>> -> memref<1x4x108xi32, #tpu.memory_space<hbm>>
        %dma_wait3A_199 = tpu.memref_squeeze %dma_wait3A_198 : memref<1x4x108xi32, #tpu.memory_space<hbm>> -> memref<4x108xi32, #tpu.memory_space<hbm>>
        %dma_wait3A_200 = arith.constant 0 : i32
        %dma_wait3A_201 = arith.constant 0 : i32
        %dma_wait3A_202 = tpu.memref_slice %arg5[%dma_wait3A_195, %dma_wait3A_200, %dma_wait3A_201] : memref<4096x4x108xi32, #tpu.memory_space<hbm>> -> memref<1x4x108xi32, #tpu.memory_space<hbm>>
        %dma_wait3A_203 = tpu.memref_squeeze %dma_wait3A_202 : memref<1x4x108xi32, #tpu.memory_space<hbm>> -> memref<4x108xi32, #tpu.memory_space<hbm>>
        tpu.wait_dma2 semaphore(%arg17 : memref<!tpu.dma_semaphore, #tpu.memory_space<semaphore_mem>>) src(%dma_wait3A_203 : memref<4x108xi32, #tpu.memory_space<hbm>>) dst(%arg10 : memref<4x108xi32, #tpu.memory_space<vmem>>)
        %dma_start3A_204 = arith.constant 0 : i32
        %dma_start3A_205 = arith.constant 0 : i32
        %dma_start3A_206 = arith.constant 0 : i32
        %dma_start3A_207 = tpu.memref_slice %arg12[%dma_start3A_205, %dma_start3A_206] : memref<432x32xi32, #tpu.memory_space<vmem>> -> memref<108x32xi32, #tpu.memory_space<vmem>>
        %dma_start3A_208 = arith.constant 0 : i32
        %dma_start3A_209 = tpu.memref_slice %arg10[%dma_start3A_204, %dma_start3A_208] : memref<4x108xi32, #tpu.memory_space<vmem>> -> memref<1x108xi32, #tpu.memory_space<vmem>>
        %dma_start3A_210 = tpu.memref_squeeze %dma_start3A_209 : memref<1x108xi32, #tpu.memory_space<vmem>> -> memref<108xi32, #tpu.memory_space<vmem>>
        %dma_start3A_211 = arith.constant 0 : i32
        %dma_start3A_212 = arith.constant 0 : i32
        %dma_start3A_213 = tpu.memref_slice %arg2[%dma_start3A_211, %dma_start3A_212] : memref<100000x32xi32, #tpu.memory_space<hbm>> -> memref<100000x32xi32, #tpu.memory_space<hbm>>
        tpu.enqueue_indirect_dma source(%dma_start3A_213 : memref<100000x32xi32, #tpu.memory_space<hbm>>) target(%dma_start3A_207 : memref<108x32xi32, #tpu.memory_space<vmem>>) offsets(%dma_start3A_210 : memref<108xi32, #tpu.memory_space<vmem>>) semaphore(%arg19 : memref<!tpu.dma_semaphore, #tpu.memory_space<semaphore_mem>>)
        %dma_start3A_214 = arith.constant 1 : i32
        %dma_start3A_215 = arith.constant 108 : i32
        %dma_start3A_216 = arith.constant 0 : i32
        %dma_start3A_217 = tpu.memref_slice %arg12[%dma_start3A_215, %dma_start3A_216] : memref<432x32xi32, #tpu.memory_space<vmem>> -> memref<108x32xi32, #tpu.memory_space<vmem>>
        %dma_start3A_218 = arith.constant 0 : i32
        %dma_start3A_219 = tpu.memref_slice %arg10[%dma_start3A_214, %dma_start3A_218] : memref<4x108xi32, #tpu.memory_space<vmem>> -> memref<1x108xi32, #tpu.memory_space<vmem>>
        %dma_start3A_220 = tpu.memref_squeeze %dma_start3A_219 : memref<1x108xi32, #tpu.memory_space<vmem>> -> memref<108xi32, #tpu.memory_space<vmem>>
        %dma_start3A_221 = arith.constant 0 : i32
        %dma_start3A_222 = arith.constant 0 : i32
        %dma_start3A_223 = tpu.memref_slice %arg2[%dma_start3A_221, %dma_start3A_222] : memref<100000x32xi32, #tpu.memory_space<hbm>> -> memref<100000x32xi32, #tpu.memory_space<hbm>>
        tpu.enqueue_indirect_dma source(%dma_start3A_223 : memref<100000x32xi32, #tpu.memory_space<hbm>>) target(%dma_start3A_217 : memref<108x32xi32, #tpu.memory_space<vmem>>) offsets(%dma_start3A_220 : memref<108xi32, #tpu.memory_space<vmem>>) semaphore(%arg19 : memref<!tpu.dma_semaphore, #tpu.memory_space<semaphore_mem>>)
        %dma_start3A_224 = arith.constant 2 : i32
        %dma_start3A_225 = arith.constant 216 : i32
        %dma_start3A_226 = arith.constant 0 : i32
        %dma_start3A_227 = tpu.memref_slice %arg12[%dma_start3A_225, %dma_start3A_226] : memref<432x32xi32, #tpu.memory_space<vmem>> -> memref<108x32xi32, #tpu.memory_space<vmem>>
        %dma_start3A_228 = arith.constant 0 : i32
        %dma_start3A_229 = tpu.memref_slice %arg10[%dma_start3A_224, %dma_start3A_228] : memref<4x108xi32, #tpu.memory_space<vmem>> -> memref<1x108xi32, #tpu.memory_space<vmem>>
        %dma_start3A_230 = tpu.memref_squeeze %dma_start3A_229 : memref<1x108xi32, #tpu.memory_space<vmem>> -> memref<108xi32, #tpu.memory_space<vmem>>
        %dma_start3A_231 = arith.constant 0 : i32
        %dma_start3A_232 = arith.constant 0 : i32
        %dma_start3A_233 = tpu.memref_slice %arg2[%dma_start3A_231, %dma_start3A_232] : memref<100000x32xi32, #tpu.memory_space<hbm>> -> memref<100000x32xi32, #tpu.memory_space<hbm>>
        tpu.enqueue_indirect_dma source(%dma_start3A_233 : memref<100000x32xi32, #tpu.memory_space<hbm>>) target(%dma_start3A_227 : memref<108x32xi32, #tpu.memory_space<vmem>>) offsets(%dma_start3A_230 : memref<108xi32, #tpu.memory_space<vmem>>) semaphore(%arg19 : memref<!tpu.dma_semaphore, #tpu.memory_space<semaphore_mem>>)
        %dma_start3A_234 = arith.constant 3 : i32
        %dma_start3A_235 = arith.constant 324 : i32
        %dma_start3A_236 = arith.constant 0 : i32
        %dma_start3A_237 = tpu.memref_slice %arg12[%dma_start3A_235, %dma_start3A_236] : memref<432x32xi32, #tpu.memory_space<vmem>> -> memref<108x32xi32, #tpu.memory_space<vmem>>
        %dma_start3A_238 = arith.constant 0 : i32
        %dma_start3A_239 = tpu.memref_slice %arg10[%dma_start3A_234, %dma_start3A_238] : memref<4x108xi32, #tpu.memory_space<vmem>> -> memref<1x108xi32, #tpu.memory_space<vmem>>
        %dma_start3A_240 = tpu.memref_squeeze %dma_start3A_239 : memref<1x108xi32, #tpu.memory_space<vmem>> -> memref<108xi32, #tpu.memory_space<vmem>>
        %dma_start3A_241 = arith.constant 0 : i32
        %dma_start3A_242 = arith.constant 0 : i32
        %dma_start3A_243 = tpu.memref_slice %arg2[%dma_start3A_241, %dma_start3A_242] : memref<100000x32xi32, #tpu.memory_space<hbm>> -> memref<100000x32xi32, #tpu.memory_space<hbm>>
        tpu.enqueue_indirect_dma source(%dma_start3A_243 : memref<100000x32xi32, #tpu.memory_space<hbm>>) target(%dma_start3A_237 : memref<108x32xi32, #tpu.memory_space<vmem>>) offsets(%dma_start3A_240 : memref<108xi32, #tpu.memory_space<vmem>>) semaphore(%arg19 : memref<!tpu.dma_semaphore, #tpu.memory_space<semaphore_mem>>)
      } else {
      }
      %ge3A = arith.constant 2 : i32
      %ge3A_115 = arith.cmpi sge, %mul3A_97, %ge3A : i32
      %convert_element_type3A_116 = arith.extui %ge3A_115 : i1 to i32
      %cond3A_117 = arith.constant 0 : i32
      %cond3A_118 = arith.cmpi ne, %convert_element_type3A_116, %cond3A_117 : i32
      scf.if %cond3A_118 {
        %dma_wait3A_195 = arith.constant 0 : i32
        %dma_wait3A_196 = arith.constant 0 : i32
        %dma_wait3A_197 = tpu.memref_slice %arg6[%dma_wait3A_195, %dma_wait3A_196] : memref<4096x432xf32, #tpu.memory_space<hbm>> -> memref<1x432xf32, #tpu.memory_space<hbm>>
        %dma_wait3A_198 = tpu.memref_squeeze %dma_wait3A_197 : memref<1x432xf32, #tpu.memory_space<hbm>> -> memref<432xf32, #tpu.memory_space<hbm>>
        %dma_wait3A_199 = arith.constant 0 : i32
        %dma_wait3A_200 = tpu.memref_slice %arg6[%dma_wait3A_195, %dma_wait3A_199] : memref<4096x432xf32, #tpu.memory_space<hbm>> -> memref<1x432xf32, #tpu.memory_space<hbm>>
        %dma_wait3A_201 = tpu.memref_squeeze %dma_wait3A_200 : memref<1x432xf32, #tpu.memory_space<hbm>> -> memref<432xf32, #tpu.memory_space<hbm>>
        tpu.wait_dma2 semaphore(%arg20 : memref<!tpu.dma_semaphore, #tpu.memory_space<semaphore_mem>>) src(%dma_wait3A_201 : memref<432xf32, #tpu.memory_space<hbm>>) dst(%arg13 : memref<432xf32, #tpu.memory_space<vmem>>)
      } else {
      }
      %get3A = arith.index_cast %mul3A_97 : i32 to index
      %get3A_119 = arith.constant 0 : index
      %get3A_120 = tpu.vector_load %arg8[%get3A, %get3A_119] {strides = array<i32>} : memref<128x32xi32, #tpu.memory_space<vmem>>, vector<16xi32>,
      %bitcast3A = vector.bitcast %get3A_120 : vector<16xi32> to vector<32xbf16>
      %unpack3A = tpu.unpack_subelements %bitcast3A, 0 {pack_format = #tpu.pack_format<interleaved>} : vector<32xbf16> -> vector<16xf32>
      %unpack3A_121 = tpu.unpack_subelements %bitcast3A, 1 {pack_format = #tpu.pack_format<interleaved>} : vector<32xbf16> -> vector<16xf32>
      %get3A_122 = arith.index_cast %mul3A_97 : i32 to index
      %get3A_123 = arith.constant 16 : index
      %get3A_124 = tpu.vector_load %arg8[%get3A_122, %get3A_123] {strides = array<i32>} : memref<128x32xi32, #tpu.memory_space<vmem>>, vector<16xi32>,
      %bitcast3A_125 = vector.bitcast %get3A_124 : vector<16xi32> to vector<32xbf16>
      %unpack3A_126 = tpu.unpack_subelements %bitcast3A_125, 0 {pack_format = #tpu.pack_format<interleaved>} : vector<32xbf16> -> vector<16xf32>
      %unpack3A_127 = tpu.unpack_subelements %bitcast3A_125, 1 {pack_format = #tpu.pack_format<interleaved>} : vector<32xbf16> -> vector<16xf32>
      %scan3A_128 = arith.constant 0 : i32
      %scan3A_129 = arith.constant 0 : i32
      %scan3A_130 = arith.constant 27 : i32
      %scan3A_131 = arith.addi %scan3A_129, %scan3A_130 : i32
      %scan3A_132 = arith.constant 1 : i32
      scf.for %scan3A_195 = %scan3A_129 to %scan3A_131 step %scan3A_132  : i32 {
        %mul3A_196 = arith.constant 16 : i32
        %mul3A_197 = arith.muli %scan3A_195, %mul3A_196 : i32
        %add3A_198 = arith.constant 0 : i32
        %add3A_199 = arith.addi %mul3A_197, %add3A_198 : i32
        %get3A_200 = arith.index_cast %add3A_199 : i32 to index
        %get3A_201 = arith.constant 0 : index
        %get3A_202 = tpu.vector_load %arg11[%get3A_200, %get3A_201] {strides = array<i32>} : memref<432x32xi32, #tpu.memory_space<vmem>>, vector<16xi32>,
        %bitcast3A_203 = vector.bitcast %get3A_202 : vector<16xi32> to vector<32xbf16>
        %unpack3A_204 = tpu.unpack_subelements %bitcast3A_203, 0 {pack_format = #tpu.pack_format<interleaved>} : vector<32xbf16> -> vector<16xf32>
        %unpack3A_205 = tpu.unpack_subelements %bitcast3A_203, 1 {pack_format = #tpu.pack_format<interleaved>} : vector<32xbf16> -> vector<16xf32>
        %get3A_206 = arith.index_cast %add3A_199 : i32 to index
        %get3A_207 = arith.constant 16 : index
        %get3A_208 = tpu.vector_load %arg11[%get3A_206, %get3A_207] {strides = array<i32>} : memref<432x32xi32, #tpu.memory_space<vmem>>, vector<16xi32>,
        %bitcast3A_209 = vector.bitcast %get3A_208 : vector<16xi32> to vector<32xbf16>
        %unpack3A_210 = tpu.unpack_subelements %bitcast3A_209, 0 {pack_format = #tpu.pack_format<interleaved>} : vector<32xbf16> -> vector<16xf32>
        %unpack3A_211 = tpu.unpack_subelements %bitcast3A_209, 1 {pack_format = #tpu.pack_format<interleaved>} : vector<32xbf16> -> vector<16xf32>
        %mul3A_212 = arith.mulf %unpack3A_204, %unpack3A : vector<16xf32>
        %mul3A_213 = arith.mulf %unpack3A_205, %unpack3A_121 : vector<16xf32>
        %add3A_214 = arith.addf %mul3A_212, %mul3A_213 : vector<16xf32>
        %mul3A_215 = arith.mulf %unpack3A_210, %unpack3A_126 : vector<16xf32>
        %mul3A_216 = arith.mulf %unpack3A_211, %unpack3A_127 : vector<16xf32>
        %add3A_217 = arith.addf %mul3A_215, %mul3A_216 : vector<16xf32>
        %add3A_218 = arith.addf %add3A_214, %add3A_217 : vector<16xf32>
        %broadcast_in_dim3A = arith.constant true
        %broadcast_in_dim3A_219 = vector.broadcast %broadcast_in_dim3A : i1 to vector<16xi1>
        %masked_cumsum3A = tpu.scan <sum>, %add3A_218 masked %broadcast_in_dim3A_219 : vector<16xf32>, vector<16xi1> -> vector<16xf32>
        %rev3A = arith.constant 15 : i32
        %rev3A_220 = vector.broadcast %rev3A : i32 to vector<16xi32>
        %rev3A_221 = tpu.iota {dimensions = array<i32: 0>} : vector<16xi32>
        %rev3A_222 = arith.subi %rev3A_220, %rev3A_221 : vector<16xi32>
        %rev3A_223 = tpu.dynamic_gather %add3A_218[%rev3A_222] in [0] : vector<16xf32>, vector<16xi32> -> vector<16xf32>
        %broadcast_in_dim3A_224 = arith.constant true
        %broadcast_in_dim3A_225 = vector.broadcast %broadcast_in_dim3A_224 : i1 to vector<16xi1>
        %masked_cumsum3A_226 = tpu.scan <sum>, %rev3A_223 masked %broadcast_in_dim3A_225 : vector<16xf32>, vector<16xi1> -> vector<16xf32>
        %rev3A_227 = arith.constant 15 : i32
        %rev3A_228 = vector.broadcast %rev3A_227 : i32 to vector<16xi32>
        %rev3A_229 = tpu.iota {dimensions = array<i32: 0>} : vector<16xi32>
        %rev3A_230 = arith.subi %rev3A_228, %rev3A_229 : vector<16xi32>
        %rev3A_231 = tpu.dynamic_gather %masked_cumsum3A_226[%rev3A_230] in [0] : vector<16xf32>, vector<16xi32> -> vector<16xf32>
        %add3A_232 = arith.addf %masked_cumsum3A, %rev3A_231 : vector<16xf32>
        %sub3A = arith.subf %add3A_232, %add3A_218 : vector<16xf32>
        %eq3A = arith.constant 0 : i32
        %eq3A_233 = vector.broadcast %eq3A : i32 to vector<16xi32>
        %eq3A_234 = arith.cmpi eq, %iota3A, %eq3A_233 : vector<16xi32>
        %jit3A = arith.constant 0.000000e+00 : f32
        %broadcast_in_dim3A_235 = vector.broadcast %jit3A : f32 to vector<16xf32>
        %select_n3A = arith.select %eq3A_234, %sub3A, %broadcast_in_dim3A_235 : vector<16xi1>, vector<16xf32>
        %mul3A_236 = arith.constant 16 : i32
        %mul3A_237 = arith.muli %scan3A_195, %mul3A_236 : i32
        %add3A_238 = arith.constant 1 : i32
        %add3A_239 = arith.addi %mul3A_237, %add3A_238 : i32
        %get3A_240 = arith.index_cast %add3A_239 : i32 to index
        %get3A_241 = arith.constant 0 : index
        %get3A_242 = tpu.vector_load %arg11[%get3A_240, %get3A_241] {strides = array<i32>} : memref<432x32xi32, #tpu.memory_space<vmem>>, vector<16xi32>,
        %bitcast3A_243 = vector.bitcast %get3A_242 : vector<16xi32> to vector<32xbf16>
        %unpack3A_244 = tpu.unpack_subelements %bitcast3A_243, 0 {pack_format = #tpu.pack_format<interleaved>} : vector<32xbf16> -> vector<16xf32>
        %unpack3A_245 = tpu.unpack_subelements %bitcast3A_243, 1 {pack_format = #tpu.pack_format<interleaved>} : vector<32xbf16> -> vector<16xf32>
        %get3A_246 = arith.index_cast %add3A_239 : i32 to index
        %get3A_247 = arith.constant 16 : index
        %get3A_248 = tpu.vector_load %arg11[%get3A_246, %get3A_247] {strides = array<i32>} : memref<432x32xi32, #tpu.memory_space<vmem>>, vector<16xi32>,
        %bitcast3A_249 = vector.bitcast %get3A_248 : vector<16xi32> to vector<32xbf16>
        %unpack3A_250 = tpu.unpack_subelements %bitcast3A_249, 0 {pack_format = #tpu.pack_format<interleaved>} : vector<32xbf16> -> vector<16xf32>
        %unpack3A_251 = tpu.unpack_subelements %bitcast3A_249, 1 {pack_format = #tpu.pack_format<interleaved>} : vector<32xbf16> -> vector<16xf32>
        %mul3A_252 = arith.mulf %unpack3A_244, %unpack3A : vector<16xf32>
        %mul3A_253 = arith.mulf %unpack3A_245, %unpack3A_121 : vector<16xf32>
        %add3A_254 = arith.addf %mul3A_252, %mul3A_253 : vector<16xf32>
        %mul3A_255 = arith.mulf %unpack3A_250, %unpack3A_126 : vector<16xf32>
        %mul3A_256 = arith.mulf %unpack3A_251, %unpack3A_127 : vector<16xf32>
        %add3A_257 = arith.addf %mul3A_255, %mul3A_256 : vector<16xf32>
        %add3A_258 = arith.addf %add3A_254, %add3A_257 : vector<16xf32>
        %broadcast_in_dim3A_259 = arith.constant true
        %broadcast_in_dim3A_260 = vector.broadcast %broadcast_in_dim3A_259 : i1 to vector<16xi1>
        %masked_cumsum3A_261 = tpu.scan <sum>, %add3A_258 masked %broadcast_in_dim3A_260 : vector<16xf32>, vector<16xi1> -> vector<16xf32>
        %rev3A_262 = arith.constant 15 : i32
        %rev3A_263 = vector.broadcast %rev3A_262 : i32 to vector<16xi32>
        %rev3A_264 = tpu.iota {dimensions = array<i32: 0>} : vector<16xi32>
        %rev3A_265 = arith.subi %rev3A_263, %rev3A_264 : vector<16xi32>
        %rev3A_266 = tpu.dynamic_gather %add3A_258[%rev3A_265] in [0] : vector<16xf32>, vector<16xi32> -> vector<16xf32>
        %broadcast_in_dim3A_267 = arith.constant true
        %broadcast_in_dim3A_268 = vector.broadcast %broadcast_in_dim3A_267 : i1 to vector<16xi1>
        %masked_cumsum3A_269 = tpu.scan <sum>, %rev3A_266 masked %broadcast_in_dim3A_268 : vector<16xf32>, vector<16xi1> -> vector<16xf32>
        %rev3A_270 = arith.constant 15 : i32
        %rev3A_271 = vector.broadcast %rev3A_270 : i32 to vector<16xi32>
        %rev3A_272 = tpu.iota {dimensions = array<i32: 0>} : vector<16xi32>
        %rev3A_273 = arith.subi %rev3A_271, %rev3A_272 : vector<16xi32>
        %rev3A_274 = tpu.dynamic_gather %masked_cumsum3A_269[%rev3A_273] in [0] : vector<16xf32>, vector<16xi32> -> vector<16xf32>
        %add3A_275 = arith.addf %masked_cumsum3A_261, %rev3A_274 : vector<16xf32>
        %sub3A_276 = arith.subf %add3A_275, %add3A_258 : vector<16xf32>
        %eq3A_277 = arith.constant 1 : i32
        %eq3A_278 = vector.broadcast %eq3A_277 : i32 to vector<16xi32>
        %eq3A_279 = arith.cmpi eq, %iota3A, %eq3A_278 : vector<16xi32>
        %jit3A_280 = arith.constant 0.000000e+00 : f32
        %broadcast_in_dim3A_281 = vector.broadcast %jit3A_280 : f32 to vector<16xf32>
        %select_n3A_282 = arith.select %eq3A_279, %sub3A_276, %broadcast_in_dim3A_281 : vector<16xi1>, vector<16xf32>
        %mul3A_283 = arith.constant 16 : i32
        %mul3A_284 = arith.muli %scan3A_195, %mul3A_283 : i32
        %add3A_285 = arith.constant 2 : i32
        %add3A_286 = arith.addi %mul3A_284, %add3A_285 : i32
        %get3A_287 = arith.index_cast %add3A_286 : i32 to index
        %get3A_288 = arith.constant 0 : index
        %get3A_289 = tpu.vector_load %arg11[%get3A_287, %get3A_288] {strides = array<i32>} : memref<432x32xi32, #tpu.memory_space<vmem>>, vector<16xi32>,
        %bitcast3A_290 = vector.bitcast %get3A_289 : vector<16xi32> to vector<32xbf16>
        %unpack3A_291 = tpu.unpack_subelements %bitcast3A_290, 0 {pack_format = #tpu.pack_format<interleaved>} : vector<32xbf16> -> vector<16xf32>
        %unpack3A_292 = tpu.unpack_subelements %bitcast3A_290, 1 {pack_format = #tpu.pack_format<interleaved>} : vector<32xbf16> -> vector<16xf32>
        %get3A_293 = arith.index_cast %add3A_286 : i32 to index
        %get3A_294 = arith.constant 16 : index
        %get3A_295 = tpu.vector_load %arg11[%get3A_293, %get3A_294] {strides = array<i32>} : memref<432x32xi32, #tpu.memory_space<vmem>>, vector<16xi32>,
        %bitcast3A_296 = vector.bitcast %get3A_295 : vector<16xi32> to vector<32xbf16>
        %unpack3A_297 = tpu.unpack_subelements %bitcast3A_296, 0 {pack_format = #tpu.pack_format<interleaved>} : vector<32xbf16> -> vector<16xf32>
        %unpack3A_298 = tpu.unpack_subelements %bitcast3A_296, 1 {pack_format = #tpu.pack_format<interleaved>} : vector<32xbf16> -> vector<16xf32>
        %mul3A_299 = arith.mulf %unpack3A_291, %unpack3A : vector<16xf32>
        %mul3A_300 = arith.mulf %unpack3A_292, %unpack3A_121 : vector<16xf32>
        %add3A_301 = arith.addf %mul3A_299, %mul3A_300 : vector<16xf32>
        %mul3A_302 = arith.mulf %unpack3A_297, %unpack3A_126 : vector<16xf32>
        %mul3A_303 = arith.mulf %unpack3A_298, %unpack3A_127 : vector<16xf32>
        %add3A_304 = arith.addf %mul3A_302, %mul3A_303 : vector<16xf32>
        %add3A_305 = arith.addf %add3A_301, %add3A_304 : vector<16xf32>
        %broadcast_in_dim3A_306 = arith.constant true
        %broadcast_in_dim3A_307 = vector.broadcast %broadcast_in_dim3A_306 : i1 to vector<16xi1>
        %masked_cumsum3A_308 = tpu.scan <sum>, %add3A_305 masked %broadcast_in_dim3A_307 : vector<16xf32>, vector<16xi1> -> vector<16xf32>
        %rev3A_309 = arith.constant 15 : i32
        %rev3A_310 = vector.broadcast %rev3A_309 : i32 to vector<16xi32>
        %rev3A_311 = tpu.iota {dimensions = array<i32: 0>} : vector<16xi32>
        %rev3A_312 = arith.subi %rev3A_310, %rev3A_311 : vector<16xi32>
        %rev3A_313 = tpu.dynamic_gather %add3A_305[%rev3A_312] in [0] : vector<16xf32>, vector<16xi32> -> vector<16xf32>
        %broadcast_in_dim3A_314 = arith.constant true
        %broadcast_in_dim3A_315 = vector.broadcast %broadcast_in_dim3A_314 : i1 to vector<16xi1>
        %masked_cumsum3A_316 = tpu.scan <sum>, %rev3A_313 masked %broadcast_in_dim3A_315 : vector<16xf32>, vector<16xi1> -> vector<16xf32>
        %rev3A_317 = arith.constant 15 : i32
        %rev3A_318 = vector.broadcast %rev3A_317 : i32 to vector<16xi32>
        %rev3A_319 = tpu.iota {dimensions = array<i32: 0>} : vector<16xi32>
        %rev3A_320 = arith.subi %rev3A_318, %rev3A_319 : vector<16xi32>
        %rev3A_321 = tpu.dynamic_gather %masked_cumsum3A_316[%rev3A_320] in [0] : vector<16xf32>, vector<16xi32> -> vector<16xf32>
        %add3A_322 = arith.addf %masked_cumsum3A_308, %rev3A_321 : vector<16xf32>
        %sub3A_323 = arith.subf %add3A_322, %add3A_305 : vector<16xf32>
        %eq3A_324 = arith.constant 2 : i32
        %eq3A_325 = vector.broadcast %eq3A_324 : i32 to vector<16xi32>
        %eq3A_326 = arith.cmpi eq, %iota3A, %eq3A_325 : vector<16xi32>
        %jit3A_327 = arith.constant 0.000000e+00 : f32
        %broadcast_in_dim3A_328 = vector.broadcast %jit3A_327 : f32 to vector<16xf32>
        %select_n3A_329 = arith.select %eq3A_326, %sub3A_323, %broadcast_in_dim3A_328 : vector<16xi1>, vector<16xf32>
        %mul3A_330 = arith.constant 16 : i32
        %mul3A_331 = arith.muli %scan3A_195, %mul3A_330 : i32
        %add3A_332 = arith.constant 3 : i32
        %add3A_333 = arith.addi %mul3A_331, %add3A_332 : i32
        %get3A_334 = arith.index_cast %add3A_333 : i32 to index
        %get3A_335 = arith.constant 0 : index
        %get3A_336 = tpu.vector_load %arg11[%get3A_334, %get3A_335] {strides = array<i32>} : memref<432x32xi32, #tpu.memory_space<vmem>>, vector<16xi32>,
        %bitcast3A_337 = vector.bitcast %get3A_336 : vector<16xi32> to vector<32xbf16>
        %unpack3A_338 = tpu.unpack_subelements %bitcast3A_337, 0 {pack_format = #tpu.pack_format<interleaved>} : vector<32xbf16> -> vector<16xf32>
        %unpack3A_339 = tpu.unpack_subelements %bitcast3A_337, 1 {pack_format = #tpu.pack_format<interleaved>} : vector<32xbf16> -> vector<16xf32>
        %get3A_340 = arith.index_cast %add3A_333 : i32 to index
        %get3A_341 = arith.constant 16 : index
        %get3A_342 = tpu.vector_load %arg11[%get3A_340, %get3A_341] {strides = array<i32>} : memref<432x32xi32, #tpu.memory_space<vmem>>, vector<16xi32>,
        %bitcast3A_343 = vector.bitcast %get3A_342 : vector<16xi32> to vector<32xbf16>
        %unpack3A_344 = tpu.unpack_subelements %bitcast3A_343, 0 {pack_format = #tpu.pack_format<interleaved>} : vector<32xbf16> -> vector<16xf32>
        %unpack3A_345 = tpu.unpack_subelements %bitcast3A_343, 1 {pack_format = #tpu.pack_format<interleaved>} : vector<32xbf16> -> vector<16xf32>
        %mul3A_346 = arith.mulf %unpack3A_338, %unpack3A : vector<16xf32>
        %mul3A_347 = arith.mulf %unpack3A_339, %unpack3A_121 : vector<16xf32>
        %add3A_348 = arith.addf %mul3A_346, %mul3A_347 : vector<16xf32>
        %mul3A_349 = arith.mulf %unpack3A_344, %unpack3A_126 : vector<16xf32>
        %mul3A_350 = arith.mulf %unpack3A_345, %unpack3A_127 : vector<16xf32>
        %add3A_351 = arith.addf %mul3A_349, %mul3A_350 : vector<16xf32>
        %add3A_352 = arith.addf %add3A_348, %add3A_351 : vector<16xf32>
        %broadcast_in_dim3A_353 = arith.constant true
        %broadcast_in_dim3A_354 = vector.broadcast %broadcast_in_dim3A_353 : i1 to vector<16xi1>
        %masked_cumsum3A_355 = tpu.scan <sum>, %add3A_352 masked %broadcast_in_dim3A_354 : vector<16xf32>, vector<16xi1> -> vector<16xf32>
        %rev3A_356 = arith.constant 15 : i32
        %rev3A_357 = vector.broadcast %rev3A_356 : i32 to vector<16xi32>
        %rev3A_358 = tpu.iota {dimensions = array<i32: 0>} : vector<16xi32>
        %rev3A_359 = arith.subi %rev3A_357, %rev3A_358 : vector<16xi32>
        %rev3A_360 = tpu.dynamic_gather %add3A_352[%rev3A_359] in [0] : vector<16xf32>, vector<16xi32> -> vector<16xf32>
        %broadcast_in_dim3A_361 = arith.constant true
        %broadcast_in_dim3A_362 = vector.broadcast %broadcast_in_dim3A_361 : i1 to vector<16xi1>
        %masked_cumsum3A_363 = tpu.scan <sum>, %rev3A_360 masked %broadcast_in_dim3A_362 : vector<16xf32>, vector<16xi1> -> vector<16xf32>
        %rev3A_364 = arith.constant 15 : i32
        %rev3A_365 = vector.broadcast %rev3A_364 : i32 to vector<16xi32>
        %rev3A_366 = tpu.iota {dimensions = array<i32: 0>} : vector<16xi32>
        %rev3A_367 = arith.subi %rev3A_365, %rev3A_366 : vector<16xi32>
        %rev3A_368 = tpu.dynamic_gather %masked_cumsum3A_363[%rev3A_367] in [0] : vector<16xf32>, vector<16xi32> -> vector<16xf32>
        %add3A_369 = arith.addf %masked_cumsum3A_355, %rev3A_368 : vector<16xf32>
        %sub3A_370 = arith.subf %add3A_369, %add3A_352 : vector<16xf32>
        %eq3A_371 = arith.constant 3 : i32
        %eq3A_372 = vector.broadcast %eq3A_371 : i32 to vector<16xi32>
        %eq3A_373 = arith.cmpi eq, %iota3A, %eq3A_372 : vector<16xi32>
        %jit3A_374 = arith.constant 0.000000e+00 : f32
        %broadcast_in_dim3A_375 = vector.broadcast %jit3A_374 : f32 to vector<16xf32>
        %select_n3A_376 = arith.select %eq3A_373, %sub3A_370, %broadcast_in_dim3A_375 : vector<16xi1>, vector<16xf32>
        %mul3A_377 = arith.constant 16 : i32
        %mul3A_378 = arith.muli %scan3A_195, %mul3A_377 : i32
        %add3A_379 = arith.constant 4 : i32
        %add3A_380 = arith.addi %mul3A_378, %add3A_379 : i32
        %get3A_381 = arith.index_cast %add3A_380 : i32 to index
        %get3A_382 = arith.constant 0 : index
        %get3A_383 = tpu.vector_load %arg11[%get3A_381, %get3A_382] {strides = array<i32>} : memref<432x32xi32, #tpu.memory_space<vmem>>, vector<16xi32>,
        %bitcast3A_384 = vector.bitcast %get3A_383 : vector<16xi32> to vector<32xbf16>
        %unpack3A_385 = tpu.unpack_subelements %bitcast3A_384, 0 {pack_format = #tpu.pack_format<interleaved>} : vector<32xbf16> -> vector<16xf32>
        %unpack3A_386 = tpu.unpack_subelements %bitcast3A_384, 1 {pack_format = #tpu.pack_format<interleaved>} : vector<32xbf16> -> vector<16xf32>
        %get3A_387 = arith.index_cast %add3A_380 : i32 to index
        %get3A_388 = arith.constant 16 : index
        %get3A_389 = tpu.vector_load %arg11[%get3A_387, %get3A_388] {strides = array<i32>} : memref<432x32xi32, #tpu.memory_space<vmem>>, vector<16xi32>,
        %bitcast3A_390 = vector.bitcast %get3A_389 : vector<16xi32> to vector<32xbf16>
        %unpack3A_391 = tpu.unpack_subelements %bitcast3A_390, 0 {pack_format = #tpu.pack_format<interleaved>} : vector<32xbf16> -> vector<16xf32>
        %unpack3A_392 = tpu.unpack_subelements %bitcast3A_390, 1 {pack_format = #tpu.pack_format<interleaved>} : vector<32xbf16> -> vector<16xf32>
        %mul3A_393 = arith.mulf %unpack3A_385, %unpack3A : vector<16xf32>
        %mul3A_394 = arith.mulf %unpack3A_386, %unpack3A_121 : vector<16xf32>
        %add3A_395 = arith.addf %mul3A_393, %mul3A_394 : vector<16xf32>
        %mul3A_396 = arith.mulf %unpack3A_391, %unpack3A_126 : vector<16xf32>
        %mul3A_397 = arith.mulf %unpack3A_392, %unpack3A_127 : vector<16xf32>
        %add3A_398 = arith.addf %mul3A_396, %mul3A_397 : vector<16xf32>
        %add3A_399 = arith.addf %add3A_395, %add3A_398 : vector<16xf32>
        %broadcast_in_dim3A_400 = arith.constant true
        %broadcast_in_dim3A_401 = vector.broadcast %broadcast_in_dim3A_400 : i1 to vector<16xi1>
        %masked_cumsum3A_402 = tpu.scan <sum>, %add3A_399 masked %broadcast_in_dim3A_401 : vector<16xf32>, vector<16xi1> -> vector<16xf32>
        %rev3A_403 = arith.constant 15 : i32
        %rev3A_404 = vector.broadcast %rev3A_403 : i32 to vector<16xi32>
        %rev3A_405 = tpu.iota {dimensions = array<i32: 0>} : vector<16xi32>
        %rev3A_406 = arith.subi %rev3A_404, %rev3A_405 : vector<16xi32>
        %rev3A_407 = tpu.dynamic_gather %add3A_399[%rev3A_406] in [0] : vector<16xf32>, vector<16xi32> -> vector<16xf32>
        %broadcast_in_dim3A_408 = arith.constant true
        %broadcast_in_dim3A_409 = vector.broadcast %broadcast_in_dim3A_408 : i1 to vector<16xi1>
        %masked_cumsum3A_410 = tpu.scan <sum>, %rev3A_407 masked %broadcast_in_dim3A_409 : vector<16xf32>, vector<16xi1> -> vector<16xf32>
        %rev3A_411 = arith.constant 15 : i32
        %rev3A_412 = vector.broadcast %rev3A_411 : i32 to vector<16xi32>
        %rev3A_413 = tpu.iota {dimensions = array<i32: 0>} : vector<16xi32>
        %rev3A_414 = arith.subi %rev3A_412, %rev3A_413 : vector<16xi32>
        %rev3A_415 = tpu.dynamic_gather %masked_cumsum3A_410[%rev3A_414] in [0] : vector<16xf32>, vector<16xi32> -> vector<16xf32>
        %add3A_416 = arith.addf %masked_cumsum3A_402, %rev3A_415 : vector<16xf32>
        %sub3A_417 = arith.subf %add3A_416, %add3A_399 : vector<16xf32>
        %eq3A_418 = arith.constant 4 : i32
        %eq3A_419 = vector.broadcast %eq3A_418 : i32 to vector<16xi32>
        %eq3A_420 = arith.cmpi eq, %iota3A, %eq3A_419 : vector<16xi32>
        %jit3A_421 = arith.constant 0.000000e+00 : f32
        %broadcast_in_dim3A_422 = vector.broadcast %jit3A_421 : f32 to vector<16xf32>
        %select_n3A_423 = arith.select %eq3A_420, %sub3A_417, %broadcast_in_dim3A_422 : vector<16xi1>, vector<16xf32>
        %mul3A_424 = arith.constant 16 : i32
        %mul3A_425 = arith.muli %scan3A_195, %mul3A_424 : i32
        %add3A_426 = arith.constant 5 : i32
        %add3A_427 = arith.addi %mul3A_425, %add3A_426 : i32
        %get3A_428 = arith.index_cast %add3A_427 : i32 to index
        %get3A_429 = arith.constant 0 : index
        %get3A_430 = tpu.vector_load %arg11[%get3A_428, %get3A_429] {strides = array<i32>} : memref<432x32xi32, #tpu.memory_space<vmem>>, vector<16xi32>,
        %bitcast3A_431 = vector.bitcast %get3A_430 : vector<16xi32> to vector<32xbf16>
        %unpack3A_432 = tpu.unpack_subelements %bitcast3A_431, 0 {pack_format = #tpu.pack_format<interleaved>} : vector<32xbf16> -> vector<16xf32>
        %unpack3A_433 = tpu.unpack_subelements %bitcast3A_431, 1 {pack_format = #tpu.pack_format<interleaved>} : vector<32xbf16> -> vector<16xf32>
        %get3A_434 = arith.index_cast %add3A_427 : i32 to index
        %get3A_435 = arith.constant 16 : index
        %get3A_436 = tpu.vector_load %arg11[%get3A_434, %get3A_435] {strides = array<i32>} : memref<432x32xi32, #tpu.memory_space<vmem>>, vector<16xi32>,
        %bitcast3A_437 = vector.bitcast %get3A_436 : vector<16xi32> to vector<32xbf16>
        %unpack3A_438 = tpu.unpack_subelements %bitcast3A_437, 0 {pack_format = #tpu.pack_format<interleaved>} : vector<32xbf16> -> vector<16xf32>
        %unpack3A_439 = tpu.unpack_subelements %bitcast3A_437, 1 {pack_format = #tpu.pack_format<interleaved>} : vector<32xbf16> -> vector<16xf32>
        %mul3A_440 = arith.mulf %unpack3A_432, %unpack3A : vector<16xf32>
        %mul3A_441 = arith.mulf %unpack3A_433, %unpack3A_121 : vector<16xf32>
        %add3A_442 = arith.addf %mul3A_440, %mul3A_441 : vector<16xf32>
        %mul3A_443 = arith.mulf %unpack3A_438, %unpack3A_126 : vector<16xf32>
        %mul3A_444 = arith.mulf %unpack3A_439, %unpack3A_127 : vector<16xf32>
        %add3A_445 = arith.addf %mul3A_443, %mul3A_444 : vector<16xf32>
        %add3A_446 = arith.addf %add3A_442, %add3A_445 : vector<16xf32>
        %broadcast_in_dim3A_447 = arith.constant true
        %broadcast_in_dim3A_448 = vector.broadcast %broadcast_in_dim3A_447 : i1 to vector<16xi1>
        %masked_cumsum3A_449 = tpu.scan <sum>, %add3A_446 masked %broadcast_in_dim3A_448 : vector<16xf32>, vector<16xi1> -> vector<16xf32>
        %rev3A_450 = arith.constant 15 : i32
        %rev3A_451 = vector.broadcast %rev3A_450 : i32 to vector<16xi32>
        %rev3A_452 = tpu.iota {dimensions = array<i32: 0>} : vector<16xi32>
        %rev3A_453 = arith.subi %rev3A_451, %rev3A_452 : vector<16xi32>
        %rev3A_454 = tpu.dynamic_gather %add3A_446[%rev3A_453] in [0] : vector<16xf32>, vector<16xi32> -> vector<16xf32>
        %broadcast_in_dim3A_455 = arith.constant true
        %broadcast_in_dim3A_456 = vector.broadcast %broadcast_in_dim3A_455 : i1 to vector<16xi1>
        %masked_cumsum3A_457 = tpu.scan <sum>, %rev3A_454 masked %broadcast_in_dim3A_456 : vector<16xf32>, vector<16xi1> -> vector<16xf32>
        %rev3A_458 = arith.constant 15 : i32
        %rev3A_459 = vector.broadcast %rev3A_458 : i32 to vector<16xi32>
        %rev3A_460 = tpu.iota {dimensions = array<i32: 0>} : vector<16xi32>
        %rev3A_461 = arith.subi %rev3A_459, %rev3A_460 : vector<16xi32>
        %rev3A_462 = tpu.dynamic_gather %masked_cumsum3A_457[%rev3A_461] in [0] : vector<16xf32>, vector<16xi32> -> vector<16xf32>
        %add3A_463 = arith.addf %masked_cumsum3A_449, %rev3A_462 : vector<16xf32>
        %sub3A_464 = arith.subf %add3A_463, %add3A_446 : vector<16xf32>
        %eq3A_465 = arith.constant 5 : i32
        %eq3A_466 = vector.broadcast %eq3A_465 : i32 to vector<16xi32>
        %eq3A_467 = arith.cmpi eq, %iota3A, %eq3A_466 : vector<16xi32>
        %jit3A_468 = arith.constant 0.000000e+00 : f32
        %broadcast_in_dim3A_469 = vector.broadcast %jit3A_468 : f32 to vector<16xf32>
        %select_n3A_470 = arith.select %eq3A_467, %sub3A_464, %broadcast_in_dim3A_469 : vector<16xi1>, vector<16xf32>
        %mul3A_471 = arith.constant 16 : i32
        %mul3A_472 = arith.muli %scan3A_195, %mul3A_471 : i32
        %add3A_473 = arith.constant 6 : i32
        %add3A_474 = arith.addi %mul3A_472, %add3A_473 : i32
        %get3A_475 = arith.index_cast %add3A_474 : i32 to index
        %get3A_476 = arith.constant 0 : index
        %get3A_477 = tpu.vector_load %arg11[%get3A_475, %get3A_476] {strides = array<i32>} : memref<432x32xi32, #tpu.memory_space<vmem>>, vector<16xi32>,
        %bitcast3A_478 = vector.bitcast %get3A_477 : vector<16xi32> to vector<32xbf16>
        %unpack3A_479 = tpu.unpack_subelements %bitcast3A_478, 0 {pack_format = #tpu.pack_format<interleaved>} : vector<32xbf16> -> vector<16xf32>
        %unpack3A_480 = tpu.unpack_subelements %bitcast3A_478, 1 {pack_format = #tpu.pack_format<interleaved>} : vector<32xbf16> -> vector<16xf32>
        %get3A_481 = arith.index_cast %add3A_474 : i32 to index
        %get3A_482 = arith.constant 16 : index
        %get3A_483 = tpu.vector_load %arg11[%get3A_481, %get3A_482] {strides = array<i32>} : memref<432x32xi32, #tpu.memory_space<vmem>>, vector<16xi32>,
        %bitcast3A_484 = vector.bitcast %get3A_483 : vector<16xi32> to vector<32xbf16>
        %unpack3A_485 = tpu.unpack_subelements %bitcast3A_484, 0 {pack_format = #tpu.pack_format<interleaved>} : vector<32xbf16> -> vector<16xf32>
        %unpack3A_486 = tpu.unpack_subelements %bitcast3A_484, 1 {pack_format = #tpu.pack_format<interleaved>} : vector<32xbf16> -> vector<16xf32>
        %mul3A_487 = arith.mulf %unpack3A_479, %unpack3A : vector<16xf32>
        %mul3A_488 = arith.mulf %unpack3A_480, %unpack3A_121 : vector<16xf32>
        %add3A_489 = arith.addf %mul3A_487, %mul3A_488 : vector<16xf32>
        %mul3A_490 = arith.mulf %unpack3A_485, %unpack3A_126 : vector<16xf32>
        %mul3A_491 = arith.mulf %unpack3A_486, %unpack3A_127 : vector<16xf32>
        %add3A_492 = arith.addf %mul3A_490, %mul3A_491 : vector<16xf32>
        %add3A_493 = arith.addf %add3A_489, %add3A_492 : vector<16xf32>
        %broadcast_in_dim3A_494 = arith.constant true
        %broadcast_in_dim3A_495 = vector.broadcast %broadcast_in_dim3A_494 : i1 to vector<16xi1>
        %masked_cumsum3A_496 = tpu.scan <sum>, %add3A_493 masked %broadcast_in_dim3A_495 : vector<16xf32>, vector<16xi1> -> vector<16xf32>
        %rev3A_497 = arith.constant 15 : i32
        %rev3A_498 = vector.broadcast %rev3A_497 : i32 to vector<16xi32>
        %rev3A_499 = tpu.iota {dimensions = array<i32: 0>} : vector<16xi32>
        %rev3A_500 = arith.subi %rev3A_498, %rev3A_499 : vector<16xi32>
        %rev3A_501 = tpu.dynamic_gather %add3A_493[%rev3A_500] in [0] : vector<16xf32>, vector<16xi32> -> vector<16xf32>
        %broadcast_in_dim3A_502 = arith.constant true
        %broadcast_in_dim3A_503 = vector.broadcast %broadcast_in_dim3A_502 : i1 to vector<16xi1>
        %masked_cumsum3A_504 = tpu.scan <sum>, %rev3A_501 masked %broadcast_in_dim3A_503 : vector<16xf32>, vector<16xi1> -> vector<16xf32>
        %rev3A_505 = arith.constant 15 : i32
        %rev3A_506 = vector.broadcast %rev3A_505 : i32 to vector<16xi32>
        %rev3A_507 = tpu.iota {dimensions = array<i32: 0>} : vector<16xi32>
        %rev3A_508 = arith.subi %rev3A_506, %rev3A_507 : vector<16xi32>
        %rev3A_509 = tpu.dynamic_gather %masked_cumsum3A_504[%rev3A_508] in [0] : vector<16xf32>, vector<16xi32> -> vector<16xf32>
        %add3A_510 = arith.addf %masked_cumsum3A_496, %rev3A_509 : vector<16xf32>
        %sub3A_511 = arith.subf %add3A_510, %add3A_493 : vector<16xf32>
        %eq3A_512 = arith.constant 6 : i32
        %eq3A_513 = vector.broadcast %eq3A_512 : i32 to vector<16xi32>
        %eq3A_514 = arith.cmpi eq, %iota3A, %eq3A_513 : vector<16xi32>
        %jit3A_515 = arith.constant 0.000000e+00 : f32
        %broadcast_in_dim3A_516 = vector.broadcast %jit3A_515 : f32 to vector<16xf32>
        %select_n3A_517 = arith.select %eq3A_514, %sub3A_511, %broadcast_in_dim3A_516 : vector<16xi1>, vector<16xf32>
        %mul3A_518 = arith.constant 16 : i32
        %mul3A_519 = arith.muli %scan3A_195, %mul3A_518 : i32
        %add3A_520 = arith.constant 7 : i32
        %add3A_521 = arith.addi %mul3A_519, %add3A_520 : i32
        %get3A_522 = arith.index_cast %add3A_521 : i32 to index
        %get3A_523 = arith.constant 0 : index
        %get3A_524 = tpu.vector_load %arg11[%get3A_522, %get3A_523] {strides = array<i32>} : memref<432x32xi32, #tpu.memory_space<vmem>>, vector<16xi32>,
        %bitcast3A_525 = vector.bitcast %get3A_524 : vector<16xi32> to vector<32xbf16>
        %unpack3A_526 = tpu.unpack_subelements %bitcast3A_525, 0 {pack_format = #tpu.pack_format<interleaved>} : vector<32xbf16> -> vector<16xf32>
        %unpack3A_527 = tpu.unpack_subelements %bitcast3A_525, 1 {pack_format = #tpu.pack_format<interleaved>} : vector<32xbf16> -> vector<16xf32>
        %get3A_528 = arith.index_cast %add3A_521 : i32 to index
        %get3A_529 = arith.constant 16 : index
        %get3A_530 = tpu.vector_load %arg11[%get3A_528, %get3A_529] {strides = array<i32>} : memref<432x32xi32, #tpu.memory_space<vmem>>, vector<16xi32>,
        %bitcast3A_531 = vector.bitcast %get3A_530 : vector<16xi32> to vector<32xbf16>
        %unpack3A_532 = tpu.unpack_subelements %bitcast3A_531, 0 {pack_format = #tpu.pack_format<interleaved>} : vector<32xbf16> -> vector<16xf32>
        %unpack3A_533 = tpu.unpack_subelements %bitcast3A_531, 1 {pack_format = #tpu.pack_format<interleaved>} : vector<32xbf16> -> vector<16xf32>
        %mul3A_534 = arith.mulf %unpack3A_526, %unpack3A : vector<16xf32>
        %mul3A_535 = arith.mulf %unpack3A_527, %unpack3A_121 : vector<16xf32>
        %add3A_536 = arith.addf %mul3A_534, %mul3A_535 : vector<16xf32>
        %mul3A_537 = arith.mulf %unpack3A_532, %unpack3A_126 : vector<16xf32>
        %mul3A_538 = arith.mulf %unpack3A_533, %unpack3A_127 : vector<16xf32>
        %add3A_539 = arith.addf %mul3A_537, %mul3A_538 : vector<16xf32>
        %add3A_540 = arith.addf %add3A_536, %add3A_539 : vector<16xf32>
        %broadcast_in_dim3A_541 = arith.constant true
        %broadcast_in_dim3A_542 = vector.broadcast %broadcast_in_dim3A_541 : i1 to vector<16xi1>
        %masked_cumsum3A_543 = tpu.scan <sum>, %add3A_540 masked %broadcast_in_dim3A_542 : vector<16xf32>, vector<16xi1> -> vector<16xf32>
        %rev3A_544 = arith.constant 15 : i32
        %rev3A_545 = vector.broadcast %rev3A_544 : i32 to vector<16xi32>
        %rev3A_546 = tpu.iota {dimensions = array<i32: 0>} : vector<16xi32>
        %rev3A_547 = arith.subi %rev3A_545, %rev3A_546 : vector<16xi32>
        %rev3A_548 = tpu.dynamic_gather %add3A_540[%rev3A_547] in [0] : vector<16xf32>, vector<16xi32> -> vector<16xf32>
        %broadcast_in_dim3A_549 = arith.constant true
        %broadcast_in_dim3A_550 = vector.broadcast %broadcast_in_dim3A_549 : i1 to vector<16xi1>
        %masked_cumsum3A_551 = tpu.scan <sum>, %rev3A_548 masked %broadcast_in_dim3A_550 : vector<16xf32>, vector<16xi1> -> vector<16xf32>
        %rev3A_552 = arith.constant 15 : i32
        %rev3A_553 = vector.broadcast %rev3A_552 : i32 to vector<16xi32>
        %rev3A_554 = tpu.iota {dimensions = array<i32: 0>} : vector<16xi32>
        %rev3A_555 = arith.subi %rev3A_553, %rev3A_554 : vector<16xi32>
        %rev3A_556 = tpu.dynamic_gather %masked_cumsum3A_551[%rev3A_555] in [0] : vector<16xf32>, vector<16xi32> -> vector<16xf32>
        %add3A_557 = arith.addf %masked_cumsum3A_543, %rev3A_556 : vector<16xf32>
        %sub3A_558 = arith.subf %add3A_557, %add3A_540 : vector<16xf32>
        %eq3A_559 = arith.constant 7 : i32
        %eq3A_560 = vector.broadcast %eq3A_559 : i32 to vector<16xi32>
        %eq3A_561 = arith.cmpi eq, %iota3A, %eq3A_560 : vector<16xi32>
        %jit3A_562 = arith.constant 0.000000e+00 : f32
        %broadcast_in_dim3A_563 = vector.broadcast %jit3A_562 : f32 to vector<16xf32>
        %select_n3A_564 = arith.select %eq3A_561, %sub3A_558, %broadcast_in_dim3A_563 : vector<16xi1>, vector<16xf32>
        %mul3A_565 = arith.constant 16 : i32
        %mul3A_566 = arith.muli %scan3A_195, %mul3A_565 : i32
        %add3A_567 = arith.constant 8 : i32
        %add3A_568 = arith.addi %mul3A_566, %add3A_567 : i32
        %get3A_569 = arith.index_cast %add3A_568 : i32 to index
        %get3A_570 = arith.constant 0 : index
        %get3A_571 = tpu.vector_load %arg11[%get3A_569, %get3A_570] {strides = array<i32>} : memref<432x32xi32, #tpu.memory_space<vmem>>, vector<16xi32>,
        %bitcast3A_572 = vector.bitcast %get3A_571 : vector<16xi32> to vector<32xbf16>
        %unpack3A_573 = tpu.unpack_subelements %bitcast3A_572, 0 {pack_format = #tpu.pack_format<interleaved>} : vector<32xbf16> -> vector<16xf32>
        %unpack3A_574 = tpu.unpack_subelements %bitcast3A_572, 1 {pack_format = #tpu.pack_format<interleaved>} : vector<32xbf16> -> vector<16xf32>
        %get3A_575 = arith.index_cast %add3A_568 : i32 to index
        %get3A_576 = arith.constant 16 : index
        %get3A_577 = tpu.vector_load %arg11[%get3A_575, %get3A_576] {strides = array<i32>} : memref<432x32xi32, #tpu.memory_space<vmem>>, vector<16xi32>,
        %bitcast3A_578 = vector.bitcast %get3A_577 : vector<16xi32> to vector<32xbf16>
        %unpack3A_579 = tpu.unpack_subelements %bitcast3A_578, 0 {pack_format = #tpu.pack_format<interleaved>} : vector<32xbf16> -> vector<16xf32>
        %unpack3A_580 = tpu.unpack_subelements %bitcast3A_578, 1 {pack_format = #tpu.pack_format<interleaved>} : vector<32xbf16> -> vector<16xf32>
        %mul3A_581 = arith.mulf %unpack3A_573, %unpack3A : vector<16xf32>
        %mul3A_582 = arith.mulf %unpack3A_574, %unpack3A_121 : vector<16xf32>
        %add3A_583 = arith.addf %mul3A_581, %mul3A_582 : vector<16xf32>
        %mul3A_584 = arith.mulf %unpack3A_579, %unpack3A_126 : vector<16xf32>
        %mul3A_585 = arith.mulf %unpack3A_580, %unpack3A_127 : vector<16xf32>
        %add3A_586 = arith.addf %mul3A_584, %mul3A_585 : vector<16xf32>
        %add3A_587 = arith.addf %add3A_583, %add3A_586 : vector<16xf32>
        %broadcast_in_dim3A_588 = arith.constant true
        %broadcast_in_dim3A_589 = vector.broadcast %broadcast_in_dim3A_588 : i1 to vector<16xi1>
        %masked_cumsum3A_590 = tpu.scan <sum>, %add3A_587 masked %broadcast_in_dim3A_589 : vector<16xf32>, vector<16xi1> -> vector<16xf32>
        %rev3A_591 = arith.constant 15 : i32
        %rev3A_592 = vector.broadcast %rev3A_591 : i32 to vector<16xi32>
        %rev3A_593 = tpu.iota {dimensions = array<i32: 0>} : vector<16xi32>
        %rev3A_594 = arith.subi %rev3A_592, %rev3A_593 : vector<16xi32>
        %rev3A_595 = tpu.dynamic_gather %add3A_587[%rev3A_594] in [0] : vector<16xf32>, vector<16xi32> -> vector<16xf32>
        %broadcast_in_dim3A_596 = arith.constant true
        %broadcast_in_dim3A_597 = vector.broadcast %broadcast_in_dim3A_596 : i1 to vector<16xi1>
        %masked_cumsum3A_598 = tpu.scan <sum>, %rev3A_595 masked %broadcast_in_dim3A_597 : vector<16xf32>, vector<16xi1> -> vector<16xf32>
        %rev3A_599 = arith.constant 15 : i32
        %rev3A_600 = vector.broadcast %rev3A_599 : i32 to vector<16xi32>
        %rev3A_601 = tpu.iota {dimensions = array<i32: 0>} : vector<16xi32>
        %rev3A_602 = arith.subi %rev3A_600, %rev3A_601 : vector<16xi32>
        %rev3A_603 = tpu.dynamic_gather %masked_cumsum3A_598[%rev3A_602] in [0] : vector<16xf32>, vector<16xi32> -> vector<16xf32>
        %add3A_604 = arith.addf %masked_cumsum3A_590, %rev3A_603 : vector<16xf32>
        %sub3A_605 = arith.subf %add3A_604, %add3A_587 : vector<16xf32>
        %eq3A_606 = arith.constant 8 : i32
        %eq3A_607 = vector.broadcast %eq3A_606 : i32 to vector<16xi32>
        %eq3A_608 = arith.cmpi eq, %iota3A, %eq3A_607 : vector<16xi32>
        %jit3A_609 = arith.constant 0.000000e+00 : f32
        %broadcast_in_dim3A_610 = vector.broadcast %jit3A_609 : f32 to vector<16xf32>
        %select_n3A_611 = arith.select %eq3A_608, %sub3A_605, %broadcast_in_dim3A_610 : vector<16xi1>, vector<16xf32>
        %mul3A_612 = arith.constant 16 : i32
        %mul3A_613 = arith.muli %scan3A_195, %mul3A_612 : i32
        %add3A_614 = arith.constant 9 : i32
        %add3A_615 = arith.addi %mul3A_613, %add3A_614 : i32
        %get3A_616 = arith.index_cast %add3A_615 : i32 to index
        %get3A_617 = arith.constant 0 : index
        %get3A_618 = tpu.vector_load %arg11[%get3A_616, %get3A_617] {strides = array<i32>} : memref<432x32xi32, #tpu.memory_space<vmem>>, vector<16xi32>,
        %bitcast3A_619 = vector.bitcast %get3A_618 : vector<16xi32> to vector<32xbf16>
        %unpack3A_620 = tpu.unpack_subelements %bitcast3A_619, 0 {pack_format = #tpu.pack_format<interleaved>} : vector<32xbf16> -> vector<16xf32>
        %unpack3A_621 = tpu.unpack_subelements %bitcast3A_619, 1 {pack_format = #tpu.pack_format<interleaved>} : vector<32xbf16> -> vector<16xf32>
        %get3A_622 = arith.index_cast %add3A_615 : i32 to index
        %get3A_623 = arith.constant 16 : index
        %get3A_624 = tpu.vector_load %arg11[%get3A_622, %get3A_623] {strides = array<i32>} : memref<432x32xi32, #tpu.memory_space<vmem>>, vector<16xi32>,
        %bitcast3A_625 = vector.bitcast %get3A_624 : vector<16xi32> to vector<32xbf16>
        %unpack3A_626 = tpu.unpack_subelements %bitcast3A_625, 0 {pack_format = #tpu.pack_format<interleaved>} : vector<32xbf16> -> vector<16xf32>
        %unpack3A_627 = tpu.unpack_subelements %bitcast3A_625, 1 {pack_format = #tpu.pack_format<interleaved>} : vector<32xbf16> -> vector<16xf32>
        %mul3A_628 = arith.mulf %unpack3A_620, %unpack3A : vector<16xf32>
        %mul3A_629 = arith.mulf %unpack3A_621, %unpack3A_121 : vector<16xf32>
        %add3A_630 = arith.addf %mul3A_628, %mul3A_629 : vector<16xf32>
        %mul3A_631 = arith.mulf %unpack3A_626, %unpack3A_126 : vector<16xf32>
        %mul3A_632 = arith.mulf %unpack3A_627, %unpack3A_127 : vector<16xf32>
        %add3A_633 = arith.addf %mul3A_631, %mul3A_632 : vector<16xf32>
        %add3A_634 = arith.addf %add3A_630, %add3A_633 : vector<16xf32>
        %broadcast_in_dim3A_635 = arith.constant true
        %broadcast_in_dim3A_636 = vector.broadcast %broadcast_in_dim3A_635 : i1 to vector<16xi1>
        %masked_cumsum3A_637 = tpu.scan <sum>, %add3A_634 masked %broadcast_in_dim3A_636 : vector<16xf32>, vector<16xi1> -> vector<16xf32>
        %rev3A_638 = arith.constant 15 : i32
        %rev3A_639 = vector.broadcast %rev3A_638 : i32 to vector<16xi32>
        %rev3A_640 = tpu.iota {dimensions = array<i32: 0>} : vector<16xi32>
        %rev3A_641 = arith.subi %rev3A_639, %rev3A_640 : vector<16xi32>
        %rev3A_642 = tpu.dynamic_gather %add3A_634[%rev3A_641] in [0] : vector<16xf32>, vector<16xi32> -> vector<16xf32>
        %broadcast_in_dim3A_643 = arith.constant true
        %broadcast_in_dim3A_644 = vector.broadcast %broadcast_in_dim3A_643 : i1 to vector<16xi1>
        %masked_cumsum3A_645 = tpu.scan <sum>, %rev3A_642 masked %broadcast_in_dim3A_644 : vector<16xf32>, vector<16xi1> -> vector<16xf32>
        %rev3A_646 = arith.constant 15 : i32
        %rev3A_647 = vector.broadcast %rev3A_646 : i32 to vector<16xi32>
        %rev3A_648 = tpu.iota {dimensions = array<i32: 0>} : vector<16xi32>
        %rev3A_649 = arith.subi %rev3A_647, %rev3A_648 : vector<16xi32>
        %rev3A_650 = tpu.dynamic_gather %masked_cumsum3A_645[%rev3A_649] in [0] : vector<16xf32>, vector<16xi32> -> vector<16xf32>
        %add3A_651 = arith.addf %masked_cumsum3A_637, %rev3A_650 : vector<16xf32>
        %sub3A_652 = arith.subf %add3A_651, %add3A_634 : vector<16xf32>
        %eq3A_653 = arith.constant 9 : i32
        %eq3A_654 = vector.broadcast %eq3A_653 : i32 to vector<16xi32>
        %eq3A_655 = arith.cmpi eq, %iota3A, %eq3A_654 : vector<16xi32>
        %jit3A_656 = arith.constant 0.000000e+00 : f32
        %broadcast_in_dim3A_657 = vector.broadcast %jit3A_656 : f32 to vector<16xf32>
        %select_n3A_658 = arith.select %eq3A_655, %sub3A_652, %broadcast_in_dim3A_657 : vector<16xi1>, vector<16xf32>
        %mul3A_659 = arith.constant 16 : i32
        %mul3A_660 = arith.muli %scan3A_195, %mul3A_659 : i32
        %add3A_661 = arith.constant 10 : i32
        %add3A_662 = arith.addi %mul3A_660, %add3A_661 : i32
        %get3A_663 = arith.index_cast %add3A_662 : i32 to index
        %get3A_664 = arith.constant 0 : index
        %get3A_665 = tpu.vector_load %arg11[%get3A_663, %get3A_664] {strides = array<i32>} : memref<432x32xi32, #tpu.memory_space<vmem>>, vector<16xi32>,
        %bitcast3A_666 = vector.bitcast %get3A_665 : vector<16xi32> to vector<32xbf16>
        %unpack3A_667 = tpu.unpack_subelements %bitcast3A_666, 0 {pack_format = #tpu.pack_format<interleaved>} : vector<32xbf16> -> vector<16xf32>
        %unpack3A_668 = tpu.unpack_subelements %bitcast3A_666, 1 {pack_format = #tpu.pack_format<interleaved>} : vector<32xbf16> -> vector<16xf32>
        %get3A_669 = arith.index_cast %add3A_662 : i32 to index
        %get3A_670 = arith.constant 16 : index
        %get3A_671 = tpu.vector_load %arg11[%get3A_669, %get3A_670] {strides = array<i32>} : memref<432x32xi32, #tpu.memory_space<vmem>>, vector<16xi32>,
        %bitcast3A_672 = vector.bitcast %get3A_671 : vector<16xi32> to vector<32xbf16>
        %unpack3A_673 = tpu.unpack_subelements %bitcast3A_672, 0 {pack_format = #tpu.pack_format<interleaved>} : vector<32xbf16> -> vector<16xf32>
        %unpack3A_674 = tpu.unpack_subelements %bitcast3A_672, 1 {pack_format = #tpu.pack_format<interleaved>} : vector<32xbf16> -> vector<16xf32>
        %mul3A_675 = arith.mulf %unpack3A_667, %unpack3A : vector<16xf32>
        %mul3A_676 = arith.mulf %unpack3A_668, %unpack3A_121 : vector<16xf32>
        %add3A_677 = arith.addf %mul3A_675, %mul3A_676 : vector<16xf32>
        %mul3A_678 = arith.mulf %unpack3A_673, %unpack3A_126 : vector<16xf32>
        %mul3A_679 = arith.mulf %unpack3A_674, %unpack3A_127 : vector<16xf32>
        %add3A_680 = arith.addf %mul3A_678, %mul3A_679 : vector<16xf32>
        %add3A_681 = arith.addf %add3A_677, %add3A_680 : vector<16xf32>
        %broadcast_in_dim3A_682 = arith.constant true
        %broadcast_in_dim3A_683 = vector.broadcast %broadcast_in_dim3A_682 : i1 to vector<16xi1>
        %masked_cumsum3A_684 = tpu.scan <sum>, %add3A_681 masked %broadcast_in_dim3A_683 : vector<16xf32>, vector<16xi1> -> vector<16xf32>
        %rev3A_685 = arith.constant 15 : i32
        %rev3A_686 = vector.broadcast %rev3A_685 : i32 to vector<16xi32>
        %rev3A_687 = tpu.iota {dimensions = array<i32: 0>} : vector<16xi32>
        %rev3A_688 = arith.subi %rev3A_686, %rev3A_687 : vector<16xi32>
        %rev3A_689 = tpu.dynamic_gather %add3A_681[%rev3A_688] in [0] : vector<16xf32>, vector<16xi32> -> vector<16xf32>
        %broadcast_in_dim3A_690 = arith.constant true
        %broadcast_in_dim3A_691 = vector.broadcast %broadcast_in_dim3A_690 : i1 to vector<16xi1>
        %masked_cumsum3A_692 = tpu.scan <sum>, %rev3A_689 masked %broadcast_in_dim3A_691 : vector<16xf32>, vector<16xi1> -> vector<16xf32>
        %rev3A_693 = arith.constant 15 : i32
        %rev3A_694 = vector.broadcast %rev3A_693 : i32 to vector<16xi32>
        %rev3A_695 = tpu.iota {dimensions = array<i32: 0>} : vector<16xi32>
        %rev3A_696 = arith.subi %rev3A_694, %rev3A_695 : vector<16xi32>
        %rev3A_697 = tpu.dynamic_gather %masked_cumsum3A_692[%rev3A_696] in [0] : vector<16xf32>, vector<16xi32> -> vector<16xf32>
        %add3A_698 = arith.addf %masked_cumsum3A_684, %rev3A_697 : vector<16xf32>
        %sub3A_699 = arith.subf %add3A_698, %add3A_681 : vector<16xf32>
        %eq3A_700 = arith.constant 10 : i32
        %eq3A_701 = vector.broadcast %eq3A_700 : i32 to vector<16xi32>
        %eq3A_702 = arith.cmpi eq, %iota3A, %eq3A_701 : vector<16xi32>
        %jit3A_703 = arith.constant 0.000000e+00 : f32
        %broadcast_in_dim3A_704 = vector.broadcast %jit3A_703 : f32 to vector<16xf32>
        %select_n3A_705 = arith.select %eq3A_702, %sub3A_699, %broadcast_in_dim3A_704 : vector<16xi1>, vector<16xf32>
        %mul3A_706 = arith.constant 16 : i32
        %mul3A_707 = arith.muli %scan3A_195, %mul3A_706 : i32
        %add3A_708 = arith.constant 11 : i32
        %add3A_709 = arith.addi %mul3A_707, %add3A_708 : i32
        %get3A_710 = arith.index_cast %add3A_709 : i32 to index
        %get3A_711 = arith.constant 0 : index
        %get3A_712 = tpu.vector_load %arg11[%get3A_710, %get3A_711] {strides = array<i32>} : memref<432x32xi32, #tpu.memory_space<vmem>>, vector<16xi32>,
        %bitcast3A_713 = vector.bitcast %get3A_712 : vector<16xi32> to vector<32xbf16>
        %unpack3A_714 = tpu.unpack_subelements %bitcast3A_713, 0 {pack_format = #tpu.pack_format<interleaved>} : vector<32xbf16> -> vector<16xf32>
        %unpack3A_715 = tpu.unpack_subelements %bitcast3A_713, 1 {pack_format = #tpu.pack_format<interleaved>} : vector<32xbf16> -> vector<16xf32>
        %get3A_716 = arith.index_cast %add3A_709 : i32 to index
        %get3A_717 = arith.constant 16 : index
        %get3A_718 = tpu.vector_load %arg11[%get3A_716, %get3A_717] {strides = array<i32>} : memref<432x32xi32, #tpu.memory_space<vmem>>, vector<16xi32>,
        %bitcast3A_719 = vector.bitcast %get3A_718 : vector<16xi32> to vector<32xbf16>
        %unpack3A_720 = tpu.unpack_subelements %bitcast3A_719, 0 {pack_format = #tpu.pack_format<interleaved>} : vector<32xbf16> -> vector<16xf32>
        %unpack3A_721 = tpu.unpack_subelements %bitcast3A_719, 1 {pack_format = #tpu.pack_format<interleaved>} : vector<32xbf16> -> vector<16xf32>
        %mul3A_722 = arith.mulf %unpack3A_714, %unpack3A : vector<16xf32>
        %mul3A_723 = arith.mulf %unpack3A_715, %unpack3A_121 : vector<16xf32>
        %add3A_724 = arith.addf %mul3A_722, %mul3A_723 : vector<16xf32>
        %mul3A_725 = arith.mulf %unpack3A_720, %unpack3A_126 : vector<16xf32>
        %mul3A_726 = arith.mulf %unpack3A_721, %unpack3A_127 : vector<16xf32>
        %add3A_727 = arith.addf %mul3A_725, %mul3A_726 : vector<16xf32>
        %add3A_728 = arith.addf %add3A_724, %add3A_727 : vector<16xf32>
        %broadcast_in_dim3A_729 = arith.constant true
        %broadcast_in_dim3A_730 = vector.broadcast %broadcast_in_dim3A_729 : i1 to vector<16xi1>
        %masked_cumsum3A_731 = tpu.scan <sum>, %add3A_728 masked %broadcast_in_dim3A_730 : vector<16xf32>, vector<16xi1> -> vector<16xf32>
        %rev3A_732 = arith.constant 15 : i32
        %rev3A_733 = vector.broadcast %rev3A_732 : i32 to vector<16xi32>
        %rev3A_734 = tpu.iota {dimensions = array<i32: 0>} : vector<16xi32>
        %rev3A_735 = arith.subi %rev3A_733, %rev3A_734 : vector<16xi32>
        %rev3A_736 = tpu.dynamic_gather %add3A_728[%rev3A_735] in [0] : vector<16xf32>, vector<16xi32> -> vector<16xf32>
        %broadcast_in_dim3A_737 = arith.constant true
        %broadcast_in_dim3A_738 = vector.broadcast %broadcast_in_dim3A_737 : i1 to vector<16xi1>
        %masked_cumsum3A_739 = tpu.scan <sum>, %rev3A_736 masked %broadcast_in_dim3A_738 : vector<16xf32>, vector<16xi1> -> vector<16xf32>
        %rev3A_740 = arith.constant 15 : i32
        %rev3A_741 = vector.broadcast %rev3A_740 : i32 to vector<16xi32>
        %rev3A_742 = tpu.iota {dimensions = array<i32: 0>} : vector<16xi32>
        %rev3A_743 = arith.subi %rev3A_741, %rev3A_742 : vector<16xi32>
        %rev3A_744 = tpu.dynamic_gather %masked_cumsum3A_739[%rev3A_743] in [0] : vector<16xf32>, vector<16xi32> -> vector<16xf32>
        %add3A_745 = arith.addf %masked_cumsum3A_731, %rev3A_744 : vector<16xf32>
        %sub3A_746 = arith.subf %add3A_745, %add3A_728 : vector<16xf32>
        %eq3A_747 = arith.constant 11 : i32
        %eq3A_748 = vector.broadcast %eq3A_747 : i32 to vector<16xi32>
        %eq3A_749 = arith.cmpi eq, %iota3A, %eq3A_748 : vector<16xi32>
        %jit3A_750 = arith.constant 0.000000e+00 : f32
        %broadcast_in_dim3A_751 = vector.broadcast %jit3A_750 : f32 to vector<16xf32>
        %select_n3A_752 = arith.select %eq3A_749, %sub3A_746, %broadcast_in_dim3A_751 : vector<16xi1>, vector<16xf32>
        %mul3A_753 = arith.constant 16 : i32
        %mul3A_754 = arith.muli %scan3A_195, %mul3A_753 : i32
        %add3A_755 = arith.constant 12 : i32
        %add3A_756 = arith.addi %mul3A_754, %add3A_755 : i32
        %get3A_757 = arith.index_cast %add3A_756 : i32 to index
        %get3A_758 = arith.constant 0 : index
        %get3A_759 = tpu.vector_load %arg11[%get3A_757, %get3A_758] {strides = array<i32>} : memref<432x32xi32, #tpu.memory_space<vmem>>, vector<16xi32>,
        %bitcast3A_760 = vector.bitcast %get3A_759 : vector<16xi32> to vector<32xbf16>
        %unpack3A_761 = tpu.unpack_subelements %bitcast3A_760, 0 {pack_format = #tpu.pack_format<interleaved>} : vector<32xbf16> -> vector<16xf32>
        %unpack3A_762 = tpu.unpack_subelements %bitcast3A_760, 1 {pack_format = #tpu.pack_format<interleaved>} : vector<32xbf16> -> vector<16xf32>
        %get3A_763 = arith.index_cast %add3A_756 : i32 to index
        %get3A_764 = arith.constant 16 : index
        %get3A_765 = tpu.vector_load %arg11[%get3A_763, %get3A_764] {strides = array<i32>} : memref<432x32xi32, #tpu.memory_space<vmem>>, vector<16xi32>,
        %bitcast3A_766 = vector.bitcast %get3A_765 : vector<16xi32> to vector<32xbf16>
        %unpack3A_767 = tpu.unpack_subelements %bitcast3A_766, 0 {pack_format = #tpu.pack_format<interleaved>} : vector<32xbf16> -> vector<16xf32>
        %unpack3A_768 = tpu.unpack_subelements %bitcast3A_766, 1 {pack_format = #tpu.pack_format<interleaved>} : vector<32xbf16> -> vector<16xf32>
        %mul3A_769 = arith.mulf %unpack3A_761, %unpack3A : vector<16xf32>
        %mul3A_770 = arith.mulf %unpack3A_762, %unpack3A_121 : vector<16xf32>
        %add3A_771 = arith.addf %mul3A_769, %mul3A_770 : vector<16xf32>
        %mul3A_772 = arith.mulf %unpack3A_767, %unpack3A_126 : vector<16xf32>
        %mul3A_773 = arith.mulf %unpack3A_768, %unpack3A_127 : vector<16xf32>
        %add3A_774 = arith.addf %mul3A_772, %mul3A_773 : vector<16xf32>
        %add3A_775 = arith.addf %add3A_771, %add3A_774 : vector<16xf32>
        %broadcast_in_dim3A_776 = arith.constant true
        %broadcast_in_dim3A_777 = vector.broadcast %broadcast_in_dim3A_776 : i1 to vector<16xi1>
        %masked_cumsum3A_778 = tpu.scan <sum>, %add3A_775 masked %broadcast_in_dim3A_777 : vector<16xf32>, vector<16xi1> -> vector<16xf32>
        %rev3A_779 = arith.constant 15 : i32
        %rev3A_780 = vector.broadcast %rev3A_779 : i32 to vector<16xi32>
        %rev3A_781 = tpu.iota {dimensions = array<i32: 0>} : vector<16xi32>
        %rev3A_782 = arith.subi %rev3A_780, %rev3A_781 : vector<16xi32>
        %rev3A_783 = tpu.dynamic_gather %add3A_775[%rev3A_782] in [0] : vector<16xf32>, vector<16xi32> -> vector<16xf32>
        %broadcast_in_dim3A_784 = arith.constant true
        %broadcast_in_dim3A_785 = vector.broadcast %broadcast_in_dim3A_784 : i1 to vector<16xi1>
        %masked_cumsum3A_786 = tpu.scan <sum>, %rev3A_783 masked %broadcast_in_dim3A_785 : vector<16xf32>, vector<16xi1> -> vector<16xf32>
        %rev3A_787 = arith.constant 15 : i32
        %rev3A_788 = vector.broadcast %rev3A_787 : i32 to vector<16xi32>
        %rev3A_789 = tpu.iota {dimensions = array<i32: 0>} : vector<16xi32>
        %rev3A_790 = arith.subi %rev3A_788, %rev3A_789 : vector<16xi32>
        %rev3A_791 = tpu.dynamic_gather %masked_cumsum3A_786[%rev3A_790] in [0] : vector<16xf32>, vector<16xi32> -> vector<16xf32>
        %add3A_792 = arith.addf %masked_cumsum3A_778, %rev3A_791 : vector<16xf32>
        %sub3A_793 = arith.subf %add3A_792, %add3A_775 : vector<16xf32>
        %eq3A_794 = arith.constant 12 : i32
        %eq3A_795 = vector.broadcast %eq3A_794 : i32 to vector<16xi32>
        %eq3A_796 = arith.cmpi eq, %iota3A, %eq3A_795 : vector<16xi32>
        %jit3A_797 = arith.constant 0.000000e+00 : f32
        %broadcast_in_dim3A_798 = vector.broadcast %jit3A_797 : f32 to vector<16xf32>
        %select_n3A_799 = arith.select %eq3A_796, %sub3A_793, %broadcast_in_dim3A_798 : vector<16xi1>, vector<16xf32>
        %mul3A_800 = arith.constant 16 : i32
        %mul3A_801 = arith.muli %scan3A_195, %mul3A_800 : i32
        %add3A_802 = arith.constant 13 : i32
        %add3A_803 = arith.addi %mul3A_801, %add3A_802 : i32
        %get3A_804 = arith.index_cast %add3A_803 : i32 to index
        %get3A_805 = arith.constant 0 : index
        %get3A_806 = tpu.vector_load %arg11[%get3A_804, %get3A_805] {strides = array<i32>} : memref<432x32xi32, #tpu.memory_space<vmem>>, vector<16xi32>,
        %bitcast3A_807 = vector.bitcast %get3A_806 : vector<16xi32> to vector<32xbf16>
        %unpack3A_808 = tpu.unpack_subelements %bitcast3A_807, 0 {pack_format = #tpu.pack_format<interleaved>} : vector<32xbf16> -> vector<16xf32>
        %unpack3A_809 = tpu.unpack_subelements %bitcast3A_807, 1 {pack_format = #tpu.pack_format<interleaved>} : vector<32xbf16> -> vector<16xf32>
        %get3A_810 = arith.index_cast %add3A_803 : i32 to index
        %get3A_811 = arith.constant 16 : index
        %get3A_812 = tpu.vector_load %arg11[%get3A_810, %get3A_811] {strides = array<i32>} : memref<432x32xi32, #tpu.memory_space<vmem>>, vector<16xi32>,
        %bitcast3A_813 = vector.bitcast %get3A_812 : vector<16xi32> to vector<32xbf16>
        %unpack3A_814 = tpu.unpack_subelements %bitcast3A_813, 0 {pack_format = #tpu.pack_format<interleaved>} : vector<32xbf16> -> vector<16xf32>
        %unpack3A_815 = tpu.unpack_subelements %bitcast3A_813, 1 {pack_format = #tpu.pack_format<interleaved>} : vector<32xbf16> -> vector<16xf32>
        %mul3A_816 = arith.mulf %unpack3A_808, %unpack3A : vector<16xf32>
        %mul3A_817 = arith.mulf %unpack3A_809, %unpack3A_121 : vector<16xf32>
        %add3A_818 = arith.addf %mul3A_816, %mul3A_817 : vector<16xf32>
        %mul3A_819 = arith.mulf %unpack3A_814, %unpack3A_126 : vector<16xf32>
        %mul3A_820 = arith.mulf %unpack3A_815, %unpack3A_127 : vector<16xf32>
        %add3A_821 = arith.addf %mul3A_819, %mul3A_820 : vector<16xf32>
        %add3A_822 = arith.addf %add3A_818, %add3A_821 : vector<16xf32>
        %broadcast_in_dim3A_823 = arith.constant true
        %broadcast_in_dim3A_824 = vector.broadcast %broadcast_in_dim3A_823 : i1 to vector<16xi1>
        %masked_cumsum3A_825 = tpu.scan <sum>, %add3A_822 masked %broadcast_in_dim3A_824 : vector<16xf32>, vector<16xi1> -> vector<16xf32>
        %rev3A_826 = arith.constant 15 : i32
        %rev3A_827 = vector.broadcast %rev3A_826 : i32 to vector<16xi32>
        %rev3A_828 = tpu.iota {dimensions = array<i32: 0>} : vector<16xi32>
        %rev3A_829 = arith.subi %rev3A_827, %rev3A_828 : vector<16xi32>
        %rev3A_830 = tpu.dynamic_gather %add3A_822[%rev3A_829] in [0] : vector<16xf32>, vector<16xi32> -> vector<16xf32>
        %broadcast_in_dim3A_831 = arith.constant true
        %broadcast_in_dim3A_832 = vector.broadcast %broadcast_in_dim3A_831 : i1 to vector<16xi1>
        %masked_cumsum3A_833 = tpu.scan <sum>, %rev3A_830 masked %broadcast_in_dim3A_832 : vector<16xf32>, vector<16xi1> -> vector<16xf32>
        %rev3A_834 = arith.constant 15 : i32
        %rev3A_835 = vector.broadcast %rev3A_834 : i32 to vector<16xi32>
        %rev3A_836 = tpu.iota {dimensions = array<i32: 0>} : vector<16xi32>
        %rev3A_837 = arith.subi %rev3A_835, %rev3A_836 : vector<16xi32>
        %rev3A_838 = tpu.dynamic_gather %masked_cumsum3A_833[%rev3A_837] in [0] : vector<16xf32>, vector<16xi32> -> vector<16xf32>
        %add3A_839 = arith.addf %masked_cumsum3A_825, %rev3A_838 : vector<16xf32>
        %sub3A_840 = arith.subf %add3A_839, %add3A_822 : vector<16xf32>
        %eq3A_841 = arith.constant 13 : i32
        %eq3A_842 = vector.broadcast %eq3A_841 : i32 to vector<16xi32>
        %eq3A_843 = arith.cmpi eq, %iota3A, %eq3A_842 : vector<16xi32>
        %jit3A_844 = arith.constant 0.000000e+00 : f32
        %broadcast_in_dim3A_845 = vector.broadcast %jit3A_844 : f32 to vector<16xf32>
        %select_n3A_846 = arith.select %eq3A_843, %sub3A_840, %broadcast_in_dim3A_845 : vector<16xi1>, vector<16xf32>
        %mul3A_847 = arith.constant 16 : i32
        %mul3A_848 = arith.muli %scan3A_195, %mul3A_847 : i32
        %add3A_849 = arith.constant 14 : i32
        %add3A_850 = arith.addi %mul3A_848, %add3A_849 : i32
        %get3A_851 = arith.index_cast %add3A_850 : i32 to index
        %get3A_852 = arith.constant 0 : index
        %get3A_853 = tpu.vector_load %arg11[%get3A_851, %get3A_852] {strides = array<i32>} : memref<432x32xi32, #tpu.memory_space<vmem>>, vector<16xi32>,
        %bitcast3A_854 = vector.bitcast %get3A_853 : vector<16xi32> to vector<32xbf16>
        %unpack3A_855 = tpu.unpack_subelements %bitcast3A_854, 0 {pack_format = #tpu.pack_format<interleaved>} : vector<32xbf16> -> vector<16xf32>
        %unpack3A_856 = tpu.unpack_subelements %bitcast3A_854, 1 {pack_format = #tpu.pack_format<interleaved>} : vector<32xbf16> -> vector<16xf32>
        %get3A_857 = arith.index_cast %add3A_850 : i32 to index
        %get3A_858 = arith.constant 16 : index
        %get3A_859 = tpu.vector_load %arg11[%get3A_857, %get3A_858] {strides = array<i32>} : memref<432x32xi32, #tpu.memory_space<vmem>>, vector<16xi32>,
        %bitcast3A_860 = vector.bitcast %get3A_859 : vector<16xi32> to vector<32xbf16>
        %unpack3A_861 = tpu.unpack_subelements %bitcast3A_860, 0 {pack_format = #tpu.pack_format<interleaved>} : vector<32xbf16> -> vector<16xf32>
        %unpack3A_862 = tpu.unpack_subelements %bitcast3A_860, 1 {pack_format = #tpu.pack_format<interleaved>} : vector<32xbf16> -> vector<16xf32>
        %mul3A_863 = arith.mulf %unpack3A_855, %unpack3A : vector<16xf32>
        %mul3A_864 = arith.mulf %unpack3A_856, %unpack3A_121 : vector<16xf32>
        %add3A_865 = arith.addf %mul3A_863, %mul3A_864 : vector<16xf32>
        %mul3A_866 = arith.mulf %unpack3A_861, %unpack3A_126 : vector<16xf32>
        %mul3A_867 = arith.mulf %unpack3A_862, %unpack3A_127 : vector<16xf32>
        %add3A_868 = arith.addf %mul3A_866, %mul3A_867 : vector<16xf32>
        %add3A_869 = arith.addf %add3A_865, %add3A_868 : vector<16xf32>
        %broadcast_in_dim3A_870 = arith.constant true
        %broadcast_in_dim3A_871 = vector.broadcast %broadcast_in_dim3A_870 : i1 to vector<16xi1>
        %masked_cumsum3A_872 = tpu.scan <sum>, %add3A_869 masked %broadcast_in_dim3A_871 : vector<16xf32>, vector<16xi1> -> vector<16xf32>
        %rev3A_873 = arith.constant 15 : i32
        %rev3A_874 = vector.broadcast %rev3A_873 : i32 to vector<16xi32>
        %rev3A_875 = tpu.iota {dimensions = array<i32: 0>} : vector<16xi32>
        %rev3A_876 = arith.subi %rev3A_874, %rev3A_875 : vector<16xi32>
        %rev3A_877 = tpu.dynamic_gather %add3A_869[%rev3A_876] in [0] : vector<16xf32>, vector<16xi32> -> vector<16xf32>
        %broadcast_in_dim3A_878 = arith.constant true
        %broadcast_in_dim3A_879 = vector.broadcast %broadcast_in_dim3A_878 : i1 to vector<16xi1>
        %masked_cumsum3A_880 = tpu.scan <sum>, %rev3A_877 masked %broadcast_in_dim3A_879 : vector<16xf32>, vector<16xi1> -> vector<16xf32>
        %rev3A_881 = arith.constant 15 : i32
        %rev3A_882 = vector.broadcast %rev3A_881 : i32 to vector<16xi32>
        %rev3A_883 = tpu.iota {dimensions = array<i32: 0>} : vector<16xi32>
        %rev3A_884 = arith.subi %rev3A_882, %rev3A_883 : vector<16xi32>
        %rev3A_885 = tpu.dynamic_gather %masked_cumsum3A_880[%rev3A_884] in [0] : vector<16xf32>, vector<16xi32> -> vector<16xf32>
        %add3A_886 = arith.addf %masked_cumsum3A_872, %rev3A_885 : vector<16xf32>
        %sub3A_887 = arith.subf %add3A_886, %add3A_869 : vector<16xf32>
        %eq3A_888 = arith.constant 14 : i32
        %eq3A_889 = vector.broadcast %eq3A_888 : i32 to vector<16xi32>
        %eq3A_890 = arith.cmpi eq, %iota3A, %eq3A_889 : vector<16xi32>
        %jit3A_891 = arith.constant 0.000000e+00 : f32
        %broadcast_in_dim3A_892 = vector.broadcast %jit3A_891 : f32 to vector<16xf32>
        %select_n3A_893 = arith.select %eq3A_890, %sub3A_887, %broadcast_in_dim3A_892 : vector<16xi1>, vector<16xf32>
        %mul3A_894 = arith.constant 16 : i32
        %mul3A_895 = arith.muli %scan3A_195, %mul3A_894 : i32
        %add3A_896 = arith.constant 15 : i32
        %add3A_897 = arith.addi %mul3A_895, %add3A_896 : i32
        %get3A_898 = arith.index_cast %add3A_897 : i32 to index
        %get3A_899 = arith.constant 0 : index
        %get3A_900 = tpu.vector_load %arg11[%get3A_898, %get3A_899] {strides = array<i32>} : memref<432x32xi32, #tpu.memory_space<vmem>>, vector<16xi32>,
        %bitcast3A_901 = vector.bitcast %get3A_900 : vector<16xi32> to vector<32xbf16>
        %unpack3A_902 = tpu.unpack_subelements %bitcast3A_901, 0 {pack_format = #tpu.pack_format<interleaved>} : vector<32xbf16> -> vector<16xf32>
        %unpack3A_903 = tpu.unpack_subelements %bitcast3A_901, 1 {pack_format = #tpu.pack_format<interleaved>} : vector<32xbf16> -> vector<16xf32>
        %get3A_904 = arith.index_cast %add3A_897 : i32 to index
        %get3A_905 = arith.constant 16 : index
        %get3A_906 = tpu.vector_load %arg11[%get3A_904, %get3A_905] {strides = array<i32>} : memref<432x32xi32, #tpu.memory_space<vmem>>, vector<16xi32>,
        %bitcast3A_907 = vector.bitcast %get3A_906 : vector<16xi32> to vector<32xbf16>
        %unpack3A_908 = tpu.unpack_subelements %bitcast3A_907, 0 {pack_format = #tpu.pack_format<interleaved>} : vector<32xbf16> -> vector<16xf32>
        %unpack3A_909 = tpu.unpack_subelements %bitcast3A_907, 1 {pack_format = #tpu.pack_format<interleaved>} : vector<32xbf16> -> vector<16xf32>
        %mul3A_910 = arith.mulf %unpack3A_902, %unpack3A : vector<16xf32>
        %mul3A_911 = arith.mulf %unpack3A_903, %unpack3A_121 : vector<16xf32>
        %add3A_912 = arith.addf %mul3A_910, %mul3A_911 : vector<16xf32>
        %mul3A_913 = arith.mulf %unpack3A_908, %unpack3A_126 : vector<16xf32>
        %mul3A_914 = arith.mulf %unpack3A_909, %unpack3A_127 : vector<16xf32>
        %add3A_915 = arith.addf %mul3A_913, %mul3A_914 : vector<16xf32>
        %add3A_916 = arith.addf %add3A_912, %add3A_915 : vector<16xf32>
        %broadcast_in_dim3A_917 = arith.constant true
        %broadcast_in_dim3A_918 = vector.broadcast %broadcast_in_dim3A_917 : i1 to vector<16xi1>
        %masked_cumsum3A_919 = tpu.scan <sum>, %add3A_916 masked %broadcast_in_dim3A_918 : vector<16xf32>, vector<16xi1> -> vector<16xf32>
        %rev3A_920 = arith.constant 15 : i32
        %rev3A_921 = vector.broadcast %rev3A_920 : i32 to vector<16xi32>
        %rev3A_922 = tpu.iota {dimensions = array<i32: 0>} : vector<16xi32>
        %rev3A_923 = arith.subi %rev3A_921, %rev3A_922 : vector<16xi32>
        %rev3A_924 = tpu.dynamic_gather %add3A_916[%rev3A_923] in [0] : vector<16xf32>, vector<16xi32> -> vector<16xf32>
        %broadcast_in_dim3A_925 = arith.constant true
        %broadcast_in_dim3A_926 = vector.broadcast %broadcast_in_dim3A_925 : i1 to vector<16xi1>
        %masked_cumsum3A_927 = tpu.scan <sum>, %rev3A_924 masked %broadcast_in_dim3A_926 : vector<16xf32>, vector<16xi1> -> vector<16xf32>
        %rev3A_928 = arith.constant 15 : i32
        %rev3A_929 = vector.broadcast %rev3A_928 : i32 to vector<16xi32>
        %rev3A_930 = tpu.iota {dimensions = array<i32: 0>} : vector<16xi32>
        %rev3A_931 = arith.subi %rev3A_929, %rev3A_930 : vector<16xi32>
        %rev3A_932 = tpu.dynamic_gather %masked_cumsum3A_927[%rev3A_931] in [0] : vector<16xf32>, vector<16xi32> -> vector<16xf32>
        %add3A_933 = arith.addf %masked_cumsum3A_919, %rev3A_932 : vector<16xf32>
        %sub3A_934 = arith.subf %add3A_933, %add3A_916 : vector<16xf32>
        %eq3A_935 = arith.constant 15 : i32
        %eq3A_936 = vector.broadcast %eq3A_935 : i32 to vector<16xi32>
        %eq3A_937 = arith.cmpi eq, %iota3A, %eq3A_936 : vector<16xi32>
        %jit3A_938 = arith.constant 0.000000e+00 : f32
        %broadcast_in_dim3A_939 = vector.broadcast %jit3A_938 : f32 to vector<16xf32>
        %select_n3A_940 = arith.select %eq3A_937, %sub3A_934, %broadcast_in_dim3A_939 : vector<16xi1>, vector<16xf32>
        %add3A_941 = arith.addf %select_n3A, %select_n3A_282 : vector<16xf32>
        %add3A_942 = arith.addf %select_n3A_329, %select_n3A_376 : vector<16xf32>
        %add3A_943 = arith.addf %select_n3A_423, %select_n3A_470 : vector<16xf32>
        %add3A_944 = arith.addf %select_n3A_517, %select_n3A_564 : vector<16xf32>
        %add3A_945 = arith.addf %select_n3A_611, %select_n3A_658 : vector<16xf32>
        %add3A_946 = arith.addf %select_n3A_705, %select_n3A_752 : vector<16xf32>
        %add3A_947 = arith.addf %select_n3A_799, %select_n3A_846 : vector<16xf32>
        %add3A_948 = arith.addf %select_n3A_893, %select_n3A_940 : vector<16xf32>
        %add3A_949 = arith.addf %add3A_941, %add3A_942 : vector<16xf32>
        %add3A_950 = arith.addf %add3A_943, %add3A_944 : vector<16xf32>
        %add3A_951 = arith.addf %add3A_945, %add3A_946 : vector<16xf32>
        %add3A_952 = arith.addf %add3A_947, %add3A_948 : vector<16xf32>
        %add3A_953 = arith.addf %add3A_949, %add3A_950 : vector<16xf32>
        %add3A_954 = arith.addf %add3A_951, %add3A_952 : vector<16xf32>
        %add3A_955 = arith.addf %add3A_953, %add3A_954 : vector<16xf32>
        %mul3A_956 = arith.constant 16 : i32
        %mul3A_957 = arith.muli %scan3A_195, %mul3A_956 : i32
        %swap3A = arith.index_cast %mul3A_957 : i32 to index
        %swap3A_958 = tpu.vector_load %arg13[%swap3A] {strides = array<i32>} : memref<432xf32, #tpu.memory_space<vmem>>, vector<16xf32>,
        tpu.vector_store %arg13[%swap3A], %add3A_955 {strides = array<i32>} : memref<432xf32, #tpu.memory_space<vmem>>, vector<16xf32>,
      }
      %scan3A_133 = arith.constant 27 : i32
      %add3A_134 = arith.addi %mul3A_2, %mul3A_97 : i32
      %dma_start3A_135 = arith.constant 0 : i32
      %dma_start3A_136 = tpu.memref_slice %arg6[%add3A_134, %dma_start3A_135] : memref<4096x432xf32, #tpu.memory_space<hbm>> -> memref<1x432xf32, #tpu.memory_space<hbm>>
      %dma_start3A_137 = tpu.memref_squeeze %dma_start3A_136 : memref<1x432xf32, #tpu.memory_space<hbm>> -> memref<432xf32, #tpu.memory_space<hbm>>
      %dma_start3A_138 = arith.constant 0 : i32
      %dma_start3A_139 = tpu.memref_slice %arg6[%add3A_134, %dma_start3A_138] : memref<4096x432xf32, #tpu.memory_space<hbm>> -> memref<1x432xf32, #tpu.memory_space<hbm>>
      %dma_start3A_140 = tpu.memref_squeeze %dma_start3A_139 : memref<1x432xf32, #tpu.memory_space<hbm>> -> memref<432xf32, #tpu.memory_space<hbm>>
      tpu.enqueue_dma source(%arg13 : memref<432xf32, #tpu.memory_space<vmem>>) target(%dma_start3A_140 : memref<432xf32, #tpu.memory_space<hbm>>) target_semaphore(%arg20 : memref<!tpu.dma_semaphore, #tpu.memory_space<semaphore_mem>>)
      %mul3A_141 = arith.constant 2 : i32
      %mul3A_142 = arith.muli %mul3A_141, %scan3A_95 : i32
      %add3A_143 = arith.constant 1 : i32
      %add3A_144 = arith.addi %mul3A_142, %add3A_143 : i32
      %dma_wait3A_145 = arith.constant 0 : i32
      %dma_wait3A_146 = arith.constant 0 : i32
      %dma_wait3A_147 = tpu.memref_slice %arg2[%dma_wait3A_145, %dma_wait3A_146] : memref<100000x32xi32, #tpu.memory_space<hbm>> -> memref<432x32xi32, #tpu.memory_space<hbm>>
      %dma_wait3A_148 = arith.constant 0 : i32
      %dma_wait3A_149 = arith.constant 0 : i32
      %dma_wait3A_150 = tpu.memref_slice %arg2[%dma_wait3A_148, %dma_wait3A_149] : memref<100000x32xi32, #tpu.memory_space<hbm>> -> memref<432x32xi32, #tpu.memory_space<hbm>>
      tpu.wait_dma2 semaphore(%arg19 : memref<!tpu.dma_semaphore, #tpu.memory_space<semaphore_mem>>) src(%dma_wait3A_150 : memref<432x32xi32, #tpu.memory_space<hbm>>) dst(%arg12 : memref<432x32xi32, #tpu.memory_space<vmem>>)
      %add3A_151 = arith.constant 2 : i32
      %add3A_152 = arith.addi %add3A_144, %add3A_151 : i32
      %lt3A_153 = arith.constant 128 : i32
      %lt3A_154 = arith.cmpi slt, %add3A_152, %lt3A_153 : i32
      %convert_element_type3A_155 = arith.extui %lt3A_154 : i1 to i32
      %cond3A_156 = arith.constant 0 : i32
      %cond3A_157 = arith.cmpi ne, %convert_element_type3A_155, %cond3A_156 : i32
      scf.if %cond3A_157 {
        %add3A_195 = arith.constant 2 : i32
        %add3A_196 = arith.addi %add3A_144, %add3A_195 : i32
        %add3A_197 = arith.addi %mul3A_2, %add3A_196 : i32
        %dma_start3A_198 = arith.constant 0 : i32
        %dma_start3A_199 = arith.constant 0 : i32
        %dma_start3A_200 = tpu.memref_slice %arg5[%add3A_197, %dma_start3A_198, %dma_start3A_199] : memref<4096x4x108xi32, #tpu.memory_space<hbm>> -> memref<1x4x108xi32, #tpu.memory_space<hbm>>
        %dma_start3A_201 = tpu.memref_squeeze %dma_start3A_200 : memref<1x4x108xi32, #tpu.memory_space<hbm>> -> memref<4x108xi32, #tpu.memory_space<hbm>>
        %dma_start3A_202 = arith.constant 0 : i32
        %dma_start3A_203 = arith.constant 0 : i32
        %dma_start3A_204 = tpu.memref_slice %arg5[%add3A_197, %dma_start3A_202, %dma_start3A_203] : memref<4096x4x108xi32, #tpu.memory_space<hbm>> -> memref<1x4x108xi32, #tpu.memory_space<hbm>>
        %dma_start3A_205 = tpu.memref_squeeze %dma_start3A_204 : memref<1x4x108xi32, #tpu.memory_space<hbm>> -> memref<4x108xi32, #tpu.memory_space<hbm>>
        tpu.enqueue_dma source(%dma_start3A_205 : memref<4x108xi32, #tpu.memory_space<hbm>>) target(%arg10 : memref<4x108xi32, #tpu.memory_space<vmem>>) target_semaphore(%arg17 : memref<!tpu.dma_semaphore, #tpu.memory_space<semaphore_mem>>)
      } else {
      }
      %add3A_158 = arith.constant 1 : i32
      %add3A_159 = arith.addi %add3A_144, %add3A_158 : i32
      %lt3A_160 = arith.constant 128 : i32
      %lt3A_161 = arith.cmpi slt, %add3A_159, %lt3A_160 : i32
      %convert_element_type3A_162 = arith.extui %lt3A_161 : i1 to i32
      %cond3A_163 = arith.constant 0 : i32
      %cond3A_164 = arith.cmpi ne, %convert_element_type3A_162, %cond3A_163 : i32
      scf.if %cond3A_164 {
        %dma_wait3A_195 = arith.constant 0 : i32
        %dma_wait3A_196 = arith.constant 0 : i32
        %dma_wait3A_197 = arith.constant 0 : i32
        %dma_wait3A_198 = tpu.memref_slice %arg5[%dma_wait3A_195, %dma_wait3A_196, %dma_wait3A_197] : memref<4096x4x108xi32, #tpu.memory_space<hbm>> -> memref<1x4x108xi32, #tpu.memory_space<hbm>>
        %dma_wait3A_199 = tpu.memref_squeeze %dma_wait3A_198 : memref<1x4x108xi32, #tpu.memory_space<hbm>> -> memref<4x108xi32, #tpu.memory_space<hbm>>
        %dma_wait3A_200 = arith.constant 0 : i32
        %dma_wait3A_201 = arith.constant 0 : i32
        %dma_wait3A_202 = tpu.memref_slice %arg5[%dma_wait3A_195, %dma_wait3A_200, %dma_wait3A_201] : memref<4096x4x108xi32, #tpu.memory_space<hbm>> -> memref<1x4x108xi32, #tpu.memory_space<hbm>>
        %dma_wait3A_203 = tpu.memref_squeeze %dma_wait3A_202 : memref<1x4x108xi32, #tpu.memory_space<hbm>> -> memref<4x108xi32, #tpu.memory_space<hbm>>
        tpu.wait_dma2 semaphore(%arg16 : memref<!tpu.dma_semaphore, #tpu.memory_space<semaphore_mem>>) src(%dma_wait3A_203 : memref<4x108xi32, #tpu.memory_space<hbm>>) dst(%arg9 : memref<4x108xi32, #tpu.memory_space<vmem>>)
        %dma_start3A_204 = arith.constant 0 : i32
        %dma_start3A_205 = arith.constant 0 : i32
        %dma_start3A_206 = arith.constant 0 : i32
        %dma_start3A_207 = tpu.memref_slice %arg11[%dma_start3A_205, %dma_start3A_206] : memref<432x32xi32, #tpu.memory_space<vmem>> -> memref<108x32xi32, #tpu.memory_space<vmem>>
        %dma_start3A_208 = arith.constant 0 : i32
        %dma_start3A_209 = tpu.memref_slice %arg9[%dma_start3A_204, %dma_start3A_208] : memref<4x108xi32, #tpu.memory_space<vmem>> -> memref<1x108xi32, #tpu.memory_space<vmem>>
        %dma_start3A_210 = tpu.memref_squeeze %dma_start3A_209 : memref<1x108xi32, #tpu.memory_space<vmem>> -> memref<108xi32, #tpu.memory_space<vmem>>
        %dma_start3A_211 = arith.constant 0 : i32
        %dma_start3A_212 = arith.constant 0 : i32
        %dma_start3A_213 = tpu.memref_slice %arg2[%dma_start3A_211, %dma_start3A_212] : memref<100000x32xi32, #tpu.memory_space<hbm>> -> memref<100000x32xi32, #tpu.memory_space<hbm>>
        tpu.enqueue_indirect_dma source(%dma_start3A_213 : memref<100000x32xi32, #tpu.memory_space<hbm>>) target(%dma_start3A_207 : memref<108x32xi32, #tpu.memory_space<vmem>>) offsets(%dma_start3A_210 : memref<108xi32, #tpu.memory_space<vmem>>) semaphore(%arg18 : memref<!tpu.dma_semaphore, #tpu.memory_space<semaphore_mem>>)
        %dma_start3A_214 = arith.constant 1 : i32
        %dma_start3A_215 = arith.constant 108 : i32
        %dma_start3A_216 = arith.constant 0 : i32
        %dma_start3A_217 = tpu.memref_slice %arg11[%dma_start3A_215, %dma_start3A_216] : memref<432x32xi32, #tpu.memory_space<vmem>> -> memref<108x32xi32, #tpu.memory_space<vmem>>
        %dma_start3A_218 = arith.constant 0 : i32
        %dma_start3A_219 = tpu.memref_slice %arg9[%dma_start3A_214, %dma_start3A_218] : memref<4x108xi32, #tpu.memory_space<vmem>> -> memref<1x108xi32, #tpu.memory_space<vmem>>
        %dma_start3A_220 = tpu.memref_squeeze %dma_start3A_219 : memref<1x108xi32, #tpu.memory_space<vmem>> -> memref<108xi32, #tpu.memory_space<vmem>>
        %dma_start3A_221 = arith.constant 0 : i32
        %dma_start3A_222 = arith.constant 0 : i32
        %dma_start3A_223 = tpu.memref_slice %arg2[%dma_start3A_221, %dma_start3A_222] : memref<100000x32xi32, #tpu.memory_space<hbm>> -> memref<100000x32xi32, #tpu.memory_space<hbm>>
        tpu.enqueue_indirect_dma source(%dma_start3A_223 : memref<100000x32xi32, #tpu.memory_space<hbm>>) target(%dma_start3A_217 : memref<108x32xi32, #tpu.memory_space<vmem>>) offsets(%dma_start3A_220 : memref<108xi32, #tpu.memory_space<vmem>>) semaphore(%arg18 : memref<!tpu.dma_semaphore, #tpu.memory_space<semaphore_mem>>)
        %dma_start3A_224 = arith.constant 2 : i32
        %dma_start3A_225 = arith.constant 216 : i32
        %dma_start3A_226 = arith.constant 0 : i32
        %dma_start3A_227 = tpu.memref_slice %arg11[%dma_start3A_225, %dma_start3A_226] : memref<432x32xi32, #tpu.memory_space<vmem>> -> memref<108x32xi32, #tpu.memory_space<vmem>>
        %dma_start3A_228 = arith.constant 0 : i32
        %dma_start3A_229 = tpu.memref_slice %arg9[%dma_start3A_224, %dma_start3A_228] : memref<4x108xi32, #tpu.memory_space<vmem>> -> memref<1x108xi32, #tpu.memory_space<vmem>>
        %dma_start3A_230 = tpu.memref_squeeze %dma_start3A_229 : memref<1x108xi32, #tpu.memory_space<vmem>> -> memref<108xi32, #tpu.memory_space<vmem>>
        %dma_start3A_231 = arith.constant 0 : i32
        %dma_start3A_232 = arith.constant 0 : i32
        %dma_start3A_233 = tpu.memref_slice %arg2[%dma_start3A_231, %dma_start3A_232] : memref<100000x32xi32, #tpu.memory_space<hbm>> -> memref<100000x32xi32, #tpu.memory_space<hbm>>
        tpu.enqueue_indirect_dma source(%dma_start3A_233 : memref<100000x32xi32, #tpu.memory_space<hbm>>) target(%dma_start3A_227 : memref<108x32xi32, #tpu.memory_space<vmem>>) offsets(%dma_start3A_230 : memref<108xi32, #tpu.memory_space<vmem>>) semaphore(%arg18 : memref<!tpu.dma_semaphore, #tpu.memory_space<semaphore_mem>>)
        %dma_start3A_234 = arith.constant 3 : i32
        %dma_start3A_235 = arith.constant 324 : i32
        %dma_start3A_236 = arith.constant 0 : i32
        %dma_start3A_237 = tpu.memref_slice %arg11[%dma_start3A_235, %dma_start3A_236] : memref<432x32xi32, #tpu.memory_space<vmem>> -> memref<108x32xi32, #tpu.memory_space<vmem>>
        %dma_start3A_238 = arith.constant 0 : i32
        %dma_start3A_239 = tpu.memref_slice %arg9[%dma_start3A_234, %dma_start3A_238] : memref<4x108xi32, #tpu.memory_space<vmem>> -> memref<1x108xi32, #tpu.memory_space<vmem>>
        %dma_start3A_240 = tpu.memref_squeeze %dma_start3A_239 : memref<1x108xi32, #tpu.memory_space<vmem>> -> memref<108xi32, #tpu.memory_space<vmem>>
        %dma_start3A_241 = arith.constant 0 : i32
        %dma_start3A_242 = arith.constant 0 : i32
        %dma_start3A_243 = tpu.memref_slice %arg2[%dma_start3A_241, %dma_start3A_242] : memref<100000x32xi32, #tpu.memory_space<hbm>> -> memref<100000x32xi32, #tpu.memory_space<hbm>>
        tpu.enqueue_indirect_dma source(%dma_start3A_243 : memref<100000x32xi32, #tpu.memory_space<hbm>>) target(%dma_start3A_237 : memref<108x32xi32, #tpu.memory_space<vmem>>) offsets(%dma_start3A_240 : memref<108xi32, #tpu.memory_space<vmem>>) semaphore(%arg18 : memref<!tpu.dma_semaphore, #tpu.memory_space<semaphore_mem>>)
      } else {
      }
      %ge3A_165 = arith.constant 2 : i32
      %ge3A_166 = arith.cmpi sge, %add3A_144, %ge3A_165 : i32
      %convert_element_type3A_167 = arith.extui %ge3A_166 : i1 to i32
      %cond3A_168 = arith.constant 0 : i32
      %cond3A_169 = arith.cmpi ne, %convert_element_type3A_167, %cond3A_168 : i32
      scf.if %cond3A_169 {
        %dma_wait3A_195 = arith.constant 0 : i32
        %dma_wait3A_196 = arith.constant 0 : i32
        %dma_wait3A_197 = tpu.memref_slice %arg6[%dma_wait3A_195, %dma_wait3A_196] : memref<4096x432xf32, #tpu.memory_space<hbm>> -> memref<1x432xf32, #tpu.memory_space<hbm>>
        %dma_wait3A_198 = tpu.memref_squeeze %dma_wait3A_197 : memref<1x432xf32, #tpu.memory_space<hbm>> -> memref<432xf32, #tpu.memory_space<hbm>>
        %dma_wait3A_199 = arith.constant 0 : i32
        %dma_wait3A_200 = tpu.memref_slice %arg6[%dma_wait3A_195, %dma_wait3A_199] : memref<4096x432xf32, #tpu.memory_space<hbm>> -> memref<1x432xf32, #tpu.memory_space<hbm>>
        %dma_wait3A_201 = tpu.memref_squeeze %dma_wait3A_200 : memref<1x432xf32, #tpu.memory_space<hbm>> -> memref<432xf32, #tpu.memory_space<hbm>>
        tpu.wait_dma2 semaphore(%arg21 : memref<!tpu.dma_semaphore, #tpu.memory_space<semaphore_mem>>) src(%dma_wait3A_201 : memref<432xf32, #tpu.memory_space<hbm>>) dst(%arg14 : memref<432xf32, #tpu.memory_space<vmem>>)
      } else {
      }
      %get3A_170 = arith.index_cast %add3A_144 : i32 to index
      %get3A_171 = arith.constant 0 : index
      %get3A_172 = tpu.vector_load %arg8[%get3A_170, %get3A_171] {strides = array<i32>} : memref<128x32xi32, #tpu.memory_space<vmem>>, vector<16xi32>,
      %bitcast3A_173 = vector.bitcast %get3A_172 : vector<16xi32> to vector<32xbf16>
      %unpack3A_174 = tpu.unpack_subelements %bitcast3A_173, 0 {pack_format = #tpu.pack_format<interleaved>} : vector<32xbf16> -> vector<16xf32>
      %unpack3A_175 = tpu.unpack_subelements %bitcast3A_173, 1 {pack_format = #tpu.pack_format<interleaved>} : vector<32xbf16> -> vector<16xf32>
      %get3A_176 = arith.index_cast %add3A_144 : i32 to index
      %get3A_177 = arith.constant 16 : index
      %get3A_178 = tpu.vector_load %arg8[%get3A_176, %get3A_177] {strides = array<i32>} : memref<128x32xi32, #tpu.memory_space<vmem>>, vector<16xi32>,
      %bitcast3A_179 = vector.bitcast %get3A_178 : vector<16xi32> to vector<32xbf16>
      %unpack3A_180 = tpu.unpack_subelements %bitcast3A_179, 0 {pack_format = #tpu.pack_format<interleaved>} : vector<32xbf16> -> vector<16xf32>
      %unpack3A_181 = tpu.unpack_subelements %bitcast3A_179, 1 {pack_format = #tpu.pack_format<interleaved>} : vector<32xbf16> -> vector<16xf32>
      %scan3A_182 = arith.constant 0 : i32
      %scan3A_183 = arith.constant 0 : i32
      %scan3A_184 = arith.constant 27 : i32
      %scan3A_185 = arith.addi %scan3A_183, %scan3A_184 : i32
      %scan3A_186 = arith.constant 1 : i32
      scf.for %scan3A_195 = %scan3A_183 to %scan3A_185 step %scan3A_186  : i32 {
        %mul3A_196 = arith.constant 16 : i32
        %mul3A_197 = arith.muli %scan3A_195, %mul3A_196 : i32
        %add3A_198 = arith.constant 0 : i32
        %add3A_199 = arith.addi %mul3A_197, %add3A_198 : i32
        %get3A_200 = arith.index_cast %add3A_199 : i32 to index
        %get3A_201 = arith.constant 0 : index
        %get3A_202 = tpu.vector_load %arg12[%get3A_200, %get3A_201] {strides = array<i32>} : memref<432x32xi32, #tpu.memory_space<vmem>>, vector<16xi32>,
        %bitcast3A_203 = vector.bitcast %get3A_202 : vector<16xi32> to vector<32xbf16>
        %unpack3A_204 = tpu.unpack_subelements %bitcast3A_203, 0 {pack_format = #tpu.pack_format<interleaved>} : vector<32xbf16> -> vector<16xf32>
        %unpack3A_205 = tpu.unpack_subelements %bitcast3A_203, 1 {pack_format = #tpu.pack_format<interleaved>} : vector<32xbf16> -> vector<16xf32>
        %get3A_206 = arith.index_cast %add3A_199 : i32 to index
        %get3A_207 = arith.constant 16 : index
        %get3A_208 = tpu.vector_load %arg12[%get3A_206, %get3A_207] {strides = array<i32>} : memref<432x32xi32, #tpu.memory_space<vmem>>, vector<16xi32>,
        %bitcast3A_209 = vector.bitcast %get3A_208 : vector<16xi32> to vector<32xbf16>
        %unpack3A_210 = tpu.unpack_subelements %bitcast3A_209, 0 {pack_format = #tpu.pack_format<interleaved>} : vector<32xbf16> -> vector<16xf32>
        %unpack3A_211 = tpu.unpack_subelements %bitcast3A_209, 1 {pack_format = #tpu.pack_format<interleaved>} : vector<32xbf16> -> vector<16xf32>
        %mul3A_212 = arith.mulf %unpack3A_204, %unpack3A_174 : vector<16xf32>
        %mul3A_213 = arith.mulf %unpack3A_205, %unpack3A_175 : vector<16xf32>
        %add3A_214 = arith.addf %mul3A_212, %mul3A_213 : vector<16xf32>
        %mul3A_215 = arith.mulf %unpack3A_210, %unpack3A_180 : vector<16xf32>
        %mul3A_216 = arith.mulf %unpack3A_211, %unpack3A_181 : vector<16xf32>
        %add3A_217 = arith.addf %mul3A_215, %mul3A_216 : vector<16xf32>
        %add3A_218 = arith.addf %add3A_214, %add3A_217 : vector<16xf32>
        %broadcast_in_dim3A = arith.constant true
        %broadcast_in_dim3A_219 = vector.broadcast %broadcast_in_dim3A : i1 to vector<16xi1>
        %masked_cumsum3A = tpu.scan <sum>, %add3A_218 masked %broadcast_in_dim3A_219 : vector<16xf32>, vector<16xi1> -> vector<16xf32>
        %rev3A = arith.constant 15 : i32
        %rev3A_220 = vector.broadcast %rev3A : i32 to vector<16xi32>
        %rev3A_221 = tpu.iota {dimensions = array<i32: 0>} : vector<16xi32>
        %rev3A_222 = arith.subi %rev3A_220, %rev3A_221 : vector<16xi32>
        %rev3A_223 = tpu.dynamic_gather %add3A_218[%rev3A_222] in [0] : vector<16xf32>, vector<16xi32> -> vector<16xf32>
        %broadcast_in_dim3A_224 = arith.constant true
        %broadcast_in_dim3A_225 = vector.broadcast %broadcast_in_dim3A_224 : i1 to vector<16xi1>
        %masked_cumsum3A_226 = tpu.scan <sum>, %rev3A_223 masked %broadcast_in_dim3A_225 : vector<16xf32>, vector<16xi1> -> vector<16xf32>
        %rev3A_227 = arith.constant 15 : i32
        %rev3A_228 = vector.broadcast %rev3A_227 : i32 to vector<16xi32>
        %rev3A_229 = tpu.iota {dimensions = array<i32: 0>} : vector<16xi32>
        %rev3A_230 = arith.subi %rev3A_228, %rev3A_229 : vector<16xi32>
        %rev3A_231 = tpu.dynamic_gather %masked_cumsum3A_226[%rev3A_230] in [0] : vector<16xf32>, vector<16xi32> -> vector<16xf32>
        %add3A_232 = arith.addf %masked_cumsum3A, %rev3A_231 : vector<16xf32>
        %sub3A = arith.subf %add3A_232, %add3A_218 : vector<16xf32>
        %eq3A = arith.constant 0 : i32
        %eq3A_233 = vector.broadcast %eq3A : i32 to vector<16xi32>
        %eq3A_234 = arith.cmpi eq, %iota3A, %eq3A_233 : vector<16xi32>
        %jit3A = arith.constant 0.000000e+00 : f32
        %broadcast_in_dim3A_235 = vector.broadcast %jit3A : f32 to vector<16xf32>
        %select_n3A = arith.select %eq3A_234, %sub3A, %broadcast_in_dim3A_235 : vector<16xi1>, vector<16xf32>
        %mul3A_236 = arith.constant 16 : i32
        %mul3A_237 = arith.muli %scan3A_195, %mul3A_236 : i32
        %add3A_238 = arith.constant 1 : i32
        %add3A_239 = arith.addi %mul3A_237, %add3A_238 : i32
        %get3A_240 = arith.index_cast %add3A_239 : i32 to index
        %get3A_241 = arith.constant 0 : index
        %get3A_242 = tpu.vector_load %arg12[%get3A_240, %get3A_241] {strides = array<i32>} : memref<432x32xi32, #tpu.memory_space<vmem>>, vector<16xi32>,
        %bitcast3A_243 = vector.bitcast %get3A_242 : vector<16xi32> to vector<32xbf16>
        %unpack3A_244 = tpu.unpack_subelements %bitcast3A_243, 0 {pack_format = #tpu.pack_format<interleaved>} : vector<32xbf16> -> vector<16xf32>
        %unpack3A_245 = tpu.unpack_subelements %bitcast3A_243, 1 {pack_format = #tpu.pack_format<interleaved>} : vector<32xbf16> -> vector<16xf32>
        %get3A_246 = arith.index_cast %add3A_239 : i32 to index
        %get3A_247 = arith.constant 16 : index
        %get3A_248 = tpu.vector_load %arg12[%get3A_246, %get3A_247] {strides = array<i32>} : memref<432x32xi32, #tpu.memory_space<vmem>>, vector<16xi32>,
        %bitcast3A_249 = vector.bitcast %get3A_248 : vector<16xi32> to vector<32xbf16>
        %unpack3A_250 = tpu.unpack_subelements %bitcast3A_249, 0 {pack_format = #tpu.pack_format<interleaved>} : vector<32xbf16> -> vector<16xf32>
        %unpack3A_251 = tpu.unpack_subelements %bitcast3A_249, 1 {pack_format = #tpu.pack_format<interleaved>} : vector<32xbf16> -> vector<16xf32>
        %mul3A_252 = arith.mulf %unpack3A_244, %unpack3A_174 : vector<16xf32>
        %mul3A_253 = arith.mulf %unpack3A_245, %unpack3A_175 : vector<16xf32>
        %add3A_254 = arith.addf %mul3A_252, %mul3A_253 : vector<16xf32>
        %mul3A_255 = arith.mulf %unpack3A_250, %unpack3A_180 : vector<16xf32>
        %mul3A_256 = arith.mulf %unpack3A_251, %unpack3A_181 : vector<16xf32>
        %add3A_257 = arith.addf %mul3A_255, %mul3A_256 : vector<16xf32>
        %add3A_258 = arith.addf %add3A_254, %add3A_257 : vector<16xf32>
        %broadcast_in_dim3A_259 = arith.constant true
        %broadcast_in_dim3A_260 = vector.broadcast %broadcast_in_dim3A_259 : i1 to vector<16xi1>
        %masked_cumsum3A_261 = tpu.scan <sum>, %add3A_258 masked %broadcast_in_dim3A_260 : vector<16xf32>, vector<16xi1> -> vector<16xf32>
        %rev3A_262 = arith.constant 15 : i32
        %rev3A_263 = vector.broadcast %rev3A_262 : i32 to vector<16xi32>
        %rev3A_264 = tpu.iota {dimensions = array<i32: 0>} : vector<16xi32>
        %rev3A_265 = arith.subi %rev3A_263, %rev3A_264 : vector<16xi32>
        %rev3A_266 = tpu.dynamic_gather %add3A_258[%rev3A_265] in [0] : vector<16xf32>, vector<16xi32> -> vector<16xf32>
        %broadcast_in_dim3A_267 = arith.constant true
        %broadcast_in_dim3A_268 = vector.broadcast %broadcast_in_dim3A_267 : i1 to vector<16xi1>
        %masked_cumsum3A_269 = tpu.scan <sum>, %rev3A_266 masked %broadcast_in_dim3A_268 : vector<16xf32>, vector<16xi1> -> vector<16xf32>
        %rev3A_270 = arith.constant 15 : i32
        %rev3A_271 = vector.broadcast %rev3A_270 : i32 to vector<16xi32>
        %rev3A_272 = tpu.iota {dimensions = array<i32: 0>} : vector<16xi32>
        %rev3A_273 = arith.subi %rev3A_271, %rev3A_272 : vector<16xi32>
        %rev3A_274 = tpu.dynamic_gather %masked_cumsum3A_269[%rev3A_273] in [0] : vector<16xf32>, vector<16xi32> -> vector<16xf32>
        %add3A_275 = arith.addf %masked_cumsum3A_261, %rev3A_274 : vector<16xf32>
        %sub3A_276 = arith.subf %add3A_275, %add3A_258 : vector<16xf32>
        %eq3A_277 = arith.constant 1 : i32
        %eq3A_278 = vector.broadcast %eq3A_277 : i32 to vector<16xi32>
        %eq3A_279 = arith.cmpi eq, %iota3A, %eq3A_278 : vector<16xi32>
        %jit3A_280 = arith.constant 0.000000e+00 : f32
        %broadcast_in_dim3A_281 = vector.broadcast %jit3A_280 : f32 to vector<16xf32>
        %select_n3A_282 = arith.select %eq3A_279, %sub3A_276, %broadcast_in_dim3A_281 : vector<16xi1>, vector<16xf32>
        %mul3A_283 = arith.constant 16 : i32
        %mul3A_284 = arith.muli %scan3A_195, %mul3A_283 : i32
        %add3A_285 = arith.constant 2 : i32
        %add3A_286 = arith.addi %mul3A_284, %add3A_285 : i32
        %get3A_287 = arith.index_cast %add3A_286 : i32 to index
        %get3A_288 = arith.constant 0 : index
        %get3A_289 = tpu.vector_load %arg12[%get3A_287, %get3A_288] {strides = array<i32>} : memref<432x32xi32, #tpu.memory_space<vmem>>, vector<16xi32>,
        %bitcast3A_290 = vector.bitcast %get3A_289 : vector<16xi32> to vector<32xbf16>
        %unpack3A_291 = tpu.unpack_subelements %bitcast3A_290, 0 {pack_format = #tpu.pack_format<interleaved>} : vector<32xbf16> -> vector<16xf32>
        %unpack3A_292 = tpu.unpack_subelements %bitcast3A_290, 1 {pack_format = #tpu.pack_format<interleaved>} : vector<32xbf16> -> vector<16xf32>
        %get3A_293 = arith.index_cast %add3A_286 : i32 to index
        %get3A_294 = arith.constant 16 : index
        %get3A_295 = tpu.vector_load %arg12[%get3A_293, %get3A_294] {strides = array<i32>} : memref<432x32xi32, #tpu.memory_space<vmem>>, vector<16xi32>,
        %bitcast3A_296 = vector.bitcast %get3A_295 : vector<16xi32> to vector<32xbf16>
        %unpack3A_297 = tpu.unpack_subelements %bitcast3A_296, 0 {pack_format = #tpu.pack_format<interleaved>} : vector<32xbf16> -> vector<16xf32>
        %unpack3A_298 = tpu.unpack_subelements %bitcast3A_296, 1 {pack_format = #tpu.pack_format<interleaved>} : vector<32xbf16> -> vector<16xf32>
        %mul3A_299 = arith.mulf %unpack3A_291, %unpack3A_174 : vector<16xf32>
        %mul3A_300 = arith.mulf %unpack3A_292, %unpack3A_175 : vector<16xf32>
        %add3A_301 = arith.addf %mul3A_299, %mul3A_300 : vector<16xf32>
        %mul3A_302 = arith.mulf %unpack3A_297, %unpack3A_180 : vector<16xf32>
        %mul3A_303 = arith.mulf %unpack3A_298, %unpack3A_181 : vector<16xf32>
        %add3A_304 = arith.addf %mul3A_302, %mul3A_303 : vector<16xf32>
        %add3A_305 = arith.addf %add3A_301, %add3A_304 : vector<16xf32>
        %broadcast_in_dim3A_306 = arith.constant true
        %broadcast_in_dim3A_307 = vector.broadcast %broadcast_in_dim3A_306 : i1 to vector<16xi1>
        %masked_cumsum3A_308 = tpu.scan <sum>, %add3A_305 masked %broadcast_in_dim3A_307 : vector<16xf32>, vector<16xi1> -> vector<16xf32>
        %rev3A_309 = arith.constant 15 : i32
        %rev3A_310 = vector.broadcast %rev3A_309 : i32 to vector<16xi32>
        %rev3A_311 = tpu.iota {dimensions = array<i32: 0>} : vector<16xi32>
        %rev3A_312 = arith.subi %rev3A_310, %rev3A_311 : vector<16xi32>
        %rev3A_313 = tpu.dynamic_gather %add3A_305[%rev3A_312] in [0] : vector<16xf32>, vector<16xi32> -> vector<16xf32>
        %broadcast_in_dim3A_314 = arith.constant true
        %broadcast_in_dim3A_315 = vector.broadcast %broadcast_in_dim3A_314 : i1 to vector<16xi1>
        %masked_cumsum3A_316 = tpu.scan <sum>, %rev3A_313 masked %broadcast_in_dim3A_315 : vector<16xf32>, vector<16xi1> -> vector<16xf32>
        %rev3A_317 = arith.constant 15 : i32
        %rev3A_318 = vector.broadcast %rev3A_317 : i32 to vector<16xi32>
        %rev3A_319 = tpu.iota {dimensions = array<i32: 0>} : vector<16xi32>
        %rev3A_320 = arith.subi %rev3A_318, %rev3A_319 : vector<16xi32>
        %rev3A_321 = tpu.dynamic_gather %masked_cumsum3A_316[%rev3A_320] in [0] : vector<16xf32>, vector<16xi32> -> vector<16xf32>
        %add3A_322 = arith.addf %masked_cumsum3A_308, %rev3A_321 : vector<16xf32>
        %sub3A_323 = arith.subf %add3A_322, %add3A_305 : vector<16xf32>
        %eq3A_324 = arith.constant 2 : i32
        %eq3A_325 = vector.broadcast %eq3A_324 : i32 to vector<16xi32>
        %eq3A_326 = arith.cmpi eq, %iota3A, %eq3A_325 : vector<16xi32>
        %jit3A_327 = arith.constant 0.000000e+00 : f32
        %broadcast_in_dim3A_328 = vector.broadcast %jit3A_327 : f32 to vector<16xf32>
        %select_n3A_329 = arith.select %eq3A_326, %sub3A_323, %broadcast_in_dim3A_328 : vector<16xi1>, vector<16xf32>
        %mul3A_330 = arith.constant 16 : i32
        %mul3A_331 = arith.muli %scan3A_195, %mul3A_330 : i32
        %add3A_332 = arith.constant 3 : i32
        %add3A_333 = arith.addi %mul3A_331, %add3A_332 : i32
        %get3A_334 = arith.index_cast %add3A_333 : i32 to index
        %get3A_335 = arith.constant 0 : index
        %get3A_336 = tpu.vector_load %arg12[%get3A_334, %get3A_335] {strides = array<i32>} : memref<432x32xi32, #tpu.memory_space<vmem>>, vector<16xi32>,
        %bitcast3A_337 = vector.bitcast %get3A_336 : vector<16xi32> to vector<32xbf16>
        %unpack3A_338 = tpu.unpack_subelements %bitcast3A_337, 0 {pack_format = #tpu.pack_format<interleaved>} : vector<32xbf16> -> vector<16xf32>
        %unpack3A_339 = tpu.unpack_subelements %bitcast3A_337, 1 {pack_format = #tpu.pack_format<interleaved>} : vector<32xbf16> -> vector<16xf32>
        %get3A_340 = arith.index_cast %add3A_333 : i32 to index
        %get3A_341 = arith.constant 16 : index
        %get3A_342 = tpu.vector_load %arg12[%get3A_340, %get3A_341] {strides = array<i32>} : memref<432x32xi32, #tpu.memory_space<vmem>>, vector<16xi32>,
        %bitcast3A_343 = vector.bitcast %get3A_342 : vector<16xi32> to vector<32xbf16>
        %unpack3A_344 = tpu.unpack_subelements %bitcast3A_343, 0 {pack_format = #tpu.pack_format<interleaved>} : vector<32xbf16> -> vector<16xf32>
        %unpack3A_345 = tpu.unpack_subelements %bitcast3A_343, 1 {pack_format = #tpu.pack_format<interleaved>} : vector<32xbf16> -> vector<16xf32>
        %mul3A_346 = arith.mulf %unpack3A_338, %unpack3A_174 : vector<16xf32>
        %mul3A_347 = arith.mulf %unpack3A_339, %unpack3A_175 : vector<16xf32>
        %add3A_348 = arith.addf %mul3A_346, %mul3A_347 : vector<16xf32>
        %mul3A_349 = arith.mulf %unpack3A_344, %unpack3A_180 : vector<16xf32>
        %mul3A_350 = arith.mulf %unpack3A_345, %unpack3A_181 : vector<16xf32>
        %add3A_351 = arith.addf %mul3A_349, %mul3A_350 : vector<16xf32>
        %add3A_352 = arith.addf %add3A_348, %add3A_351 : vector<16xf32>
        %broadcast_in_dim3A_353 = arith.constant true
        %broadcast_in_dim3A_354 = vector.broadcast %broadcast_in_dim3A_353 : i1 to vector<16xi1>
        %masked_cumsum3A_355 = tpu.scan <sum>, %add3A_352 masked %broadcast_in_dim3A_354 : vector<16xf32>, vector<16xi1> -> vector<16xf32>
        %rev3A_356 = arith.constant 15 : i32
        %rev3A_357 = vector.broadcast %rev3A_356 : i32 to vector<16xi32>
        %rev3A_358 = tpu.iota {dimensions = array<i32: 0>} : vector<16xi32>
        %rev3A_359 = arith.subi %rev3A_357, %rev3A_358 : vector<16xi32>
        %rev3A_360 = tpu.dynamic_gather %add3A_352[%rev3A_359] in [0] : vector<16xf32>, vector<16xi32> -> vector<16xf32>
        %broadcast_in_dim3A_361 = arith.constant true
        %broadcast_in_dim3A_362 = vector.broadcast %broadcast_in_dim3A_361 : i1 to vector<16xi1>
        %masked_cumsum3A_363 = tpu.scan <sum>, %rev3A_360 masked %broadcast_in_dim3A_362 : vector<16xf32>, vector<16xi1> -> vector<16xf32>
        %rev3A_364 = arith.constant 15 : i32
        %rev3A_365 = vector.broadcast %rev3A_364 : i32 to vector<16xi32>
        %rev3A_366 = tpu.iota {dimensions = array<i32: 0>} : vector<16xi32>
        %rev3A_367 = arith.subi %rev3A_365, %rev3A_366 : vector<16xi32>
        %rev3A_368 = tpu.dynamic_gather %masked_cumsum3A_363[%rev3A_367] in [0] : vector<16xf32>, vector<16xi32> -> vector<16xf32>
        %add3A_369 = arith.addf %masked_cumsum3A_355, %rev3A_368 : vector<16xf32>
        %sub3A_370 = arith.subf %add3A_369, %add3A_352 : vector<16xf32>
        %eq3A_371 = arith.constant 3 : i32
        %eq3A_372 = vector.broadcast %eq3A_371 : i32 to vector<16xi32>
        %eq3A_373 = arith.cmpi eq, %iota3A, %eq3A_372 : vector<16xi32>
        %jit3A_374 = arith.constant 0.000000e+00 : f32
        %broadcast_in_dim3A_375 = vector.broadcast %jit3A_374 : f32 to vector<16xf32>
        %select_n3A_376 = arith.select %eq3A_373, %sub3A_370, %broadcast_in_dim3A_375 : vector<16xi1>, vector<16xf32>
        %mul3A_377 = arith.constant 16 : i32
        %mul3A_378 = arith.muli %scan3A_195, %mul3A_377 : i32
        %add3A_379 = arith.constant 4 : i32
        %add3A_380 = arith.addi %mul3A_378, %add3A_379 : i32
        %get3A_381 = arith.index_cast %add3A_380 : i32 to index
        %get3A_382 = arith.constant 0 : index
        %get3A_383 = tpu.vector_load %arg12[%get3A_381, %get3A_382] {strides = array<i32>} : memref<432x32xi32, #tpu.memory_space<vmem>>, vector<16xi32>,
        %bitcast3A_384 = vector.bitcast %get3A_383 : vector<16xi32> to vector<32xbf16>
        %unpack3A_385 = tpu.unpack_subelements %bitcast3A_384, 0 {pack_format = #tpu.pack_format<interleaved>} : vector<32xbf16> -> vector<16xf32>
        %unpack3A_386 = tpu.unpack_subelements %bitcast3A_384, 1 {pack_format = #tpu.pack_format<interleaved>} : vector<32xbf16> -> vector<16xf32>
        %get3A_387 = arith.index_cast %add3A_380 : i32 to index
        %get3A_388 = arith.constant 16 : index
        %get3A_389 = tpu.vector_load %arg12[%get3A_387, %get3A_388] {strides = array<i32>} : memref<432x32xi32, #tpu.memory_space<vmem>>, vector<16xi32>,
        %bitcast3A_390 = vector.bitcast %get3A_389 : vector<16xi32> to vector<32xbf16>
        %unpack3A_391 = tpu.unpack_subelements %bitcast3A_390, 0 {pack_format = #tpu.pack_format<interleaved>} : vector<32xbf16> -> vector<16xf32>
        %unpack3A_392 = tpu.unpack_subelements %bitcast3A_390, 1 {pack_format = #tpu.pack_format<interleaved>} : vector<32xbf16> -> vector<16xf32>
        %mul3A_393 = arith.mulf %unpack3A_385, %unpack3A_174 : vector<16xf32>
        %mul3A_394 = arith.mulf %unpack3A_386, %unpack3A_175 : vector<16xf32>
        %add3A_395 = arith.addf %mul3A_393, %mul3A_394 : vector<16xf32>
        %mul3A_396 = arith.mulf %unpack3A_391, %unpack3A_180 : vector<16xf32>
        %mul3A_397 = arith.mulf %unpack3A_392, %unpack3A_181 : vector<16xf32>
        %add3A_398 = arith.addf %mul3A_396, %mul3A_397 : vector<16xf32>
        %add3A_399 = arith.addf %add3A_395, %add3A_398 : vector<16xf32>
        %broadcast_in_dim3A_400 = arith.constant true
        %broadcast_in_dim3A_401 = vector.broadcast %broadcast_in_dim3A_400 : i1 to vector<16xi1>
        %masked_cumsum3A_402 = tpu.scan <sum>, %add3A_399 masked %broadcast_in_dim3A_401 : vector<16xf32>, vector<16xi1> -> vector<16xf32>
        %rev3A_403 = arith.constant 15 : i32
        %rev3A_404 = vector.broadcast %rev3A_403 : i32 to vector<16xi32>
        %rev3A_405 = tpu.iota {dimensions = array<i32: 0>} : vector<16xi32>
        %rev3A_406 = arith.subi %rev3A_404, %rev3A_405 : vector<16xi32>
        %rev3A_407 = tpu.dynamic_gather %add3A_399[%rev3A_406] in [0] : vector<16xf32>, vector<16xi32> -> vector<16xf32>
        %broadcast_in_dim3A_408 = arith.constant true
        %broadcast_in_dim3A_409 = vector.broadcast %broadcast_in_dim3A_408 : i1 to vector<16xi1>
        %masked_cumsum3A_410 = tpu.scan <sum>, %rev3A_407 masked %broadcast_in_dim3A_409 : vector<16xf32>, vector<16xi1> -> vector<16xf32>
        %rev3A_411 = arith.constant 15 : i32
        %rev3A_412 = vector.broadcast %rev3A_411 : i32 to vector<16xi32>
        %rev3A_413 = tpu.iota {dimensions = array<i32: 0>} : vector<16xi32>
        %rev3A_414 = arith.subi %rev3A_412, %rev3A_413 : vector<16xi32>
        %rev3A_415 = tpu.dynamic_gather %masked_cumsum3A_410[%rev3A_414] in [0] : vector<16xf32>, vector<16xi32> -> vector<16xf32>
        %add3A_416 = arith.addf %masked_cumsum3A_402, %rev3A_415 : vector<16xf32>
        %sub3A_417 = arith.subf %add3A_416, %add3A_399 : vector<16xf32>
        %eq3A_418 = arith.constant 4 : i32
        %eq3A_419 = vector.broadcast %eq3A_418 : i32 to vector<16xi32>
        %eq3A_420 = arith.cmpi eq, %iota3A, %eq3A_419 : vector<16xi32>
        %jit3A_421 = arith.constant 0.000000e+00 : f32
        %broadcast_in_dim3A_422 = vector.broadcast %jit3A_421 : f32 to vector<16xf32>
        %select_n3A_423 = arith.select %eq3A_420, %sub3A_417, %broadcast_in_dim3A_422 : vector<16xi1>, vector<16xf32>
        %mul3A_424 = arith.constant 16 : i32
        %mul3A_425 = arith.muli %scan3A_195, %mul3A_424 : i32
        %add3A_426 = arith.constant 5 : i32
        %add3A_427 = arith.addi %mul3A_425, %add3A_426 : i32
        %get3A_428 = arith.index_cast %add3A_427 : i32 to index
        %get3A_429 = arith.constant 0 : index
        %get3A_430 = tpu.vector_load %arg12[%get3A_428, %get3A_429] {strides = array<i32>} : memref<432x32xi32, #tpu.memory_space<vmem>>, vector<16xi32>,
        %bitcast3A_431 = vector.bitcast %get3A_430 : vector<16xi32> to vector<32xbf16>
        %unpack3A_432 = tpu.unpack_subelements %bitcast3A_431, 0 {pack_format = #tpu.pack_format<interleaved>} : vector<32xbf16> -> vector<16xf32>
        %unpack3A_433 = tpu.unpack_subelements %bitcast3A_431, 1 {pack_format = #tpu.pack_format<interleaved>} : vector<32xbf16> -> vector<16xf32>
        %get3A_434 = arith.index_cast %add3A_427 : i32 to index
        %get3A_435 = arith.constant 16 : index
        %get3A_436 = tpu.vector_load %arg12[%get3A_434, %get3A_435] {strides = array<i32>} : memref<432x32xi32, #tpu.memory_space<vmem>>, vector<16xi32>,
        %bitcast3A_437 = vector.bitcast %get3A_436 : vector<16xi32> to vector<32xbf16>
        %unpack3A_438 = tpu.unpack_subelements %bitcast3A_437, 0 {pack_format = #tpu.pack_format<interleaved>} : vector<32xbf16> -> vector<16xf32>
        %unpack3A_439 = tpu.unpack_subelements %bitcast3A_437, 1 {pack_format = #tpu.pack_format<interleaved>} : vector<32xbf16> -> vector<16xf32>
        %mul3A_440 = arith.mulf %unpack3A_432, %unpack3A_174 : vector<16xf32>
        %mul3A_441 = arith.mulf %unpack3A_433, %unpack3A_175 : vector<16xf32>
        %add3A_442 = arith.addf %mul3A_440, %mul3A_441 : vector<16xf32>
        %mul3A_443 = arith.mulf %unpack3A_438, %unpack3A_180 : vector<16xf32>
        %mul3A_444 = arith.mulf %unpack3A_439, %unpack3A_181 : vector<16xf32>
        %add3A_445 = arith.addf %mul3A_443, %mul3A_444 : vector<16xf32>
        %add3A_446 = arith.addf %add3A_442, %add3A_445 : vector<16xf32>
        %broadcast_in_dim3A_447 = arith.constant true
        %broadcast_in_dim3A_448 = vector.broadcast %broadcast_in_dim3A_447 : i1 to vector<16xi1>
        %masked_cumsum3A_449 = tpu.scan <sum>, %add3A_446 masked %broadcast_in_dim3A_448 : vector<16xf32>, vector<16xi1> -> vector<16xf32>
        %rev3A_450 = arith.constant 15 : i32
        %rev3A_451 = vector.broadcast %rev3A_450 : i32 to vector<16xi32>
        %rev3A_452 = tpu.iota {dimensions = array<i32: 0>} : vector<16xi32>
        %rev3A_453 = arith.subi %rev3A_451, %rev3A_452 : vector<16xi32>
        %rev3A_454 = tpu.dynamic_gather %add3A_446[%rev3A_453] in [0] : vector<16xf32>, vector<16xi32> -> vector<16xf32>
        %broadcast_in_dim3A_455 = arith.constant true
        %broadcast_in_dim3A_456 = vector.broadcast %broadcast_in_dim3A_455 : i1 to vector<16xi1>
        %masked_cumsum3A_457 = tpu.scan <sum>, %rev3A_454 masked %broadcast_in_dim3A_456 : vector<16xf32>, vector<16xi1> -> vector<16xf32>
        %rev3A_458 = arith.constant 15 : i32
        %rev3A_459 = vector.broadcast %rev3A_458 : i32 to vector<16xi32>
        %rev3A_460 = tpu.iota {dimensions = array<i32: 0>} : vector<16xi32>
        %rev3A_461 = arith.subi %rev3A_459, %rev3A_460 : vector<16xi32>
        %rev3A_462 = tpu.dynamic_gather %masked_cumsum3A_457[%rev3A_461] in [0] : vector<16xf32>, vector<16xi32> -> vector<16xf32>
        %add3A_463 = arith.addf %masked_cumsum3A_449, %rev3A_462 : vector<16xf32>
        %sub3A_464 = arith.subf %add3A_463, %add3A_446 : vector<16xf32>
        %eq3A_465 = arith.constant 5 : i32
        %eq3A_466 = vector.broadcast %eq3A_465 : i32 to vector<16xi32>
        %eq3A_467 = arith.cmpi eq, %iota3A, %eq3A_466 : vector<16xi32>
        %jit3A_468 = arith.constant 0.000000e+00 : f32
        %broadcast_in_dim3A_469 = vector.broadcast %jit3A_468 : f32 to vector<16xf32>
        %select_n3A_470 = arith.select %eq3A_467, %sub3A_464, %broadcast_in_dim3A_469 : vector<16xi1>, vector<16xf32>
        %mul3A_471 = arith.constant 16 : i32
        %mul3A_472 = arith.muli %scan3A_195, %mul3A_471 : i32
        %add3A_473 = arith.constant 6 : i32
        %add3A_474 = arith.addi %mul3A_472, %add3A_473 : i32
        %get3A_475 = arith.index_cast %add3A_474 : i32 to index
        %get3A_476 = arith.constant 0 : index
        %get3A_477 = tpu.vector_load %arg12[%get3A_475, %get3A_476] {strides = array<i32>} : memref<432x32xi32, #tpu.memory_space<vmem>>, vector<16xi32>,
        %bitcast3A_478 = vector.bitcast %get3A_477 : vector<16xi32> to vector<32xbf16>
        %unpack3A_479 = tpu.unpack_subelements %bitcast3A_478, 0 {pack_format = #tpu.pack_format<interleaved>} : vector<32xbf16> -> vector<16xf32>
        %unpack3A_480 = tpu.unpack_subelements %bitcast3A_478, 1 {pack_format = #tpu.pack_format<interleaved>} : vector<32xbf16> -> vector<16xf32>
        %get3A_481 = arith.index_cast %add3A_474 : i32 to index
        %get3A_482 = arith.constant 16 : index
        %get3A_483 = tpu.vector_load %arg12[%get3A_481, %get3A_482] {strides = array<i32>} : memref<432x32xi32, #tpu.memory_space<vmem>>, vector<16xi32>,
        %bitcast3A_484 = vector.bitcast %get3A_483 : vector<16xi32> to vector<32xbf16>
        %unpack3A_485 = tpu.unpack_subelements %bitcast3A_484, 0 {pack_format = #tpu.pack_format<interleaved>} : vector<32xbf16> -> vector<16xf32>
        %unpack3A_486 = tpu.unpack_subelements %bitcast3A_484, 1 {pack_format = #tpu.pack_format<interleaved>} : vector<32xbf16> -> vector<16xf32>
        %mul3A_487 = arith.mulf %unpack3A_479, %unpack3A_174 : vector<16xf32>
        %mul3A_488 = arith.mulf %unpack3A_480, %unpack3A_175 : vector<16xf32>
        %add3A_489 = arith.addf %mul3A_487, %mul3A_488 : vector<16xf32>
        %mul3A_490 = arith.mulf %unpack3A_485, %unpack3A_180 : vector<16xf32>
        %mul3A_491 = arith.mulf %unpack3A_486, %unpack3A_181 : vector<16xf32>
        %add3A_492 = arith.addf %mul3A_490, %mul3A_491 : vector<16xf32>
        %add3A_493 = arith.addf %add3A_489, %add3A_492 : vector<16xf32>
        %broadcast_in_dim3A_494 = arith.constant true
        %broadcast_in_dim3A_495 = vector.broadcast %broadcast_in_dim3A_494 : i1 to vector<16xi1>
        %masked_cumsum3A_496 = tpu.scan <sum>, %add3A_493 masked %broadcast_in_dim3A_495 : vector<16xf32>, vector<16xi1> -> vector<16xf32>
        %rev3A_497 = arith.constant 15 : i32
        %rev3A_498 = vector.broadcast %rev3A_497 : i32 to vector<16xi32>
        %rev3A_499 = tpu.iota {dimensions = array<i32: 0>} : vector<16xi32>
        %rev3A_500 = arith.subi %rev3A_498, %rev3A_499 : vector<16xi32>
        %rev3A_501 = tpu.dynamic_gather %add3A_493[%rev3A_500] in [0] : vector<16xf32>, vector<16xi32> -> vector<16xf32>
        %broadcast_in_dim3A_502 = arith.constant true
        %broadcast_in_dim3A_503 = vector.broadcast %broadcast_in_dim3A_502 : i1 to vector<16xi1>
        %masked_cumsum3A_504 = tpu.scan <sum>, %rev3A_501 masked %broadcast_in_dim3A_503 : vector<16xf32>, vector<16xi1> -> vector<16xf32>
        %rev3A_505 = arith.constant 15 : i32
        %rev3A_506 = vector.broadcast %rev3A_505 : i32 to vector<16xi32>
        %rev3A_507 = tpu.iota {dimensions = array<i32: 0>} : vector<16xi32>
        %rev3A_508 = arith.subi %rev3A_506, %rev3A_507 : vector<16xi32>
        %rev3A_509 = tpu.dynamic_gather %masked_cumsum3A_504[%rev3A_508] in [0] : vector<16xf32>, vector<16xi32> -> vector<16xf32>
        %add3A_510 = arith.addf %masked_cumsum3A_496, %rev3A_509 : vector<16xf32>
        %sub3A_511 = arith.subf %add3A_510, %add3A_493 : vector<16xf32>
        %eq3A_512 = arith.constant 6 : i32
        %eq3A_513 = vector.broadcast %eq3A_512 : i32 to vector<16xi32>
        %eq3A_514 = arith.cmpi eq, %iota3A, %eq3A_513 : vector<16xi32>
        %jit3A_515 = arith.constant 0.000000e+00 : f32
        %broadcast_in_dim3A_516 = vector.broadcast %jit3A_515 : f32 to vector<16xf32>
        %select_n3A_517 = arith.select %eq3A_514, %sub3A_511, %broadcast_in_dim3A_516 : vector<16xi1>, vector<16xf32>
        %mul3A_518 = arith.constant 16 : i32
        %mul3A_519 = arith.muli %scan3A_195, %mul3A_518 : i32
        %add3A_520 = arith.constant 7 : i32
        %add3A_521 = arith.addi %mul3A_519, %add3A_520 : i32
        %get3A_522 = arith.index_cast %add3A_521 : i32 to index
        %get3A_523 = arith.constant 0 : index
        %get3A_524 = tpu.vector_load %arg12[%get3A_522, %get3A_523] {strides = array<i32>} : memref<432x32xi32, #tpu.memory_space<vmem>>, vector<16xi32>,
        %bitcast3A_525 = vector.bitcast %get3A_524 : vector<16xi32> to vector<32xbf16>
        %unpack3A_526 = tpu.unpack_subelements %bitcast3A_525, 0 {pack_format = #tpu.pack_format<interleaved>} : vector<32xbf16> -> vector<16xf32>
        %unpack3A_527 = tpu.unpack_subelements %bitcast3A_525, 1 {pack_format = #tpu.pack_format<interleaved>} : vector<32xbf16> -> vector<16xf32>
        %get3A_528 = arith.index_cast %add3A_521 : i32 to index
        %get3A_529 = arith.constant 16 : index
        %get3A_530 = tpu.vector_load %arg12[%get3A_528, %get3A_529] {strides = array<i32>} : memref<432x32xi32, #tpu.memory_space<vmem>>, vector<16xi32>,
        %bitcast3A_531 = vector.bitcast %get3A_530 : vector<16xi32> to vector<32xbf16>
        %unpack3A_532 = tpu.unpack_subelements %bitcast3A_531, 0 {pack_format = #tpu.pack_format<interleaved>} : vector<32xbf16> -> vector<16xf32>
        %unpack3A_533 = tpu.unpack_subelements %bitcast3A_531, 1 {pack_format = #tpu.pack_format<interleaved>} : vector<32xbf16> -> vector<16xf32>
        %mul3A_534 = arith.mulf %unpack3A_526, %unpack3A_174 : vector<16xf32>
        %mul3A_535 = arith.mulf %unpack3A_527, %unpack3A_175 : vector<16xf32>
        %add3A_536 = arith.addf %mul3A_534, %mul3A_535 : vector<16xf32>
        %mul3A_537 = arith.mulf %unpack3A_532, %unpack3A_180 : vector<16xf32>
        %mul3A_538 = arith.mulf %unpack3A_533, %unpack3A_181 : vector<16xf32>
        %add3A_539 = arith.addf %mul3A_537, %mul3A_538 : vector<16xf32>
        %add3A_540 = arith.addf %add3A_536, %add3A_539 : vector<16xf32>
        %broadcast_in_dim3A_541 = arith.constant true
        %broadcast_in_dim3A_542 = vector.broadcast %broadcast_in_dim3A_541 : i1 to vector<16xi1>
        %masked_cumsum3A_543 = tpu.scan <sum>, %add3A_540 masked %broadcast_in_dim3A_542 : vector<16xf32>, vector<16xi1> -> vector<16xf32>
        %rev3A_544 = arith.constant 15 : i32
        %rev3A_545 = vector.broadcast %rev3A_544 : i32 to vector<16xi32>
        %rev3A_546 = tpu.iota {dimensions = array<i32: 0>} : vector<16xi32>
        %rev3A_547 = arith.subi %rev3A_545, %rev3A_546 : vector<16xi32>
        %rev3A_548 = tpu.dynamic_gather %add3A_540[%rev3A_547] in [0] : vector<16xf32>, vector<16xi32> -> vector<16xf32>
        %broadcast_in_dim3A_549 = arith.constant true
        %broadcast_in_dim3A_550 = vector.broadcast %broadcast_in_dim3A_549 : i1 to vector<16xi1>
        %masked_cumsum3A_551 = tpu.scan <sum>, %rev3A_548 masked %broadcast_in_dim3A_550 : vector<16xf32>, vector<16xi1> -> vector<16xf32>
        %rev3A_552 = arith.constant 15 : i32
        %rev3A_553 = vector.broadcast %rev3A_552 : i32 to vector<16xi32>
        %rev3A_554 = tpu.iota {dimensions = array<i32: 0>} : vector<16xi32>
        %rev3A_555 = arith.subi %rev3A_553, %rev3A_554 : vector<16xi32>
        %rev3A_556 = tpu.dynamic_gather %masked_cumsum3A_551[%rev3A_555] in [0] : vector<16xf32>, vector<16xi32> -> vector<16xf32>
        %add3A_557 = arith.addf %masked_cumsum3A_543, %rev3A_556 : vector<16xf32>
        %sub3A_558 = arith.subf %add3A_557, %add3A_540 : vector<16xf32>
        %eq3A_559 = arith.constant 7 : i32
        %eq3A_560 = vector.broadcast %eq3A_559 : i32 to vector<16xi32>
        %eq3A_561 = arith.cmpi eq, %iota3A, %eq3A_560 : vector<16xi32>
        %jit3A_562 = arith.constant 0.000000e+00 : f32
        %broadcast_in_dim3A_563 = vector.broadcast %jit3A_562 : f32 to vector<16xf32>
        %select_n3A_564 = arith.select %eq3A_561, %sub3A_558, %broadcast_in_dim3A_563 : vector<16xi1>, vector<16xf32>
        %mul3A_565 = arith.constant 16 : i32
        %mul3A_566 = arith.muli %scan3A_195, %mul3A_565 : i32
        %add3A_567 = arith.constant 8 : i32
        %add3A_568 = arith.addi %mul3A_566, %add3A_567 : i32
        %get3A_569 = arith.index_cast %add3A_568 : i32 to index
        %get3A_570 = arith.constant 0 : index
        %get3A_571 = tpu.vector_load %arg12[%get3A_569, %get3A_570] {strides = array<i32>} : memref<432x32xi32, #tpu.memory_space<vmem>>, vector<16xi32>,
        %bitcast3A_572 = vector.bitcast %get3A_571 : vector<16xi32> to vector<32xbf16>
        %unpack3A_573 = tpu.unpack_subelements %bitcast3A_572, 0 {pack_format = #tpu.pack_format<interleaved>} : vector<32xbf16> -> vector<16xf32>
        %unpack3A_574 = tpu.unpack_subelements %bitcast3A_572, 1 {pack_format = #tpu.pack_format<interleaved>} : vector<32xbf16> -> vector<16xf32>
        %get3A_575 = arith.index_cast %add3A_568 : i32 to index
        %get3A_576 = arith.constant 16 : index
        %get3A_577 = tpu.vector_load %arg12[%get3A_575, %get3A_576] {strides = array<i32>} : memref<432x32xi32, #tpu.memory_space<vmem>>, vector<16xi32>,
        %bitcast3A_578 = vector.bitcast %get3A_577 : vector<16xi32> to vector<32xbf16>
        %unpack3A_579 = tpu.unpack_subelements %bitcast3A_578, 0 {pack_format = #tpu.pack_format<interleaved>} : vector<32xbf16> -> vector<16xf32>
        %unpack3A_580 = tpu.unpack_subelements %bitcast3A_578, 1 {pack_format = #tpu.pack_format<interleaved>} : vector<32xbf16> -> vector<16xf32>
        %mul3A_581 = arith.mulf %unpack3A_573, %unpack3A_174 : vector<16xf32>
        %mul3A_582 = arith.mulf %unpack3A_574, %unpack3A_175 : vector<16xf32>
        %add3A_583 = arith.addf %mul3A_581, %mul3A_582 : vector<16xf32>
        %mul3A_584 = arith.mulf %unpack3A_579, %unpack3A_180 : vector<16xf32>
        %mul3A_585 = arith.mulf %unpack3A_580, %unpack3A_181 : vector<16xf32>
        %add3A_586 = arith.addf %mul3A_584, %mul3A_585 : vector<16xf32>
        %add3A_587 = arith.addf %add3A_583, %add3A_586 : vector<16xf32>
        %broadcast_in_dim3A_588 = arith.constant true
        %broadcast_in_dim3A_589 = vector.broadcast %broadcast_in_dim3A_588 : i1 to vector<16xi1>
        %masked_cumsum3A_590 = tpu.scan <sum>, %add3A_587 masked %broadcast_in_dim3A_589 : vector<16xf32>, vector<16xi1> -> vector<16xf32>
        %rev3A_591 = arith.constant 15 : i32
        %rev3A_592 = vector.broadcast %rev3A_591 : i32 to vector<16xi32>
        %rev3A_593 = tpu.iota {dimensions = array<i32: 0>} : vector<16xi32>
        %rev3A_594 = arith.subi %rev3A_592, %rev3A_593 : vector<16xi32>
        %rev3A_595 = tpu.dynamic_gather %add3A_587[%rev3A_594] in [0] : vector<16xf32>, vector<16xi32> -> vector<16xf32>
        %broadcast_in_dim3A_596 = arith.constant true
        %broadcast_in_dim3A_597 = vector.broadcast %broadcast_in_dim3A_596 : i1 to vector<16xi1>
        %masked_cumsum3A_598 = tpu.scan <sum>, %rev3A_595 masked %broadcast_in_dim3A_597 : vector<16xf32>, vector<16xi1> -> vector<16xf32>
        %rev3A_599 = arith.constant 15 : i32
        %rev3A_600 = vector.broadcast %rev3A_599 : i32 to vector<16xi32>
        %rev3A_601 = tpu.iota {dimensions = array<i32: 0>} : vector<16xi32>
        %rev3A_602 = arith.subi %rev3A_600, %rev3A_601 : vector<16xi32>
        %rev3A_603 = tpu.dynamic_gather %masked_cumsum3A_598[%rev3A_602] in [0] : vector<16xf32>, vector<16xi32> -> vector<16xf32>
        %add3A_604 = arith.addf %masked_cumsum3A_590, %rev3A_603 : vector<16xf32>
        %sub3A_605 = arith.subf %add3A_604, %add3A_587 : vector<16xf32>
        %eq3A_606 = arith.constant 8 : i32
        %eq3A_607 = vector.broadcast %eq3A_606 : i32 to vector<16xi32>
        %eq3A_608 = arith.cmpi eq, %iota3A, %eq3A_607 : vector<16xi32>
        %jit3A_609 = arith.constant 0.000000e+00 : f32
        %broadcast_in_dim3A_610 = vector.broadcast %jit3A_609 : f32 to vector<16xf32>
        %select_n3A_611 = arith.select %eq3A_608, %sub3A_605, %broadcast_in_dim3A_610 : vector<16xi1>, vector<16xf32>
        %mul3A_612 = arith.constant 16 : i32
        %mul3A_613 = arith.muli %scan3A_195, %mul3A_612 : i32
        %add3A_614 = arith.constant 9 : i32
        %add3A_615 = arith.addi %mul3A_613, %add3A_614 : i32
        %get3A_616 = arith.index_cast %add3A_615 : i32 to index
        %get3A_617 = arith.constant 0 : index
        %get3A_618 = tpu.vector_load %arg12[%get3A_616, %get3A_617] {strides = array<i32>} : memref<432x32xi32, #tpu.memory_space<vmem>>, vector<16xi32>,
        %bitcast3A_619 = vector.bitcast %get3A_618 : vector<16xi32> to vector<32xbf16>
        %unpack3A_620 = tpu.unpack_subelements %bitcast3A_619, 0 {pack_format = #tpu.pack_format<interleaved>} : vector<32xbf16> -> vector<16xf32>
        %unpack3A_621 = tpu.unpack_subelements %bitcast3A_619, 1 {pack_format = #tpu.pack_format<interleaved>} : vector<32xbf16> -> vector<16xf32>
        %get3A_622 = arith.index_cast %add3A_615 : i32 to index
        %get3A_623 = arith.constant 16 : index
        %get3A_624 = tpu.vector_load %arg12[%get3A_622, %get3A_623] {strides = array<i32>} : memref<432x32xi32, #tpu.memory_space<vmem>>, vector<16xi32>,
        %bitcast3A_625 = vector.bitcast %get3A_624 : vector<16xi32> to vector<32xbf16>
        %unpack3A_626 = tpu.unpack_subelements %bitcast3A_625, 0 {pack_format = #tpu.pack_format<interleaved>} : vector<32xbf16> -> vector<16xf32>
        %unpack3A_627 = tpu.unpack_subelements %bitcast3A_625, 1 {pack_format = #tpu.pack_format<interleaved>} : vector<32xbf16> -> vector<16xf32>
        %mul3A_628 = arith.mulf %unpack3A_620, %unpack3A_174 : vector<16xf32>
        %mul3A_629 = arith.mulf %unpack3A_621, %unpack3A_175 : vector<16xf32>
        %add3A_630 = arith.addf %mul3A_628, %mul3A_629 : vector<16xf32>
        %mul3A_631 = arith.mulf %unpack3A_626, %unpack3A_180 : vector<16xf32>
        %mul3A_632 = arith.mulf %unpack3A_627, %unpack3A_181 : vector<16xf32>
        %add3A_633 = arith.addf %mul3A_631, %mul3A_632 : vector<16xf32>
        %add3A_634 = arith.addf %add3A_630, %add3A_633 : vector<16xf32>
        %broadcast_in_dim3A_635 = arith.constant true
        %broadcast_in_dim3A_636 = vector.broadcast %broadcast_in_dim3A_635 : i1 to vector<16xi1>
        %masked_cumsum3A_637 = tpu.scan <sum>, %add3A_634 masked %broadcast_in_dim3A_636 : vector<16xf32>, vector<16xi1> -> vector<16xf32>
        %rev3A_638 = arith.constant 15 : i32
        %rev3A_639 = vector.broadcast %rev3A_638 : i32 to vector<16xi32>
        %rev3A_640 = tpu.iota {dimensions = array<i32: 0>} : vector<16xi32>
        %rev3A_641 = arith.subi %rev3A_639, %rev3A_640 : vector<16xi32>
        %rev3A_642 = tpu.dynamic_gather %add3A_634[%rev3A_641] in [0] : vector<16xf32>, vector<16xi32> -> vector<16xf32>
        %broadcast_in_dim3A_643 = arith.constant true
        %broadcast_in_dim3A_644 = vector.broadcast %broadcast_in_dim3A_643 : i1 to vector<16xi1>
        %masked_cumsum3A_645 = tpu.scan <sum>, %rev3A_642 masked %broadcast_in_dim3A_644 : vector<16xf32>, vector<16xi1> -> vector<16xf32>
        %rev3A_646 = arith.constant 15 : i32
        %rev3A_647 = vector.broadcast %rev3A_646 : i32 to vector<16xi32>
        %rev3A_648 = tpu.iota {dimensions = array<i32: 0>} : vector<16xi32>
        %rev3A_649 = arith.subi %rev3A_647, %rev3A_648 : vector<16xi32>
        %rev3A_650 = tpu.dynamic_gather %masked_cumsum3A_645[%rev3A_649] in [0] : vector<16xf32>, vector<16xi32> -> vector<16xf32>
        %add3A_651 = arith.addf %masked_cumsum3A_637, %rev3A_650 : vector<16xf32>
        %sub3A_652 = arith.subf %add3A_651, %add3A_634 : vector<16xf32>
        %eq3A_653 = arith.constant 9 : i32
        %eq3A_654 = vector.broadcast %eq3A_653 : i32 to vector<16xi32>
        %eq3A_655 = arith.cmpi eq, %iota3A, %eq3A_654 : vector<16xi32>
        %jit3A_656 = arith.constant 0.000000e+00 : f32
        %broadcast_in_dim3A_657 = vector.broadcast %jit3A_656 : f32 to vector<16xf32>
        %select_n3A_658 = arith.select %eq3A_655, %sub3A_652, %broadcast_in_dim3A_657 : vector<16xi1>, vector<16xf32>
        %mul3A_659 = arith.constant 16 : i32
        %mul3A_660 = arith.muli %scan3A_195, %mul3A_659 : i32
        %add3A_661 = arith.constant 10 : i32
        %add3A_662 = arith.addi %mul3A_660, %add3A_661 : i32
        %get3A_663 = arith.index_cast %add3A_662 : i32 to index
        %get3A_664 = arith.constant 0 : index
        %get3A_665 = tpu.vector_load %arg12[%get3A_663, %get3A_664] {strides = array<i32>} : memref<432x32xi32, #tpu.memory_space<vmem>>, vector<16xi32>,
        %bitcast3A_666 = vector.bitcast %get3A_665 : vector<16xi32> to vector<32xbf16>
        %unpack3A_667 = tpu.unpack_subelements %bitcast3A_666, 0 {pack_format = #tpu.pack_format<interleaved>} : vector<32xbf16> -> vector<16xf32>
        %unpack3A_668 = tpu.unpack_subelements %bitcast3A_666, 1 {pack_format = #tpu.pack_format<interleaved>} : vector<32xbf16> -> vector<16xf32>
        %get3A_669 = arith.index_cast %add3A_662 : i32 to index
        %get3A_670 = arith.constant 16 : index
        %get3A_671 = tpu.vector_load %arg12[%get3A_669, %get3A_670] {strides = array<i32>} : memref<432x32xi32, #tpu.memory_space<vmem>>, vector<16xi32>,
        %bitcast3A_672 = vector.bitcast %get3A_671 : vector<16xi32> to vector<32xbf16>
        %unpack3A_673 = tpu.unpack_subelements %bitcast3A_672, 0 {pack_format = #tpu.pack_format<interleaved>} : vector<32xbf16> -> vector<16xf32>
        %unpack3A_674 = tpu.unpack_subelements %bitcast3A_672, 1 {pack_format = #tpu.pack_format<interleaved>} : vector<32xbf16> -> vector<16xf32>
        %mul3A_675 = arith.mulf %unpack3A_667, %unpack3A_174 : vector<16xf32>
        %mul3A_676 = arith.mulf %unpack3A_668, %unpack3A_175 : vector<16xf32>
        %add3A_677 = arith.addf %mul3A_675, %mul3A_676 : vector<16xf32>
        %mul3A_678 = arith.mulf %unpack3A_673, %unpack3A_180 : vector<16xf32>
        %mul3A_679 = arith.mulf %unpack3A_674, %unpack3A_181 : vector<16xf32>
        %add3A_680 = arith.addf %mul3A_678, %mul3A_679 : vector<16xf32>
        %add3A_681 = arith.addf %add3A_677, %add3A_680 : vector<16xf32>
        %broadcast_in_dim3A_682 = arith.constant true
        %broadcast_in_dim3A_683 = vector.broadcast %broadcast_in_dim3A_682 : i1 to vector<16xi1>
        %masked_cumsum3A_684 = tpu.scan <sum>, %add3A_681 masked %broadcast_in_dim3A_683 : vector<16xf32>, vector<16xi1> -> vector<16xf32>
        %rev3A_685 = arith.constant 15 : i32
        %rev3A_686 = vector.broadcast %rev3A_685 : i32 to vector<16xi32>
        %rev3A_687 = tpu.iota {dimensions = array<i32: 0>} : vector<16xi32>
        %rev3A_688 = arith.subi %rev3A_686, %rev3A_687 : vector<16xi32>
        %rev3A_689 = tpu.dynamic_gather %add3A_681[%rev3A_688] in [0] : vector<16xf32>, vector<16xi32> -> vector<16xf32>
        %broadcast_in_dim3A_690 = arith.constant true
        %broadcast_in_dim3A_691 = vector.broadcast %broadcast_in_dim3A_690 : i1 to vector<16xi1>
        %masked_cumsum3A_692 = tpu.scan <sum>, %rev3A_689 masked %broadcast_in_dim3A_691 : vector<16xf32>, vector<16xi1> -> vector<16xf32>
        %rev3A_693 = arith.constant 15 : i32
        %rev3A_694 = vector.broadcast %rev3A_693 : i32 to vector<16xi32>
        %rev3A_695 = tpu.iota {dimensions = array<i32: 0>} : vector<16xi32>
        %rev3A_696 = arith.subi %rev3A_694, %rev3A_695 : vector<16xi32>
        %rev3A_697 = tpu.dynamic_gather %masked_cumsum3A_692[%rev3A_696] in [0] : vector<16xf32>, vector<16xi32> -> vector<16xf32>
        %add3A_698 = arith.addf %masked_cumsum3A_684, %rev3A_697 : vector<16xf32>
        %sub3A_699 = arith.subf %add3A_698, %add3A_681 : vector<16xf32>
        %eq3A_700 = arith.constant 10 : i32
        %eq3A_701 = vector.broadcast %eq3A_700 : i32 to vector<16xi32>
        %eq3A_702 = arith.cmpi eq, %iota3A, %eq3A_701 : vector<16xi32>
        %jit3A_703 = arith.constant 0.000000e+00 : f32
        %broadcast_in_dim3A_704 = vector.broadcast %jit3A_703 : f32 to vector<16xf32>
        %select_n3A_705 = arith.select %eq3A_702, %sub3A_699, %broadcast_in_dim3A_704 : vector<16xi1>, vector<16xf32>
        %mul3A_706 = arith.constant 16 : i32
        %mul3A_707 = arith.muli %scan3A_195, %mul3A_706 : i32
        %add3A_708 = arith.constant 11 : i32
        %add3A_709 = arith.addi %mul3A_707, %add3A_708 : i32
        %get3A_710 = arith.index_cast %add3A_709 : i32 to index
        %get3A_711 = arith.constant 0 : index
        %get3A_712 = tpu.vector_load %arg12[%get3A_710, %get3A_711] {strides = array<i32>} : memref<432x32xi32, #tpu.memory_space<vmem>>, vector<16xi32>,
        %bitcast3A_713 = vector.bitcast %get3A_712 : vector<16xi32> to vector<32xbf16>
        %unpack3A_714 = tpu.unpack_subelements %bitcast3A_713, 0 {pack_format = #tpu.pack_format<interleaved>} : vector<32xbf16> -> vector<16xf32>
        %unpack3A_715 = tpu.unpack_subelements %bitcast3A_713, 1 {pack_format = #tpu.pack_format<interleaved>} : vector<32xbf16> -> vector<16xf32>
        %get3A_716 = arith.index_cast %add3A_709 : i32 to index
        %get3A_717 = arith.constant 16 : index
        %get3A_718 = tpu.vector_load %arg12[%get3A_716, %get3A_717] {strides = array<i32>} : memref<432x32xi32, #tpu.memory_space<vmem>>, vector<16xi32>,
        %bitcast3A_719 = vector.bitcast %get3A_718 : vector<16xi32> to vector<32xbf16>
        %unpack3A_720 = tpu.unpack_subelements %bitcast3A_719, 0 {pack_format = #tpu.pack_format<interleaved>} : vector<32xbf16> -> vector<16xf32>
        %unpack3A_721 = tpu.unpack_subelements %bitcast3A_719, 1 {pack_format = #tpu.pack_format<interleaved>} : vector<32xbf16> -> vector<16xf32>
        %mul3A_722 = arith.mulf %unpack3A_714, %unpack3A_174 : vector<16xf32>
        %mul3A_723 = arith.mulf %unpack3A_715, %unpack3A_175 : vector<16xf32>
        %add3A_724 = arith.addf %mul3A_722, %mul3A_723 : vector<16xf32>
        %mul3A_725 = arith.mulf %unpack3A_720, %unpack3A_180 : vector<16xf32>
        %mul3A_726 = arith.mulf %unpack3A_721, %unpack3A_181 : vector<16xf32>
        %add3A_727 = arith.addf %mul3A_725, %mul3A_726 : vector<16xf32>
        %add3A_728 = arith.addf %add3A_724, %add3A_727 : vector<16xf32>
        %broadcast_in_dim3A_729 = arith.constant true
        %broadcast_in_dim3A_730 = vector.broadcast %broadcast_in_dim3A_729 : i1 to vector<16xi1>
        %masked_cumsum3A_731 = tpu.scan <sum>, %add3A_728 masked %broadcast_in_dim3A_730 : vector<16xf32>, vector<16xi1> -> vector<16xf32>
        %rev3A_732 = arith.constant 15 : i32
        %rev3A_733 = vector.broadcast %rev3A_732 : i32 to vector<16xi32>
        %rev3A_734 = tpu.iota {dimensions = array<i32: 0>} : vector<16xi32>
        %rev3A_735 = arith.subi %rev3A_733, %rev3A_734 : vector<16xi32>
        %rev3A_736 = tpu.dynamic_gather %add3A_728[%rev3A_735] in [0] : vector<16xf32>, vector<16xi32> -> vector<16xf32>
        %broadcast_in_dim3A_737 = arith.constant true
        %broadcast_in_dim3A_738 = vector.broadcast %broadcast_in_dim3A_737 : i1 to vector<16xi1>
        %masked_cumsum3A_739 = tpu.scan <sum>, %rev3A_736 masked %broadcast_in_dim3A_738 : vector<16xf32>, vector<16xi1> -> vector<16xf32>
        %rev3A_740 = arith.constant 15 : i32
        %rev3A_741 = vector.broadcast %rev3A_740 : i32 to vector<16xi32>
        %rev3A_742 = tpu.iota {dimensions = array<i32: 0>} : vector<16xi32>
        %rev3A_743 = arith.subi %rev3A_741, %rev3A_742 : vector<16xi32>
        %rev3A_744 = tpu.dynamic_gather %masked_cumsum3A_739[%rev3A_743] in [0] : vector<16xf32>, vector<16xi32> -> vector<16xf32>
        %add3A_745 = arith.addf %masked_cumsum3A_731, %rev3A_744 : vector<16xf32>
        %sub3A_746 = arith.subf %add3A_745, %add3A_728 : vector<16xf32>
        %eq3A_747 = arith.constant 11 : i32
        %eq3A_748 = vector.broadcast %eq3A_747 : i32 to vector<16xi32>
        %eq3A_749 = arith.cmpi eq, %iota3A, %eq3A_748 : vector<16xi32>
        %jit3A_750 = arith.constant 0.000000e+00 : f32
        %broadcast_in_dim3A_751 = vector.broadcast %jit3A_750 : f32 to vector<16xf32>
        %select_n3A_752 = arith.select %eq3A_749, %sub3A_746, %broadcast_in_dim3A_751 : vector<16xi1>, vector<16xf32>
        %mul3A_753 = arith.constant 16 : i32
        %mul3A_754 = arith.muli %scan3A_195, %mul3A_753 : i32
        %add3A_755 = arith.constant 12 : i32
        %add3A_756 = arith.addi %mul3A_754, %add3A_755 : i32
        %get3A_757 = arith.index_cast %add3A_756 : i32 to index
        %get3A_758 = arith.constant 0 : index
        %get3A_759 = tpu.vector_load %arg12[%get3A_757, %get3A_758] {strides = array<i32>} : memref<432x32xi32, #tpu.memory_space<vmem>>, vector<16xi32>,
        %bitcast3A_760 = vector.bitcast %get3A_759 : vector<16xi32> to vector<32xbf16>
        %unpack3A_761 = tpu.unpack_subelements %bitcast3A_760, 0 {pack_format = #tpu.pack_format<interleaved>} : vector<32xbf16> -> vector<16xf32>
        %unpack3A_762 = tpu.unpack_subelements %bitcast3A_760, 1 {pack_format = #tpu.pack_format<interleaved>} : vector<32xbf16> -> vector<16xf32>
        %get3A_763 = arith.index_cast %add3A_756 : i32 to index
        %get3A_764 = arith.constant 16 : index
        %get3A_765 = tpu.vector_load %arg12[%get3A_763, %get3A_764] {strides = array<i32>} : memref<432x32xi32, #tpu.memory_space<vmem>>, vector<16xi32>,
        %bitcast3A_766 = vector.bitcast %get3A_765 : vector<16xi32> to vector<32xbf16>
        %unpack3A_767 = tpu.unpack_subelements %bitcast3A_766, 0 {pack_format = #tpu.pack_format<interleaved>} : vector<32xbf16> -> vector<16xf32>
        %unpack3A_768 = tpu.unpack_subelements %bitcast3A_766, 1 {pack_format = #tpu.pack_format<interleaved>} : vector<32xbf16> -> vector<16xf32>
        %mul3A_769 = arith.mulf %unpack3A_761, %unpack3A_174 : vector<16xf32>
        %mul3A_770 = arith.mulf %unpack3A_762, %unpack3A_175 : vector<16xf32>
        %add3A_771 = arith.addf %mul3A_769, %mul3A_770 : vector<16xf32>
        %mul3A_772 = arith.mulf %unpack3A_767, %unpack3A_180 : vector<16xf32>
        %mul3A_773 = arith.mulf %unpack3A_768, %unpack3A_181 : vector<16xf32>
        %add3A_774 = arith.addf %mul3A_772, %mul3A_773 : vector<16xf32>
        %add3A_775 = arith.addf %add3A_771, %add3A_774 : vector<16xf32>
        %broadcast_in_dim3A_776 = arith.constant true
        %broadcast_in_dim3A_777 = vector.broadcast %broadcast_in_dim3A_776 : i1 to vector<16xi1>
        %masked_cumsum3A_778 = tpu.scan <sum>, %add3A_775 masked %broadcast_in_dim3A_777 : vector<16xf32>, vector<16xi1> -> vector<16xf32>
        %rev3A_779 = arith.constant 15 : i32
        %rev3A_780 = vector.broadcast %rev3A_779 : i32 to vector<16xi32>
        %rev3A_781 = tpu.iota {dimensions = array<i32: 0>} : vector<16xi32>
        %rev3A_782 = arith.subi %rev3A_780, %rev3A_781 : vector<16xi32>
        %rev3A_783 = tpu.dynamic_gather %add3A_775[%rev3A_782] in [0] : vector<16xf32>, vector<16xi32> -> vector<16xf32>
        %broadcast_in_dim3A_784 = arith.constant true
        %broadcast_in_dim3A_785 = vector.broadcast %broadcast_in_dim3A_784 : i1 to vector<16xi1>
        %masked_cumsum3A_786 = tpu.scan <sum>, %rev3A_783 masked %broadcast_in_dim3A_785 : vector<16xf32>, vector<16xi1> -> vector<16xf32>
        %rev3A_787 = arith.constant 15 : i32
        %rev3A_788 = vector.broadcast %rev3A_787 : i32 to vector<16xi32>
        %rev3A_789 = tpu.iota {dimensions = array<i32: 0>} : vector<16xi32>
        %rev3A_790 = arith.subi %rev3A_788, %rev3A_789 : vector<16xi32>
        %rev3A_791 = tpu.dynamic_gather %masked_cumsum3A_786[%rev3A_790] in [0] : vector<16xf32>, vector<16xi32> -> vector<16xf32>
        %add3A_792 = arith.addf %masked_cumsum3A_778, %rev3A_791 : vector<16xf32>
        %sub3A_793 = arith.subf %add3A_792, %add3A_775 : vector<16xf32>
        %eq3A_794 = arith.constant 12 : i32
        %eq3A_795 = vector.broadcast %eq3A_794 : i32 to vector<16xi32>
        %eq3A_796 = arith.cmpi eq, %iota3A, %eq3A_795 : vector<16xi32>
        %jit3A_797 = arith.constant 0.000000e+00 : f32
        %broadcast_in_dim3A_798 = vector.broadcast %jit3A_797 : f32 to vector<16xf32>
        %select_n3A_799 = arith.select %eq3A_796, %sub3A_793, %broadcast_in_dim3A_798 : vector<16xi1>, vector<16xf32>
        %mul3A_800 = arith.constant 16 : i32
        %mul3A_801 = arith.muli %scan3A_195, %mul3A_800 : i32
        %add3A_802 = arith.constant 13 : i32
        %add3A_803 = arith.addi %mul3A_801, %add3A_802 : i32
        %get3A_804 = arith.index_cast %add3A_803 : i32 to index
        %get3A_805 = arith.constant 0 : index
        %get3A_806 = tpu.vector_load %arg12[%get3A_804, %get3A_805] {strides = array<i32>} : memref<432x32xi32, #tpu.memory_space<vmem>>, vector<16xi32>,
        %bitcast3A_807 = vector.bitcast %get3A_806 : vector<16xi32> to vector<32xbf16>
        %unpack3A_808 = tpu.unpack_subelements %bitcast3A_807, 0 {pack_format = #tpu.pack_format<interleaved>} : vector<32xbf16> -> vector<16xf32>
        %unpack3A_809 = tpu.unpack_subelements %bitcast3A_807, 1 {pack_format = #tpu.pack_format<interleaved>} : vector<32xbf16> -> vector<16xf32>
        %get3A_810 = arith.index_cast %add3A_803 : i32 to index
        %get3A_811 = arith.constant 16 : index
        %get3A_812 = tpu.vector_load %arg12[%get3A_810, %get3A_811] {strides = array<i32>} : memref<432x32xi32, #tpu.memory_space<vmem>>, vector<16xi32>,
        %bitcast3A_813 = vector.bitcast %get3A_812 : vector<16xi32> to vector<32xbf16>
        %unpack3A_814 = tpu.unpack_subelements %bitcast3A_813, 0 {pack_format = #tpu.pack_format<interleaved>} : vector<32xbf16> -> vector<16xf32>
        %unpack3A_815 = tpu.unpack_subelements %bitcast3A_813, 1 {pack_format = #tpu.pack_format<interleaved>} : vector<32xbf16> -> vector<16xf32>
        %mul3A_816 = arith.mulf %unpack3A_808, %unpack3A_174 : vector<16xf32>
        %mul3A_817 = arith.mulf %unpack3A_809, %unpack3A_175 : vector<16xf32>
        %add3A_818 = arith.addf %mul3A_816, %mul3A_817 : vector<16xf32>
        %mul3A_819 = arith.mulf %unpack3A_814, %unpack3A_180 : vector<16xf32>
        %mul3A_820 = arith.mulf %unpack3A_815, %unpack3A_181 : vector<16xf32>
        %add3A_821 = arith.addf %mul3A_819, %mul3A_820 : vector<16xf32>
        %add3A_822 = arith.addf %add3A_818, %add3A_821 : vector<16xf32>
        %broadcast_in_dim3A_823 = arith.constant true
        %broadcast_in_dim3A_824 = vector.broadcast %broadcast_in_dim3A_823 : i1 to vector<16xi1>
        %masked_cumsum3A_825 = tpu.scan <sum>, %add3A_822 masked %broadcast_in_dim3A_824 : vector<16xf32>, vector<16xi1> -> vector<16xf32>
        %rev3A_826 = arith.constant 15 : i32
        %rev3A_827 = vector.broadcast %rev3A_826 : i32 to vector<16xi32>
        %rev3A_828 = tpu.iota {dimensions = array<i32: 0>} : vector<16xi32>
        %rev3A_829 = arith.subi %rev3A_827, %rev3A_828 : vector<16xi32>
        %rev3A_830 = tpu.dynamic_gather %add3A_822[%rev3A_829] in [0] : vector<16xf32>, vector<16xi32> -> vector<16xf32>
        %broadcast_in_dim3A_831 = arith.constant true
        %broadcast_in_dim3A_832 = vector.broadcast %broadcast_in_dim3A_831 : i1 to vector<16xi1>
        %masked_cumsum3A_833 = tpu.scan <sum>, %rev3A_830 masked %broadcast_in_dim3A_832 : vector<16xf32>, vector<16xi1> -> vector<16xf32>
        %rev3A_834 = arith.constant 15 : i32
        %rev3A_835 = vector.broadcast %rev3A_834 : i32 to vector<16xi32>
        %rev3A_836 = tpu.iota {dimensions = array<i32: 0>} : vector<16xi32>
        %rev3A_837 = arith.subi %rev3A_835, %rev3A_836 : vector<16xi32>
        %rev3A_838 = tpu.dynamic_gather %masked_cumsum3A_833[%rev3A_837] in [0] : vector<16xf32>, vector<16xi32> -> vector<16xf32>
        %add3A_839 = arith.addf %masked_cumsum3A_825, %rev3A_838 : vector<16xf32>
        %sub3A_840 = arith.subf %add3A_839, %add3A_822 : vector<16xf32>
        %eq3A_841 = arith.constant 13 : i32
        %eq3A_842 = vector.broadcast %eq3A_841 : i32 to vector<16xi32>
        %eq3A_843 = arith.cmpi eq, %iota3A, %eq3A_842 : vector<16xi32>
        %jit3A_844 = arith.constant 0.000000e+00 : f32
        %broadcast_in_dim3A_845 = vector.broadcast %jit3A_844 : f32 to vector<16xf32>
        %select_n3A_846 = arith.select %eq3A_843, %sub3A_840, %broadcast_in_dim3A_845 : vector<16xi1>, vector<16xf32>
        %mul3A_847 = arith.constant 16 : i32
        %mul3A_848 = arith.muli %scan3A_195, %mul3A_847 : i32
        %add3A_849 = arith.constant 14 : i32
        %add3A_850 = arith.addi %mul3A_848, %add3A_849 : i32
        %get3A_851 = arith.index_cast %add3A_850 : i32 to index
        %get3A_852 = arith.constant 0 : index
        %get3A_853 = tpu.vector_load %arg12[%get3A_851, %get3A_852] {strides = array<i32>} : memref<432x32xi32, #tpu.memory_space<vmem>>, vector<16xi32>,
        %bitcast3A_854 = vector.bitcast %get3A_853 : vector<16xi32> to vector<32xbf16>
        %unpack3A_855 = tpu.unpack_subelements %bitcast3A_854, 0 {pack_format = #tpu.pack_format<interleaved>} : vector<32xbf16> -> vector<16xf32>
        %unpack3A_856 = tpu.unpack_subelements %bitcast3A_854, 1 {pack_format = #tpu.pack_format<interleaved>} : vector<32xbf16> -> vector<16xf32>
        %get3A_857 = arith.index_cast %add3A_850 : i32 to index
        %get3A_858 = arith.constant 16 : index
        %get3A_859 = tpu.vector_load %arg12[%get3A_857, %get3A_858] {strides = array<i32>} : memref<432x32xi32, #tpu.memory_space<vmem>>, vector<16xi32>,
        %bitcast3A_860 = vector.bitcast %get3A_859 : vector<16xi32> to vector<32xbf16>
        %unpack3A_861 = tpu.unpack_subelements %bitcast3A_860, 0 {pack_format = #tpu.pack_format<interleaved>} : vector<32xbf16> -> vector<16xf32>
        %unpack3A_862 = tpu.unpack_subelements %bitcast3A_860, 1 {pack_format = #tpu.pack_format<interleaved>} : vector<32xbf16> -> vector<16xf32>
        %mul3A_863 = arith.mulf %unpack3A_855, %unpack3A_174 : vector<16xf32>
        %mul3A_864 = arith.mulf %unpack3A_856, %unpack3A_175 : vector<16xf32>
        %add3A_865 = arith.addf %mul3A_863, %mul3A_864 : vector<16xf32>
        %mul3A_866 = arith.mulf %unpack3A_861, %unpack3A_180 : vector<16xf32>
        %mul3A_867 = arith.mulf %unpack3A_862, %unpack3A_181 : vector<16xf32>
        %add3A_868 = arith.addf %mul3A_866, %mul3A_867 : vector<16xf32>
        %add3A_869 = arith.addf %add3A_865, %add3A_868 : vector<16xf32>
        %broadcast_in_dim3A_870 = arith.constant true
        %broadcast_in_dim3A_871 = vector.broadcast %broadcast_in_dim3A_870 : i1 to vector<16xi1>
        %masked_cumsum3A_872 = tpu.scan <sum>, %add3A_869 masked %broadcast_in_dim3A_871 : vector<16xf32>, vector<16xi1> -> vector<16xf32>
        %rev3A_873 = arith.constant 15 : i32
        %rev3A_874 = vector.broadcast %rev3A_873 : i32 to vector<16xi32>
        %rev3A_875 = tpu.iota {dimensions = array<i32: 0>} : vector<16xi32>
        %rev3A_876 = arith.subi %rev3A_874, %rev3A_875 : vector<16xi32>
        %rev3A_877 = tpu.dynamic_gather %add3A_869[%rev3A_876] in [0] : vector<16xf32>, vector<16xi32> -> vector<16xf32>
        %broadcast_in_dim3A_878 = arith.constant true
        %broadcast_in_dim3A_879 = vector.broadcast %broadcast_in_dim3A_878 : i1 to vector<16xi1>
        %masked_cumsum3A_880 = tpu.scan <sum>, %rev3A_877 masked %broadcast_in_dim3A_879 : vector<16xf32>, vector<16xi1> -> vector<16xf32>
        %rev3A_881 = arith.constant 15 : i32
        %rev3A_882 = vector.broadcast %rev3A_881 : i32 to vector<16xi32>
        %rev3A_883 = tpu.iota {dimensions = array<i32: 0>} : vector<16xi32>
        %rev3A_884 = arith.subi %rev3A_882, %rev3A_883 : vector<16xi32>
        %rev3A_885 = tpu.dynamic_gather %masked_cumsum3A_880[%rev3A_884] in [0] : vector<16xf32>, vector<16xi32> -> vector<16xf32>
        %add3A_886 = arith.addf %masked_cumsum3A_872, %rev3A_885 : vector<16xf32>
        %sub3A_887 = arith.subf %add3A_886, %add3A_869 : vector<16xf32>
        %eq3A_888 = arith.constant 14 : i32
        %eq3A_889 = vector.broadcast %eq3A_888 : i32 to vector<16xi32>
        %eq3A_890 = arith.cmpi eq, %iota3A, %eq3A_889 : vector<16xi32>
        %jit3A_891 = arith.constant 0.000000e+00 : f32
        %broadcast_in_dim3A_892 = vector.broadcast %jit3A_891 : f32 to vector<16xf32>
        %select_n3A_893 = arith.select %eq3A_890, %sub3A_887, %broadcast_in_dim3A_892 : vector<16xi1>, vector<16xf32>
        %mul3A_894 = arith.constant 16 : i32
        %mul3A_895 = arith.muli %scan3A_195, %mul3A_894 : i32
        %add3A_896 = arith.constant 15 : i32
        %add3A_897 = arith.addi %mul3A_895, %add3A_896 : i32
        %get3A_898 = arith.index_cast %add3A_897 : i32 to index
        %get3A_899 = arith.constant 0 : index
        %get3A_900 = tpu.vector_load %arg12[%get3A_898, %get3A_899] {strides = array<i32>} : memref<432x32xi32, #tpu.memory_space<vmem>>, vector<16xi32>,
        %bitcast3A_901 = vector.bitcast %get3A_900 : vector<16xi32> to vector<32xbf16>
        %unpack3A_902 = tpu.unpack_subelements %bitcast3A_901, 0 {pack_format = #tpu.pack_format<interleaved>} : vector<32xbf16> -> vector<16xf32>
        %unpack3A_903 = tpu.unpack_subelements %bitcast3A_901, 1 {pack_format = #tpu.pack_format<interleaved>} : vector<32xbf16> -> vector<16xf32>
        %get3A_904 = arith.index_cast %add3A_897 : i32 to index
        %get3A_905 = arith.constant 16 : index
        %get3A_906 = tpu.vector_load %arg12[%get3A_904, %get3A_905] {strides = array<i32>} : memref<432x32xi32, #tpu.memory_space<vmem>>, vector<16xi32>,
        %bitcast3A_907 = vector.bitcast %get3A_906 : vector<16xi32> to vector<32xbf16>
        %unpack3A_908 = tpu.unpack_subelements %bitcast3A_907, 0 {pack_format = #tpu.pack_format<interleaved>} : vector<32xbf16> -> vector<16xf32>
        %unpack3A_909 = tpu.unpack_subelements %bitcast3A_907, 1 {pack_format = #tpu.pack_format<interleaved>} : vector<32xbf16> -> vector<16xf32>
        %mul3A_910 = arith.mulf %unpack3A_902, %unpack3A_174 : vector<16xf32>
        %mul3A_911 = arith.mulf %unpack3A_903, %unpack3A_175 : vector<16xf32>
        %add3A_912 = arith.addf %mul3A_910, %mul3A_911 : vector<16xf32>
        %mul3A_913 = arith.mulf %unpack3A_908, %unpack3A_180 : vector<16xf32>
        %mul3A_914 = arith.mulf %unpack3A_909, %unpack3A_181 : vector<16xf32>
        %add3A_915 = arith.addf %mul3A_913, %mul3A_914 : vector<16xf32>
        %add3A_916 = arith.addf %add3A_912, %add3A_915 : vector<16xf32>
        %broadcast_in_dim3A_917 = arith.constant true
        %broadcast_in_dim3A_918 = vector.broadcast %broadcast_in_dim3A_917 : i1 to vector<16xi1>
        %masked_cumsum3A_919 = tpu.scan <sum>, %add3A_916 masked %broadcast_in_dim3A_918 : vector<16xf32>, vector<16xi1> -> vector<16xf32>
        %rev3A_920 = arith.constant 15 : i32
        %rev3A_921 = vector.broadcast %rev3A_920 : i32 to vector<16xi32>
        %rev3A_922 = tpu.iota {dimensions = array<i32: 0>} : vector<16xi32>
        %rev3A_923 = arith.subi %rev3A_921, %rev3A_922 : vector<16xi32>
        %rev3A_924 = tpu.dynamic_gather %add3A_916[%rev3A_923] in [0] : vector<16xf32>, vector<16xi32> -> vector<16xf32>
        %broadcast_in_dim3A_925 = arith.constant true
        %broadcast_in_dim3A_926 = vector.broadcast %broadcast_in_dim3A_925 : i1 to vector<16xi1>
        %masked_cumsum3A_927 = tpu.scan <sum>, %rev3A_924 masked %broadcast_in_dim3A_926 : vector<16xf32>, vector<16xi1> -> vector<16xf32>
        %rev3A_928 = arith.constant 15 : i32
        %rev3A_929 = vector.broadcast %rev3A_928 : i32 to vector<16xi32>
        %rev3A_930 = tpu.iota {dimensions = array<i32: 0>} : vector<16xi32>
        %rev3A_931 = arith.subi %rev3A_929, %rev3A_930 : vector<16xi32>
        %rev3A_932 = tpu.dynamic_gather %masked_cumsum3A_927[%rev3A_931] in [0] : vector<16xf32>, vector<16xi32> -> vector<16xf32>
        %add3A_933 = arith.addf %masked_cumsum3A_919, %rev3A_932 : vector<16xf32>
        %sub3A_934 = arith.subf %add3A_933, %add3A_916 : vector<16xf32>
        %eq3A_935 = arith.constant 15 : i32
        %eq3A_936 = vector.broadcast %eq3A_935 : i32 to vector<16xi32>
        %eq3A_937 = arith.cmpi eq, %iota3A, %eq3A_936 : vector<16xi32>
        %jit3A_938 = arith.constant 0.000000e+00 : f32
        %broadcast_in_dim3A_939 = vector.broadcast %jit3A_938 : f32 to vector<16xf32>
        %select_n3A_940 = arith.select %eq3A_937, %sub3A_934, %broadcast_in_dim3A_939 : vector<16xi1>, vector<16xf32>
        %add3A_941 = arith.addf %select_n3A, %select_n3A_282 : vector<16xf32>
        %add3A_942 = arith.addf %select_n3A_329, %select_n3A_376 : vector<16xf32>
        %add3A_943 = arith.addf %select_n3A_423, %select_n3A_470 : vector<16xf32>
        %add3A_944 = arith.addf %select_n3A_517, %select_n3A_564 : vector<16xf32>
        %add3A_945 = arith.addf %select_n3A_611, %select_n3A_658 : vector<16xf32>
        %add3A_946 = arith.addf %select_n3A_705, %select_n3A_752 : vector<16xf32>
        %add3A_947 = arith.addf %select_n3A_799, %select_n3A_846 : vector<16xf32>
        %add3A_948 = arith.addf %select_n3A_893, %select_n3A_940 : vector<16xf32>
        %add3A_949 = arith.addf %add3A_941, %add3A_942 : vector<16xf32>
        %add3A_950 = arith.addf %add3A_943, %add3A_944 : vector<16xf32>
        %add3A_951 = arith.addf %add3A_945, %add3A_946 : vector<16xf32>
        %add3A_952 = arith.addf %add3A_947, %add3A_948 : vector<16xf32>
        %add3A_953 = arith.addf %add3A_949, %add3A_950 : vector<16xf32>
        %add3A_954 = arith.addf %add3A_951, %add3A_952 : vector<16xf32>
        %add3A_955 = arith.addf %add3A_953, %add3A_954 : vector<16xf32>
        %mul3A_956 = arith.constant 16 : i32
        %mul3A_957 = arith.muli %scan3A_195, %mul3A_956 : i32
        %swap3A = arith.index_cast %mul3A_957 : i32 to index
        %swap3A_958 = tpu.vector_load %arg14[%swap3A] {strides = array<i32>} : memref<432xf32, #tpu.memory_space<vmem>>, vector<16xf32>,
        tpu.vector_store %arg14[%swap3A], %add3A_955 {strides = array<i32>} : memref<432xf32, #tpu.memory_space<vmem>>, vector<16xf32>,
      }
      %scan3A_187 = arith.constant 27 : i32
      %add3A_188 = arith.addi %mul3A_2, %add3A_144 : i32
      %dma_start3A_189 = arith.constant 0 : i32
      %dma_start3A_190 = tpu.memref_slice %arg6[%add3A_188, %dma_start3A_189] : memref<4096x432xf32, #tpu.memory_space<hbm>> -> memref<1x432xf32, #tpu.memory_space<hbm>>
      %dma_start3A_191 = tpu.memref_squeeze %dma_start3A_190 : memref<1x432xf32, #tpu.memory_space<hbm>> -> memref<432xf32, #tpu.memory_space<hbm>>
      %dma_start3A_192 = arith.constant 0 : i32
      %dma_start3A_193 = tpu.memref_slice %arg6[%add3A_188, %dma_start3A_192] : memref<4096x432xf32, #tpu.memory_space<hbm>> -> memref<1x432xf32, #tpu.memory_space<hbm>>
      %dma_start3A_194 = tpu.memref_squeeze %dma_start3A_193 : memref<1x432xf32, #tpu.memory_space<hbm>> -> memref<432xf32, #tpu.memory_space<hbm>>
      tpu.enqueue_dma source(%arg14 : memref<432xf32, #tpu.memory_space<vmem>>) target(%dma_start3A_194 : memref<432xf32, #tpu.memory_space<hbm>>) target_semaphore(%arg21 : memref<!tpu.dma_semaphore, #tpu.memory_space<semaphore_mem>>)
    }
    %scan3A_80 = arith.constant 64 : i32
    %dma_wait3A_81 = arith.constant 0 : i32
    %dma_wait3A_82 = arith.constant 0 : i32
    %dma_wait3A_83 = tpu.memref_slice %arg6[%dma_wait3A_81, %dma_wait3A_82] : memref<4096x432xf32, #tpu.memory_space<hbm>> -> memref<1x432xf32, #tpu.memory_space<hbm>>
    %dma_wait3A_84 = tpu.memref_squeeze %dma_wait3A_83 : memref<1x432xf32, #tpu.memory_space<hbm>> -> memref<432xf32, #tpu.memory_space<hbm>>
    %dma_wait3A_85 = arith.constant 0 : i32
    %dma_wait3A_86 = tpu.memref_slice %arg6[%dma_wait3A_81, %dma_wait3A_85] : memref<4096x432xf32, #tpu.memory_space<hbm>> -> memref<1x432xf32, #tpu.memory_space<hbm>>
    %dma_wait3A_87 = tpu.memref_squeeze %dma_wait3A_86 : memref<1x432xf32, #tpu.memory_space<hbm>> -> memref<432xf32, #tpu.memory_space<hbm>>
    tpu.wait_dma2 semaphore(%arg20 : memref<!tpu.dma_semaphore, #tpu.memory_space<semaphore_mem>>) src(%dma_wait3A_87 : memref<432xf32, #tpu.memory_space<hbm>>) dst(%arg13 : memref<432xf32, #tpu.memory_space<vmem>>)
    %dma_wait3A_88 = arith.constant 0 : i32
    %dma_wait3A_89 = arith.constant 0 : i32
    %dma_wait3A_90 = tpu.memref_slice %arg6[%dma_wait3A_88, %dma_wait3A_89] : memref<4096x432xf32, #tpu.memory_space<hbm>> -> memref<1x432xf32, #tpu.memory_space<hbm>>
    %dma_wait3A_91 = tpu.memref_squeeze %dma_wait3A_90 : memref<1x432xf32, #tpu.memory_space<hbm>> -> memref<432xf32, #tpu.memory_space<hbm>>
    %dma_wait3A_92 = arith.constant 0 : i32
    %dma_wait3A_93 = tpu.memref_slice %arg6[%dma_wait3A_88, %dma_wait3A_92] : memref<4096x432xf32, #tpu.memory_space<hbm>> -> memref<1x432xf32, #tpu.memory_space<hbm>>
    %dma_wait3A_94 = tpu.memref_squeeze %dma_wait3A_93 : memref<1x432xf32, #tpu.memory_space<hbm>> -> memref<432xf32, #tpu.memory_space<hbm>>
    tpu.wait_dma2 semaphore(%arg21 : memref<!tpu.dma_semaphore, #tpu.memory_space<semaphore_mem>>) src(%dma_wait3A_94 : memref<432xf32, #tpu.memory_space<hbm>>) dst(%arg14 : memref<432xf32, #tpu.memory_space<vmem>>)
    return
  }
}

module attributes {stable_mosaic.version = 14 : i64} {
  func.func @_loss_body(%arg0: i32, %arg1: memref<256x432xf32, #tpu.memory_space<vmem>>, %arg2: memref<1x1xf32, #tpu.memory_space<smem>>) attributes {dimension_semantics = [#tpu.dimension_semantics<arbitrary>], iteration_bounds = array<i64: 16>, scalar_prefetch = 0 : i64, scratch_operands = 0 : i64, tpu.core_type = #tpu.core_type<tc>, window_params = [{transform_indices = @transform_0, window_bounds = array<i64: 256, 432>}, {transform_indices = @transform_1, window_bounds = array<i64: 1, 1>}]} {
    %get3A = arith.constant 0 : index
    %get3A_0 = arith.constant 0 : index
    %get3A_1 = vector.load %arg1[%get3A, %get3A_0] : memref<256x432xf32, #tpu.memory_space<vmem>>, vector<256x432xf32>
    %iota3A = tpu.iota {dimensions = array<i32: 1>} : vector<256x432xi32>
    %abs3A = math.absf %get3A_1 : vector<256x432xf32>
    %neg3A = arith.constant 0.000000e+00 : f32
    %neg3A_2 = vector.broadcast %neg3A : f32 to vector<256x432xf32>
    %neg3A_3 = arith.subf %neg3A_2, %abs3A : vector<256x432xf32>
    %exp3A = math.exp %neg3A_3 : vector<256x432xf32>
    %add3A = arith.constant 1.000000e+00 : f32
    %add3A_4 = vector.broadcast %add3A : f32 to vector<256x432xf32>
    %add3A_5 = arith.addf %add3A_4, %exp3A : vector<256x432xf32>
    %log3A = math.log %add3A_5 : vector<256x432xf32>
    %ge3A = arith.constant 0.000000e+00 : f32
    %ge3A_6 = vector.broadcast %ge3A : f32 to vector<256x432xf32>
    %ge3A_7 = arith.cmpf oge, %get3A_1, %ge3A_6 : vector<256x432xf32>
    %neg3A_8 = arith.constant 0.000000e+00 : f32
    %neg3A_9 = vector.broadcast %neg3A_8 : f32 to vector<256x432xf32>
    %neg3A_10 = arith.subf %neg3A_9, %log3A : vector<256x432xf32>
    %sub3A = arith.subf %get3A_1, %log3A : vector<256x432xf32>
    %select_n3A = arith.select %ge3A_7, %neg3A_10, %sub3A : vector<256x432xi1>, vector<256x432xf32>
    %ge3A_11 = arith.constant 0.000000e+00 : f32
    %ge3A_12 = vector.broadcast %ge3A_11 : f32 to vector<256x432xf32>
    %ge3A_13 = arith.cmpf oge, %get3A_1, %ge3A_12 : vector<256x432xf32>
    %neg3A_14 = arith.constant 0.000000e+00 : f32
    %neg3A_15 = vector.broadcast %neg3A_14 : f32 to vector<256x432xf32>
    %neg3A_16 = arith.subf %neg3A_15, %get3A_1 : vector<256x432xf32>
    %sub3A_17 = arith.subf %neg3A_16, %log3A : vector<256x432xf32>
    %neg3A_18 = arith.constant 0.000000e+00 : f32
    %neg3A_19 = vector.broadcast %neg3A_18 : f32 to vector<256x432xf32>
    %neg3A_20 = arith.subf %neg3A_19, %log3A : vector<256x432xf32>
    %select_n3A_21 = arith.select %ge3A_13, %sub3A_17, %neg3A_20 : vector<256x432xi1>, vector<256x432xf32>
    %lt3A = arith.constant 20 : i32
    %lt3A_22 = vector.broadcast %lt3A : i32 to vector<256x432xi32>
    %lt3A_23 = arith.cmpi slt, %iota3A, %lt3A_22 : vector<256x432xi32>
    %jit3A = arith.constant 0.000000e+00 : f32
    %broadcast_in_dim3A = vector.broadcast %jit3A : f32 to vector<256x432xf32>
    %select_n3A_24 = arith.select %lt3A_23, %select_n3A, %broadcast_in_dim3A : vector<256x432xi1>, vector<256x432xf32>
    %ge3A_25 = arith.constant 20 : i32
    %ge3A_26 = vector.broadcast %ge3A_25 : i32 to vector<256x432xi32>
    %ge3A_27 = arith.cmpi sge, %iota3A, %ge3A_26 : vector<256x432xi32>
    %lt3A_28 = arith.constant 420 : i32
    %lt3A_29 = vector.broadcast %lt3A_28 : i32 to vector<256x432xi32>
    %lt3A_30 = arith.cmpi slt, %iota3A, %lt3A_29 : vector<256x432xi32>
    %and3A = arith.andi %ge3A_27, %lt3A_30 : vector<256x432xi1>
    %jit3A_31 = arith.constant 0.000000e+00 : f32
    %broadcast_in_dim3A_32 = vector.broadcast %jit3A_31 : f32 to vector<256x432xf32>
    %select_n3A_33 = arith.select %and3A, %select_n3A_21, %broadcast_in_dim3A_32 : vector<256x432xi1>, vector<256x432xf32>
    %add3A_34 = arith.addf %select_n3A_24, %select_n3A_33 : vector<256x432xf32>
    %reduce_sum3A = vector.shape_cast %add3A_34 : vector<256x432xf32> to vector<1x256x432xf32>
    %reduce_sum3A_35 = arith.constant dense<0.000000e+00> : vector<1xf32>
    %reduce_sum3A_36 = vector.multi_reduction <add>, %reduce_sum3A, %reduce_sum3A_35 [1, 2] : vector<1x256x432xf32> to vector<1xf32>
    %reduce_sum3A_37 = vector.shape_cast %reduce_sum3A_36 : vector<1xf32> to vector<1x1x1xf32>
    %reduce_sum3A_38 = vector.extract %reduce_sum3A_37[0, 0, 0] : f32 from vector<1x1x1xf32>
    %mul3A = arith.constant -1.22070314E-5 : f32
    %mul3A_39 = arith.mulf %reduce_sum3A_38, %mul3A : f32
    %eq3A = arith.constant 0 : i32
    %eq3A_40 = arith.cmpi eq, %arg0, %eq3A : i32
    %convert_element_type3A = arith.extui %eq3A_40 : i1 to i32
    %cond3A = arith.constant 0 : i32
    %cond3A_41 = arith.cmpi ne, %convert_element_type3A, %cond3A : i32
    scf.if %cond3A_41 {
      %swap3A_48 = arith.constant 0.000000e+00 : f32
      %swap3A_49 = arith.constant 0 : index
      %swap3A_50 = arith.constant 0 : index
      %swap3A_51 = memref.load %arg2[%swap3A_49, %swap3A_50] : memref<1x1xf32, #tpu.memory_space<smem>>
      memref.store %swap3A_48, %arg2[%swap3A_49, %swap3A_50] : memref<1x1xf32, #tpu.memory_space<smem>>
    } else {
    }
    %get3A_42 = arith.constant 0 : index
    %get3A_43 = arith.constant 0 : index
    %get3A_44 = memref.load %arg2[%get3A_42, %get3A_43] : memref<1x1xf32, #tpu.memory_space<smem>>
    %add3A_45 = arith.addf %get3A_44, %mul3A_39 : f32
    %swap3A = arith.constant 0 : index
    %swap3A_46 = arith.constant 0 : index
    %swap3A_47 = memref.load %arg2[%swap3A, %swap3A_46] : memref<1x1xf32, #tpu.memory_space<smem>>
    memref.store %add3A_45, %arg2[%swap3A, %swap3A_46] : memref<1x1xf32, #tpu.memory_space<smem>>
    return
  }
  func.func @transform_0(%arg0: i32) -> (i32, i32) {
    %c0_i32 = arith.constant 0 : i32
    %c0_i32_0 = arith.constant 0 : i32
    return %arg0, %c0_i32 : i32, i32
  }
  func.func @transform_1(%arg0: i32) -> (i32, i32) {
    %c0_i32 = arith.constant 0 : i32
    %c0_i32_0 = arith.constant 0 : i32
    %c0_i32_1 = arith.constant 0 : i32
    return %c0_i32, %c0_i32_0 : i32, i32
  }
}

</mosaic_0001>

<sc_bundles>
// kernel: kernel.4.cloned.1.call-start
scs
__scs_entry_jumppad:
0x0: {  	(pc) =	sbr.rel $0x88, $3  }
0x1: {  	(tag) =	ssettag $0x0;
	lr =	simm.s32 $0x1  }
0x2: {  	[smem:$0x3F9D] =	sst lr;
	_ =	strace $0xD0000000  }
0x3: {  	_ = 	snop  }
0x4: {  	_ = 	snop  }
0x5: {  	_ = 	snop  }
0x6: {  	_ = 	snop  }
0x7: {  	_ = 	snop  }
__scs_overlays_trampoline_lowered:
0x8: {  	[smem:$0x3FAC] =	sst s0  }
0x9: {  	[smem:$0x3FAD] =	sst s1  }
0xa: {  	[smem:$0x3FAE] =	sst s2  }
0xb: {  	[smem:$0x3FAF] =	sst s3  }
0xc: {  	[smem:$0x3FB0] =	sst s4  }
0xd: {  	[smem:$0x3FB1] =	sst s5  }
0xe: {  	[smem:$0x3FB2] =	sst s6  }
0xf: {  	[smem:$0x3FB3] =	sst s7  }
0x10: {  	[smem:$0x3FB4] =	sst s8  }
0x11: {  	[smem:$0x3FB5] =	sst s9;
	s0 =	simm.s32 @!p0 $0x0  }
0x12: {  	s1 =	sld [smem:$0x3F9B];
	s0 =	simm.s32 @p0 $0x1  }
0x13: {  	[smem:$0x3FB6] =	sst s0;
	s0 =	simm.s32 @!p1 $0x0  }
0x14: {  	s2 =	sld [smem:$0x3F9A];
	s0 =	simm.s32 @p1 $0x1  }
0x15: {  	[smem:$0x3FB7] =	sst s0;
	s0 =	simm.s32 @!p2 $0x0  }
0x16: {  	s3 =	sld [smem:$0x3FDB];
	s0 =	simm.s32 @p2 $0x1  }
0x17: {  	s4 =	simm.s32 $0x1BF5;
	[smem:$0x3FB9] =	sst s0  }
0x18: {  	s0 =	sld [smem:$0x3F9C];
	_ =	swait.ge [sflag:s4], $0x0  }
0x19: {  	s7 =	sld [smem:$0x3F9D]  }
0x1a: {  	s8 =	sadd.s32 $0xFFFFE003, lr  }
0x1b: {  	s9 =	sadd.s32 $0xFFFFFEF7, lr;
	s5 =	simm.s32 $0xFFFFFFFF;
	p2 =	slt.u32 s8, $0xFFFFF086  }
0x1c: {  	p1 =	slt.u32 s9, $0xF7A;
	s5 =	simm.s32 @!p2 $0x0  }
0x1d: {  	s5 =	simm.s32 @p1 $0x1;
	p0 =	seq.s32 s7, s2  }
0x1e: {  	s7 =	smul.u32 @!p0 $0xF7A, s2;
	p2 =	seq.s32 @!p0 s5, $0x0  }
0x1f: {  	s9 =	smul.u32 $0xF7A, s1;
	s8 =	simm.s32 @!p0 $0x1BF5;
	p2 =	por !p2, p0  }
0x20: {  	[sflag:s8] =	ssyncset.s32 @!p0 $0xFFFFF086;
	s6 =	sadd.s32 @!p0 s3, s7;
	s7 =	simm.s32 @!p0 $0x108  }
0x21: {  	s3 =	sadd.s32 s3, s9;
	s6 =	sadd.s32 @!p0 $0x88, s6;
	s7 =	simm.s32 @p2 $0x1082  }
0x22: {  	[simem:s7], [sflag:s8] =	dma.local @!p0 [hbm:s6], $0xF7A  }
0x23: {  	s9 =	sor.u32 $0xD0000000, s2;
	s6 =	simm.s32 $0x108;
	_ =	swait.ge @!p0 [sflag:s8], $0x0  }
0x24: {  	s3 =	sadd.s32 $0x88, s3;
	s6 =	simm.s32 @!p1 $0x1082;
	[sflag:s4] =	ssyncset.s32 $0xFFFFF086  }
0x25: {  	[simem:s6], [sflag:s4] =	dma.local [hbm:s3], $0xF7A  }
0x26: {  	[smem:$0x3F9D] =	sst s1;
	(tag) =	ssettag s2;
	_ =	strace s9  }
0x27: {  	s1 =	sld [smem:$0x3FAD]  }
0x28: {  	s2 =	sld [smem:$0x3FAE]  }
0x29: {  	s4 =	sld [smem:$0x3FB0]  }
0x2a: {  	p0 =	seq.s32 s5, $0x0;
	s5 =	sld [smem:$0x3FB1]  }
0x2b: {  	s6 =	sld [smem:$0x3FB2]  }
0x2c: {  	s7 =	sld [smem:$0x3FB3]  }
0x2d: {  	s3 =	simm.s32 $0x108;
	s8 =	sld [smem:$0x3FB4]  }
0x2e: {  	s3 =	simm.s32 @!p0 $0x1082;
	s9 =	sld [smem:$0x3FB5]  }
0x2f: {  	lr =	sadd.s32 s0, s3;
	s0 =	sld [smem:$0x3FAC]  }
0x30: {  	s3 =	sld [smem:$0x3FAF]  }
0x31: {  	[smem:$0x3FB8] =	sst s10  }
0x32: {  	s10 =	sld [smem:$0x3FB6];
	_ =	sdelay $0x3  }
0x33: {  	p0 =	seq.s32 s10, $0x1;
	s10 =	sld [smem:$0x3FB8];
	_ =	sdelay $0x3  }
0x34: {  	[smem:$0x3FB8] =	sst s10  }
0x35: {  	s10 =	sld [smem:$0x3FB7];
	_ =	sdelay $0x3  }
0x36: {  	p1 =	seq.s32 s10, $0x1;
	s10 =	sld [smem:$0x3FB8];
	_ =	sdelay $0x3  }
0x37: {  	[smem:$0x3FB8] =	sst s10  }
0x38: {  	s10 =	sld [smem:$0x3FB9]  }
0x39: {  	_ = 	snop;
	(pc) =	sbr.ind lr, $3  }
0x3a: {  	_ = 	snop  }
0x3b: {  	_ = 	snop  }
0x3c: {  	p2 =	seq.s32 s10, $0x1;
	s10 =	sld [smem:$0x3FB8]  }
0x3d: {  	_ =	shalt  }
0x3e: {  	_ =	shalt  }
0x3f: {  	_ =	shalt  }
0x40: {  	_ =	shalt  }
0x41: {  	_ =	shalt  }
0x42: {  	_ =	shalt  }
0x43: {  	_ =	shalt  }
0x44: {  	_ =	shalt  }
0x45: {  	_ =	shalt  }
0x46: {  	_ =	shalt  }
0x47: {  	_ =	shalt  }
0x48: {  	_ =	shalt  }
0x49: {  	_ =	shalt  }
0x4a: {  	_ =	shalt  }
0x4b: {  	_ =	shalt  }
0x4c: {  	_ =	shalt  }
0x4d: {  	_ =	shalt  }
0x4e: {  	_ =	shalt  }
0x4f: {  	_ =	shalt  }
0x50: {  	_ =	shalt  }
0x51: {  	_ =	shalt  }
0x52: {  	_ =	shalt  }
0x53: {  	_ =	shalt  }
0x54: {  	_ =	shalt  }
0x55: {  	_ =	shalt  }
0x56: {  	_ =	shalt  }
0x57: {  	_ =	shalt  }
0x58: {  	_ =	shalt  }
0x59: {  	_ =	shalt  }
0x5a: {  	_ =	shalt  }
0x5b: {  	_ =	shalt  }
0x5c: {  	_ =	shalt  }
0x5d: {  	_ =	shalt  }
0x5e: {  	_ =	shalt  }
0x5f: {  	_ =	shalt  }
0x60: {  	_ =	shalt  }
0x61: {  	_ =	shalt  }
0x62: {  	_ =	shalt  }
0x63: {  	_ =	shalt  }
0x64: {  	_ =	shalt  }
0x65: {  	_ =	shalt  }
0x66: {  	_ =	shalt  }
0x67: {  	_ =	shalt  }
0x68: {  	_ =	shalt  }
0x69: {  	_ =	shalt  }
0x6a: {  	_ =	shalt  }
0x6b: {  	_ =	shalt  }
0x6c: {  	_ =	shalt  }
0x6d: {  	_ =	shalt  }
0x6e: {  	_ =	shalt  }
0x6f: {  	_ =	shalt  }
0x70: {  	_ =	shalt  }
0x71: {  	_ =	shalt  }
0x72: {  	_ =	shalt  }
0x73: {  	_ =	shalt  }
0x74: {  	_ =	shalt  }
0x75: {  	_ =	shalt  }
0x76: {  	_ =	shalt  }
0x77: {  	_ =	shalt  }
0x78: {  	_ =	shalt  }
0x79: {  	_ =	shalt  }
0x7a: {  	_ =	shalt  }
0x7b: {  	_ =	shalt  }
0x7c: {  	_ =	shalt  }
0x7d: {  	_ =	shalt  }
0x7e: {  	_ =	shalt  }
0x7f: {  	_ =	shalt  }
0x80: {  	_ =	shalt  }
0x81: {  	_ =	shalt  }
0x82: {  	_ =	shalt  }
0x83: {  	_ =	shalt  }
0x84: {  	_ =	shalt  }
0x85: {  	_ =	shalt  }
0x86: {  	_ =	shalt  }
0x87: {  	_ =	shalt  }
.Lfunc_end0:
.L_simem_size_0:
called_computation_lowered:
.L_overlay_start_0:
0x88: {  	s2 =	sld [smem:$0x3FD9]  }
0x89: {  	s3 =	sld [smem:$0x3FFE];
	_ =	sdelay $0x1  }
0x8a: {  	s1 =	srdreg.scid  }
0x8b: {  	s0 =	sand.u32 $0x1, s1  }
0x8c: {  	s17 =	sshll.u32 s0, $0xA;
	s2 =	sadd.s32 s3, s2  }
0x8d: {  	s2 =	sadd.s32 s2, s17  }
0x8e: {  	[smem:$0x3FC4] =	sst s2  }
0x8f: {  	_ = 	snop  }
0x90: {  	s2 =	sld [smem:$0x3FC9];
	(tm) =	ssettm $0x1  }
0x91: {  	s18 =	sld [smem:$0x3FFB];
	_ =	sdelay $0x3  }
0x92: {  	_ =	strace s18  }
0x93: {  	s3 =	sld [smem:$0x3FFC];
	_ =	sdelay $0x3  }
0x94: {  	_ =	strace s3  }
0x95: {  	s3 =	sld [smem:$0x3FFD];
	_ =	sdelay $0x3  }
0x96: {  	_ =	strace s3  }
0x97: {  	_ =	strace $0x8FFFFFFF  }
0x98: {  	s19 =	sld [smem:$0x3FDB];
	_ =	sdelay $0x1  }
0x99: {  	s4 =	simm.s32 $_scs_section_size  }
0x9a: {  	s5 =	simm.s32 $_size__tile_overlayer_lowered;
	s6 =	simm.s32 $_tile_overlayer_lowered  }
0x9b: {  	s22 =	simm.s32 $0x1BFF;
	s21 =	sshll.u32 s6, $0x1;
	s3 =	sadd.s32 s4, s19  }
0x9c: {  	s7 =	simm.s32 $0x0;
	s20 =	sshll.u32 s5, $0x1;
	s5 =	sadd.s32 s21, s3  }
0x9d: {  	[timem:s7], [sflag:s22] =	dma.local [hbm:s5], s20  }
0x9e: {  	_ =	swait.ge [sflag:s22], s20  }
0x9f: {  	s4 =	ssub.s32 $0x0, s20;
	[sflag:s22] =	ssyncset.done $0x0  }
0xa0: {  	[sflag:s22] =	ssyncadd.s32 s4;
	_ =	sdelay $0x1  }
0xa1: {  	s23 =	simm.s32 $0x1B8B  }
0xa2: {  	_ =	swait.ge [sflag:s23], $0x1  }
0xa3: {  	[sflag:s23] =	ssyncset.done $0x0  }
0xa4: {  	s25 =	simm.s32 $0x1B8E;
	s24 =	sld [smem:$0x3FFE];
	[sflag:s23] =	ssyncadd.s32 $0xFFFFFFFF  }
0xa5: {  	s26 =	simm.s32 $execute0_lowered;
	[smem:$0x3FD2] =	sst s25  }
0xa6: {  	s5 =	sshll.u32 s26, $0x1;
	_ =	strace $0x80000046;
	[dreg:$0x1] =	wrdreg $0xFFFFFFFF  }
0xa7: {  	s28 =	simm.s32 $_size_execute0_lowered;
	s3 =	sadd.s32 s3, s5;
	[dreg:$0x0] =	wrdreg $0x0  }
0xa8: {  	s5 =	sshll.u32 s28, $0x1;
	[dreg:$0x2] =	wrdreg s3  }
0xa9: {  	[dreg:$0x3] =	wrdreg s5  }
0xaa: {  	[dreg:$0x4] =	wrdreg $0xC0  }
0xab: {  	_ =	task [dreg:s7], $0x5FFFF  }
0xac: {  	[dreg:$0x1] =	wrdreg $0xFFFFFFFF  }
0xad: {  	[dreg:$0x0] =	wrdreg $0x60  }
0xae: {  	[dreg:$0x2] =	wrdreg s24  }
0xaf: {  	[dreg:$0x3] =	wrdreg s2  }
0xb0: {  	[dreg:$0x4] =	wrdreg $0x9  }
0xb1: {  	_ =	task.clear_ibuf [dreg:s7], $0x5FFFF;
	_ =	strace $0x90000046  }
0xb2: {  	s29 =	simm.s32 $0x9;
	_ =	strace $0x80000048  }
0xb3: {  	_ =	swait.ge [sflag:s29], $0x1  }
0xb4: {  	[sflag:s29] =	ssyncadd.s32 $0xFFFFFFFF  }
0xb5: {  	_ =	strace $0x90000048  }
0xb6: {  	_ =	sfence  }
0xb7: {  	s30 =	sld [smem:$0x0];
	_ =	sdelay $0x2  }
0xb8: {  	s31 =	sshll.u32 s1, $0xD;
	s1 =	sshrl.u32 s1, $0x2  }
0xb9: {  	s3 =	sand.u32 $0x4000, s31;
	s1 =	sadd.s32 s1, s30  }
0xba: {  	s0 =	sor.u32 s3, s0;
	s1 =	sshll.u32 s1, $0x11  }
0xbb: {  	s0 =	sor.u32 s1, s0  }
0xbc: {  	s0 =	sadd.s32 $0x8F2B, s0  }
0xbd: {  	[sflag:s0] =	ssyncadd.remote.s32 $0x1  }
0xbe: {  	_ =	sfence.sel $0xFFFF  }
0xbf: {  	[dreg:$0x0] =	wrdreg $0xFFFFFFFF;
	(pc) =	sbr.abs _section_cstart, $3  }
0xc0: {  	[dreg:$0x1] =	wrdreg $0xFFFFFFFF  }
0xc1: {  	_ =	task.clear_ibuf [dreg:s7], $0x2FFFF;
	_ =	strace $0x9FFFFFFF  }
0xc2: {  	(tm) =	ssettm $0x7FFFFFFF  }
0xc3: {  	_ =	shalt  }
tec
execute0_lowered:
.L_overlay_start_1:
0x0: {  	(tag) =	ssettag $0x1  }
0x1: {  	s0 =	rddreg [dreg:$0x0]  }
0x2: {  	s1 =	rddreg [dreg:$0x1];
	s2 =	simm.s32 $0x0;
	s3 =	srdreg.scid  }
0x3: {  	s5 =	stileid.u32;
	s18 =	simm.s32 $0x1240;
	s19 =	simm.s32 $0x2  }
0x4: {  	s20 =	simm.s32 $0x6C;
	s29 =	simm.s32 $0x4;
	s30 =	simm.s32 $0x3  }
0x5: {  	s31 =	simm.s32 $0x4A00;
	s15 =	simm.s32 $0x1320;
	s21 =	simm.s32 $0x6500  }
0x6: {  	s22 =	simm.s32 $0x1390;
	s23 =	simm.s32 $0x7280;
	s24 =	simm.s32 $0x8000  }
0x7: {  	s28 =	simm.s32 $0x6;
	s17 =	simm.s32 $0x0;
	[smem:$0x7FF] =	sst s2  }
0x8: {  	s4 =	sand.u32 $0x1, s3;
	s5 =	sshll.u32 s5, $0x8;
	s3 =	sadd.s32 $0x189A00, s0  }
0x9: {  	s7 =	sadd.s32 $0x1EB600, s0;
	_ =	strace $0x80000047;
	s6 =	sshll.u32 s4, $0x7  }
0xa: {  	[dreg:$0x3] =	wrdreg s7;
	s4 =	ssub.s32 $0x2, s4;
	s7 =	sadd.s32 $0x3AA00, s0  }
0xb: {  	v0 =	vlaneseq.u32;
	s5 =	sor.u32 s6, s5;
	s6 =	sadd.s32 $0x2A00, s0;
	s25 =	sshrl.u32 s4, $0x1  }
0xc: {  	vm0 =	vmmov $0x1;
	vm1 =	vcmask $0x308;
	vm2 =	vcmask $0x70C;
	s8 =	smul.u32 $0x38, s5;
	s9 =	sshrl.u32 s5, $0x3;
	s0 =	ssub.s32 s4, s25  }
0xd: {  	vm3 =	vcmask $0xB10;
	vm4 =	vcmask $0xF14;
	vm5 =	vcmask $0x1318;
	s11 =	sor.u32 $0x2, s5;
	s12 =	sor.u32 $0x3, s5;
	s1 =	sadd.s32 s1, s9  }
0xe: {  	vm6 =	vcmask $0x171C;
	vm7 =	vcmask $0x1B20;
	vm8 =	vcmask $0x1F24;
	s25 =	simm.s32 $0x5;
	s0 =	smax.u32 s0, $0x1;
	[dreg:$0x4] =	wrdreg s1  }
0xf: {  	vm9 =	vcmask $0x2328;
	vm10 =	vcmask $0x272C;
	v0 =	vmul.u32 $0xFFFFFFFF, v0;
	s4 =	simm.s32 $0x7;
	s26 =	sadd.s32 s6, s8;
	[dreg:$0x7] =	wrdreg s0  }
0x10: {  	vm11 =	vcmask $0x2B30;
	vm12 =	vcmask $0x2F34;
	vm13 =	vcmask $0x3338;
	s0 =	simm.s32 $0x12B0;
	[dreg:$0x5] =	wrdreg s26;
	s1 =	sadd.s32 $0x38, s26  }
0x11: {  	vm14 =	vcmask $0x373C;
	vm15 =	vmmov $0x7fff;
	v0 =	vadd.s32 $0xF, v0;
	s26 =	simm.s32 $0x81B0;
	[dreg:$0x6] =	wrdreg s1;
	s1 =	simm.s32 $0x5780  }
.LBB2_1:
0x12: {  	s8 =	rddreg [dreg:$0x4];
	s9 =	simm.s32 $0x8  }
0x13: {  	[tilespmem:s2], [sflag:$0x8] =	stream.linear.gather [hbm4b:s8+s2], $0x80, $0x38;
	[tilespmem:$0x8360] =	vst v63  }
0x14: {  	_ =	swait.ge [sflag:s9], $0x80  }
0x15: {  	s13 =	simm.s32 $0x1;
	[sflag:s9] =	ssyncset.done $0x0  }
0x16: {  	s10 =	rddreg [dreg:$0x3];
	[sflag:s9] =	ssyncadd.s32 $0xFFFFFF80;
	s9 =	simm.s32 $0x80  }
0x17: {  	[tilespmem:s9], [sflag:$0x1] =	stream.indirect.gather [hbm4b:s10+s9], $0x20, s2, s9, $0xb8;
	[tilespmem:$0x8360] =	vst v63  }
0x18: {  	_ =	swait.ge [sflag:s13], $0x1000  }
0x19: {  	[sflag:s13] =	ssyncset.done $0x0  }
0x1a: {  	s16 =	simm.s32 $0x1080;
	s14 =	rddreg [dreg:$0x5];
	[sflag:s13] =	ssyncadd.s32 $0xFFFFF000  }
0x1b: {  	[tilespmem:s16], [sflag:$0x2] =	stream.linear.gather [hbm4b:s14+s2], $0x1C0, $0x38;
	[tilespmem:$0x8360] =	vst v63  }
0x1c: {  	s10 =	rddreg [dreg:$0x6]  }
0x1d: {  	[tilespmem:s18], [sflag:$0x3] =	stream.linear.gather [hbm4b:s10+s2], $0x1C0, $0x38;
	[tilespmem:$0x8360] =	vst v63  }
0x1e: {  	_ =	swait.ge [sflag:s19], $0x1C0  }
0x1f: {  	[sflag:s19] =	ssyncset.done $0x0  }
0x20: {  	s13 =	simm.s32 $0x1400;
	[sflag:s19] =	ssyncadd.s32 $0xFFFFFE40  }
0x21: {  	[tilespmem:s13], [sflag:$0x4] =	stream.indirect.gather [hbm4b:s3+s20], $0x20, s16, s20, $0xb8;
	[tilespmem:$0x8360] =	vst v63  }
0x22: {  	s14 =	simm.s32 $0x10F0;
	s16 =	simm.s32 $0x2180  }
0x23: {  	[tilespmem:s16], [sflag:$0x4] =	stream.indirect.gather [hbm4b:s3+s20], $0x20, s14, s20, $0xb8;
	[tilespmem:$0x8360] =	vst v63  }
0x24: {  	s10 =	simm.s32 $0x1160;
	s13 =	simm.s32 $0x2F00  }
0x25: {  	[tilespmem:s13], [sflag:$0x4] =	stream.indirect.gather [hbm4b:s3+s20], $0x20, s10, s20, $0xb8;
	[tilespmem:$0x8360] =	vst v63  }
0x26: {  	s8 =	simm.s32 $0x0;
	s14 =	simm.s32 $0x11D0;
	s16 =	simm.s32 $0x3C80  }
0x27: {  	[tilespmem:s16], [sflag:$0x4] =	stream.indirect.gather [hbm4b:s3+s20], $0x20, s14, s20, $0xb8;
	[tilespmem:$0x8360] =	vst v63  }
.LBB2_2:
0x28: {  	s13 =	sshll.u32 s8, $0x1;
	p0 =	seq.s32 s8, $0x3F  }
0x29: {  	s9 =	sadd.s32 @!p0 s13, s11  }
0x2a: {  	_ =	swait.ge [sflag:s29], $0x3600;
	s9 =	smul.u32 @!p0 $0x38, s9  }
0x2b: {  	[sflag:s29] =	ssyncset.done $0x0;
	s10 =	simm.s32 @!p0 $0x0  }
0x2c: {  	s14 =	simm.s32 @!p0 $0x1080;
	[sflag:s29] =	ssyncadd.s32 $0xFFFFCA00;
	s9 =	sadd.s32 @!p0 s6, s9  }
0x2d: {  	[tilespmem:s14], [sflag:$0x2] =	stream.linear.gather @!p0 [hbm4b:s9+s10], $0x1C0, $0x38;
	[tilespmem:$0x8360] =	vst v63  }
0x2e: {  	_ =	swait.ge [sflag:s30], $0x1C0  }
0x2f: {  	[sflag:s30] =	ssyncset.done $0x0  }
0x30: {  	[sflag:s30] =	ssyncadd.s32 $0xFFFFFE40  }
0x31: {  	[tilespmem:s31], [sflag:$0x5] =	stream.indirect.gather [hbm4b:s3+s20], $0x20, s18, s20, $0xb8;
	[tilespmem:$0x8360] =	vst v63  }
0x32: {  	_ = 	snop  }
0x33: {  	[tilespmem:s1], [sflag:$0x5] =	stream.indirect.gather [hbm4b:s3+s20], $0x20, s0, s20, $0xb8;
	[tilespmem:$0x8360] =	vst v63  }
0x34: {  	p1 =	seq.s32 s8, $0x0  }
0x35: {  	[tilespmem:s21], [sflag:$0x5] =	stream.indirect.gather [hbm4b:s3+s20], $0x20, s15, s20, $0xb8;
	[tilespmem:$0x8360] =	vst v63  }
0x36: {  	s9 =	simm.s32 @!p1 $0x6  }
0x37: {  	[tilespmem:s23], [sflag:$0x5] =	stream.indirect.gather [hbm4b:s3+s20], $0x20, s22, s20, $0xb8;
	[tilespmem:$0x8360] =	vst v63  }
0x38: {  	_ =	swait.ge @!p1 [sflag:s9], $0x1B0  }
0x39: {  	s14 =	sshll.u32 s8, $0x6;
	[sflag:s9] =	ssyncset.done @!p1 $0x0  }
0x3a: {  	s16 =	sand.u32 $0x3FFFFFC0, s14;
	[sflag:s9] =	ssyncadd.s32 @!p1 $0xFFFFFE50  }
0x3b: {  	v2 =	vld [tilespmem:s16+$0x80]  }
0x3c: {  	v4 =	vld [tilespmem:s16+$0x90];
	_ =	sdelay $0x3  }
0x3d: {  	v1 =	vunpack.i.u.bf16.f32 v2  }
0x3e: {  	s10 =	sor.u32 $0x1, s13;
	s14 =	simm.s32 $0x1500;
	s9 =	simm.s32 $0x0;
	v2 =	vunpack.i.l.bf16.f32 v2;
	v3 =	vunpack.i.u.bf16.f32 v4;
	v4 =	vunpack.i.l.bf16.f32 v4  }
.LBB2_3:
0x3f: {  	v5 =	vld [tilespmem:s14+$0xFFFFFF00]  }
0x40: {  	v6 =	vld [tilespmem:s14+$0xFFFFFF10]  }
0x41: {  	v7 =	vld [tilespmem:s14+$0xFFFFFF20]  }
0x42: {  	v10 =	vld [tilespmem:s14+$0xFFFFFF30]  }
0x43: {  	v40 =	vld [tilespmem:s14+$0xFFFFFF40]  }
0x44: {  	v12 =	vld [tilespmem:s14+$0xFFFFFF50]  }
0x45: {  	v13 =	vld [tilespmem:s14+$0xFFFFFF60]  }
0x46: {  	v14 =	vld [tilespmem:s14+$0xFFFFFF70]  }
0x47: {  	v44 =	vld [tilespmem:s14+$0xFFFFFF80]  }
0x48: {  	v15 =	vld [tilespmem:s14+$0xFFFFFF90]  }
0x49: {  	v48 =	vld [tilespmem:s14+$0xFFFFFFA0]  }
0x4a: {  	v19 =	vld [tilespmem:s14+$0xFFFFFFB0];
	v8 =	vunpack.i.u.bf16.f32 v5;
	v5 =	vunpack.i.l.bf16.f32 v5  }
0x4b: {  	v52 =	vld [tilespmem:s14+$0xFFFFFFC0];
	v9 =	vunpack.i.u.bf16.f32 v6;
	v6 =	vunpack.i.l.bf16.f32 v6;
	v41 =	vunpack.i.u.bf16.f32 v7  }
0x4c: {  	v55 =	vld [tilespmem:s14+$0xFFFFFFD0];
	v7 =	vunpack.i.l.bf16.f32 v7;
	v11 =	vunpack.i.u.bf16.f32 v10;
	v10 =	vunpack.i.l.bf16.f32 v10  }
0x4d: {  	v42 =	vunpack.i.u.bf16.f32 v40;
	v43 =	vunpack.i.u.bf16.f32 v12;
	v12 =	vunpack.i.l.bf16.f32 v12  }
0x4e: {  	v20 =	vld [tilespmem:s14+$0xFFFFFFE0];
	v45 =	vunpack.i.u.bf16.f32 v13;
	v13 =	vunpack.i.l.bf16.f32 v13;
	v16 =	vunpack.i.u.bf16.f32 v14  }
0x4f: {  	v14 =	vunpack.i.l.bf16.f32 v14;
	v17 =	vunpack.i.u.bf16.f32 v44;
	v18 =	vunpack.i.u.bf16.f32 v15  }
0x50: {  	v56 =	vld [tilespmem:s14+$0xFFFFFFF0];
	v15 =	vunpack.i.l.bf16.f32 v15;
	v53 =	vunpack.i.u.bf16.f32 v48;
	v54 =	vunpack.i.u.bf16.f32 v19  }
0x51: {  	v63 =	vld [tilespmem:s14+$0x0];
	v19 =	vunpack.i.l.bf16.f32 v19;
	v59 =	vunpack.i.u.bf16.f32 v52;
	v60 =	vunpack.i.u.bf16.f32 v55  }
0x52: {  	v23 =	vld [tilespmem:s14+$0x10];
	v61 =	vunpack.i.l.bf16.f32 v55;
	v5 =	vmul.f32 v5, v2;
	v8 =	vmul.f32 v8, v1  }
0x53: {  	v27 =	vunpack.i.u.bf16.f32 v20;
	v6 =	vmul.f32 v6, v4;
	v9 =	vmul.f32 v9, v3  }
0x54: {  	v31 =	vld [tilespmem:s14+$0x20];
	v28 =	vunpack.i.l.bf16.f32 v20;
	v7 =	vmul.f32 v7, v2;
	v10 =	vmul.f32 v10, v4  }
0x55: {  	v33 =	vld [tilespmem:s14+$0x30];
	v29 =	vunpack.i.u.bf16.f32 v56;
	v11 =	vmul.f32 v11, v3;
	v13 =	vmul.f32 v13, v2  }
0x56: {  	v34 =	vunpack.i.u.bf16.f32 v63;
	v46 =	vmul.f32 v14, v4;
	v47 =	vmul.f32 v16, v3  }
0x57: {  	v38 =	vunpack.i.u.bf16.f32 v23;
	v17 =	vmul.f32 v17, v1;
	v49 =	vmul.f32 v15, v4  }
0x58: {  	v39 =	vunpack.i.l.bf16.f32 v23;
	v50 =	vmul.f32 v18, v3;
	v15 =	vmul.f32 v53, v1  }
0x59: {  	v20 =	vunpack.i.l.bf16.f32 v31;
	v19 =	vmul.f32 v19, v4;
	v62 =	vmul.f32 v61, v4  }
0x5a: {  	v25 =	vunpack.i.u.bf16.f32 v33;
	v18 =	vmul.f32 v27, v1;
	v30 =	vmul.f32 v29, v3  }
0x5b: {  	v16 =	vunpack.i.l.bf16.f32 v48;
	v36 =	vmul.f32 v34, v1;
	v20 =	vmul.f32 v20, v2  }
0x5c: {  	v37 =	vld [tilespmem:s14+$0x40];
	v16 =	vmul.f32 v16, v2;
	v5 =	vadd.f32 v5, v8;
	v6 =	vadd.f32 v6, v9  }
0x5d: {  	v9 =	vmul.f32 v41, v1;
	v8 =	vunpack.i.l.bf16.f32 v40;
	v41 =	vunpack.i.u.bf16.f32 v31  }
0x5e: {  	v8 =	vmul.f32 v8, v2;
	v57 =	vadd.f32 v16, v15;
	v15 =	vmul.f32 v59, v1  }
0x5f: {  	v16 =	vmul.f32 v60, v3;
	v5 =	vadd.f32 v6, v5;
	v6 =	vadd.f32 v7, v9  }
0x60: {  	v40 =	vld [tilespmem:s14+$0x50];
	v7 =	vadd.f32 v10, v11;
	v9 =	vmul.f32 v42, v1;
	v10 =	vmul.f32 v43, v3  }
0x61: {  	v11 =	vunpack.i.l.bf16.f32 v44;
	v43 =	vmul.f32 v25, v3;
	v44 =	vunpack.i.u.bf16.f32 v37  }
0x62: {  	v11 =	vmul.f32 v11, v2;
	v25 =	vmul.f32 v44, v1;
	v6 =	vadd.f32 v7, v6  }
0x63: {  	v60 =	vld [tilespmem:s14+$0x90];
	v7 =	vmul.f32 v12, v4;
	v12 =	vmul.f32 v45, v1;
	v8 =	vadd.f32 v8, v9  }
0x64: {  	v9 =	vadd.f32 v46, v47;
	v51 =	vperm.xlane v5, v0;
	v11 =	vadd.f32 v11, v17  }
0x65: {  	v17 =	vmul.f32 v54, v3;
	v26 =	vunpack.i.u.bf16.f32 v40;
	v7 =	vadd.f32 v7, v10  }
0x66: {  	v23 =	vunpack.i.l.bf16.f32 v40;
	v12 =	vadd.f32 v13, v12;
	v10 =	vadd.f32 v49, v50  }
0x67: {  	v21 =	vperm.xlane v6, v0;
	v13 =	vunpack.i.l.bf16.f32 v52;
	v45 =	vmul.f32 v23, v4  }
0x68: {  	v27 =	vld [tilespmem:s14+$0x60];
	v46 =	vmul.f32 v26, v3;
	v44 =	vunpack.i.u.bf16.f32 v60;
	v58 =	vadd.f32 v19, v17  }
0x69: {  	v13 =	vmul.f32 v13, v2;
	v19 =	vmul.f32 v28, v2;
	v8 =	vadd.f32 v7, v8  }
0x6a: {  	v17 =	vunpack.i.l.bf16.f32 v63;
	v9 =	vadd.f32 v9, v12;
	v7 =	vadd.f32 v10, v11  }
0x6b: {  	(xrf2) =	vadd.scan.msk.f32 $0xffff, v5;
	v47 =	vld [tilespmem:s14+$0x70];
	v11 =	vunpack.i.l.bf16.f32 v56;
	v12 =	vadd.f32 v62, v16;
	v35 =	vmul.f32 v17, v2  }
0x6c: {  	(xrf2) =	vadd.scan.msk.f32 $0xffff, v51;
	v16 =	vmul.f32 v39, v4;
	v17 =	vmul.f32 v41, v1;
	v51 =	vadd.f32 v45, v46  }
0x6d: {  	v56 =	vunpack.i.u.bf16.f32 v27;
	v45 =	vunpack.i.l.bf16.f32 v60;
	v10 =	vadd.f32 v58, v57  }
0x6e: {  	v13 =	vadd.f32 v13, v15;
	v11 =	vmul.f32 v11, v4;
	v32 =	vadd.f32 v19, v18  }
0x6f: {  	v18 =	vunpack.i.l.bf16.f32 v33;
	v19 =	vunpack.i.l.bf16.f32 v37;
	v57 =	vunpack.i.l.bf16.f32 v27  }
0x70: {  	v31 =	vld [tilespmem:s14+$0xC0];
	v58 =	vunpack.i.u.bf16.f32 v47;
	v22 =	vperm.xlane v8, v0;
	v24 =	vperm.xlane v9, v0  }
0x71: {  	v59 =	vunpack.i.l.bf16.f32 v47;
	v42 =	vmul.f32 v18, v4;
	v19 =	vmul.f32 v19, v2  }
0x72: {  	v28 =	vperm.xlane v7, v0;
	v48 =	vadd.f32 v20, v17;
	v18 =	vmul.f32 v56, v1  }
0x73: {  	(xrf2) =	vadd.scan.msk.f32 $0xffff, v6;
	v62 =	vld [tilespmem:s14+$0xA0];
	v61 =	vmul.f32 v59, v4;
	v17 =	vmul.f32 v44, v3;
	v15 =	vadd.f32 v11, v30  }
0x74: {  	(xrf2) =	vadd.scan.msk.f32 $0xffff, v21;
	v46 =	vld [tilespmem:s14+$0xD0];
	v11 =	vadd.f32 v12, v13;
	v13 =	vadd.f32 v35, v36;
	v49 =	vperm.xlane v10, v0  }
0x75: {  	v55 =	vld [tilespmem:s14+$0x80];
	(xrf2) =	vadd.scan.msk.f32 $0xffff, v8;
	v36 =	vunpack.i.u.bf16.f32 v31;
	v31 =	vunpack.i.l.bf16.f32 v31;
	v50 =	vadd.f32 v19, v25  }
0x76: {  	(xrf2) =	vadd.scan.msk.f32 $0xffff, v22;
	v19 =	vmul.f32 v57, v2;
	v22 =	vmul.f32 v58, v3;
	v12 =	vadd.f32 v15, v32  }
0x77: {  	v15 =	vmul.f32 v38, v3;
	v52 =	vperm.xlane v11, v0;
	(xrf2) =	vadd.scan.msk.f32 $0xffff, v9;
	v14 =	vadd.f32 v51, v50  }
0x78: {  	v25 =	vunpack.i.l.bf16.f32 v62;
	(xrf2) =	vadd.scan.msk.f32 $0xffff, v24;
	v18 =	vadd.f32 v19, v18;
	v22 =	vadd.f32 v61, v22  }
0x79: {  	v37 =	vunpack.i.u.bf16.f32 v46;
	v15 =	vadd.f32 v16, v15;
	v16 =	vadd.f32 v42, v43;
	(xrf2) =	vadd.scan.msk.f32 $0xffff, v7;
	v42 =	vld [tilespmem:s14+$0xB0]  }
0x7a: {  	v38 =	vld [tilespmem:s14+$0xF0];
	v25 =	vmul.f32 v25, v2;
	v53 =	vperm.xlane v12, v0;
	v43 =	vunpack.i.u.bf16.f32 v55;
	(xrf2) =	vadd.scan.msk.f32 $0xffff, v28  }
0x7b: {  	v29 =	vperm.xlane v14, v0;
	v28, _, _ =	vpop (xrf2);
	v24 =	vmul.f32 v43, v1;
	v13 =	vadd.f32 v15, v13;
	(xrf2) =	vadd.scan.msk.f32 $0xffff, v10  }
0x7c: {  	v51 =	vld [tilespmem:s14+$0xE0];
	v15 =	vadd.f32 v16, v48;
	v16 =	vunpack.i.l.bf16.f32 v55;
	v32, _, _ =	vpop (xrf2);
	v48 =	vunpack.i.u.bf16.f32 v62;
	(xrf2) =	vadd.scan.msk.f32 $0xffff, v49  }
0x7d: {  	v30 =	vmul.f32 v16, v2;
	v16 =	vadd.f32 v22, v18;
	v26, _, _ =	vpop (xrf2);
	v18 =	vmul.f32 v45, v4;
	(xrf2) =	vadd.scan.msk.f32 $0xffff, v11  }
0x7e: {  	v20 =	vmul.f32 v48, v1;
	v22 =	vunpack.i.l.bf16.f32 v46;
	v47, _, _ =	vpop (xrf2);
	(xrf2) =	vadd.scan.msk.f32 $0xffff, v52;
	v33 =	vunpack.i.u.bf16.f32 v42  }
0x7f: {  	v60 =	vunpack.i.u.bf16.f32 v38;
	v43 =	vperm.xlane v32, v0;
	v54 =	vperm.xlane v13, v0;
	v34, _, _ =	vpop (xrf2);
	(xrf2) =	vadd.scan.msk.f32 $0xffff, v12  }
0x80: {  	v38 =	vunpack.i.l.bf16.f32 v38;
	v63 =	vperm.xlane v15, v0;
	v22 =	vmul.f32 v22, v4;
	v35, _, _ =	vpop (xrf2);
	(xrf2) =	vadd.scan.msk.f32 $0xffff, v53  }
0x81: {  	v59 =	vunpack.i.u.bf16.f32 v51;
	v61 =	vmul.f32 v38, v4;
	v50 =	vmul.f32 v33, v3;
	v33, _, _ =	vpop (xrf2);
	(xrf2) =	vadd.scan.msk.f32 $0xffff, v13  }
0x82: {  	v62 =	vmul.f32 v60, v3;
	v24 =	vadd.f32 v30, v24;
	v19 =	vunpack.i.l.bf16.f32 v42;
	v39, _, _ =	vpop (xrf2);
	(xrf2) =	vadd.scan.msk.f32 $0xffff, v54  }
0x83: {  	v17 =	vadd.f32 v18, v17;
	v52 =	vmul.f32 v31, v2;
	v53 =	vmul.f32 v36, v1;
	v36, _, _ =	vpop (xrf2);
	(xrf2) =	vadd.scan.msk.f32 $0xffff, v15  }
0x84: {  	v21 =	vunpack.i.l.bf16.f32 v51;
	v56 =	vperm.xlane v16, v0;
	v49 =	vmul.f32 v19, v4;
	v55, _, _ =	vpop (xrf2);
	(xrf2) =	vadd.scan.msk.f32 $0xffff, v63  }
0x85: {  	v20 =	vadd.f32 v25, v20;
	v21 =	vmul.f32 v21, v2;
	v17 =	vadd.f32 v17, v24;
	v19, _, _ =	vpop (xrf2);
	(xrf2) =	vadd.scan.msk.f32 $0xffff, v14  }
0x86: {  	v28 =	vadd.f32 v28, v43;
	v18 =	vadd.f32 v49, v50;
	v54 =	vmul.f32 v37, v3;
	v58, _, _ =	vpop (xrf2);
	(xrf2) =	vadd.scan.msk.f32 $0xffff, v29  }
0x87: {  	v48 =	vperm.xlane v35, v0;
	v57 =	vperm.xlane v17, v0;
	v23 =	vadd.f32 v52, v53;
	v40, _, _ =	vpop (xrf2);
	(xrf2) =	vadd.scan.msk.f32 $0xffff, v16  }
0x88: {  	v18 =	vadd.f32 v18, v20;
	v22 =	vadd.f32 v22, v54;
	v29 =	vmul.f32 v59, v1;
	v41, _, _ =	vpop (xrf2);
	(xrf2) =	vadd.scan.msk.f32 $0xffff, v56  }
0x89: {  	v20 =	vadd.f32 v61, v62;
	v53 =	vadd.f32 v34, v48;
	v31, _, _ =	vpop (xrf2);
	(xrf2) =	vadd.scan.msk.f32 $0xffff, v17  }
0x8a: {  	v42 =	vperm.xlane v18, v0;
	v22 =	vadd.f32 v22, v23;
	v21 =	vadd.f32 v21, v29;
	v63, _, _ =	vpop (xrf2);
	(xrf2) =	vadd.scan.msk.f32 $0xffff, v57  }
0x8b: {  	v46 =	vperm.xlane v47, v0;
	v5 =	vsub.f32 v28, v5;
	v54 =	vperm.xlane v55, v0;
	v27, _, _ =	vpop (xrf2);
	(xrf2) =	vadd.scan.msk.f32 $0xffff, v18  }
0x8c: {  	v8 =	vsub.f32 v53, v8;
	v45 =	vperm.xlane v22, v0;
	v20 =	vadd.f32 v20, v21;
	v44, _, _ =	vpop (xrf2);
	(xrf2) =	vadd.scan.msk.f32 $0xffff, v42  }
0x8d: {  	v5 =	vnsel vm0, $0x0, v5;
	v24 =	vperm.xlane v58, v0;
	v59 =	vadd.f32 v36, v54;
	v47, _, _ =	vpop (xrf2);
	(xrf2) =	vadd.scan.msk.f32 $0xffff, v22  }
0x8e: {  	v51 =	vperm.xlane v39, v0;
	v8 =	vsel vm2, $0x0, v8;
	v50 =	vperm.xlane v20, v0;
	v49, _, _ =	vpop (xrf2);
	(xrf2) =	vadd.scan.msk.f32 $0xffff, v45  }
0x8f: {  	v60 =	vperm.xlane v41, v0;
	v19 =	vadd.f32 v19, v24;
	v7 =	vsub.f32 v59, v7;
	v52, _, _ =	vpop (xrf2);
	(xrf2) =	vadd.scan.msk.f32 $0xffff, v20  }
0x90: {  	v21 =	vadd.f32 v26, v46;
	v57 =	vadd.f32 v33, v51;
	v62 =	vperm.xlane v63, v0;
	v55, _, _ =	vpop (xrf2);
	(xrf2) =	vadd.scan.msk.f32 $0xffff, v50  }
0x91: {  	v36 =	vadd.f32 v40, v60;
	v10 =	vsub.f32 v19, v10;
	v7 =	vsel vm4, $0x0, v7;
	v56, _, _ =	vpop (xrf2)  }
0x92: {  	v6 =	vsub.f32 v21, v6;
	v9 =	vsub.f32 v57, v9;
	v37 =	vperm.xlane v44, v0;
	v58, _, _ =	vpop (xrf2)  }
0x93: {  	v40 =	vadd.f32 v31, v62;
	v11 =	vsub.f32 v36, v11;
	v10 =	vsel vm5, $0x0, v10;
	v61, _, _ =	vpop (xrf2)  }
0x94: {  	v6 =	vsel vm1, $0x0, v6;
	v9 =	vsel vm3, $0x0, v9;
	v7 =	vadd.f32 v10, v7;
	v63, _, _ =	vpop (xrf2)  }
0x95: {  	v41 =	vperm.xlane v49, v0;
	v43 =	vadd.f32 v27, v37;
	v12 =	vsub.f32 v40, v12;
	v39, _, _ =	vpop (xrf2)  }
0x96: {  	v5 =	vadd.f32 v6, v5;
	v6 =	vadd.f32 v9, v8;
	v44 =	vperm.xlane v55, v0;
	v42, _, _ =	vpop (xrf2)  }
0x97: {  	v11 =	vsel vm6, $0x0, v11;
	v46 =	vadd.f32 v47, v41;
	v13 =	vsub.f32 v43, v13;
	v45, _, _ =	vpop (xrf2)  }
0x98: {  	v12 =	vsel vm7, $0x0, v12;
	v47 =	vperm.xlane v58, v0;
	v49 =	vadd.f32 v52, v44;
	v48, _, _ =	vpop (xrf2)  }
0x99: {  	v59 =	vadd.f32 v12, v11;
	v15 =	vsub.f32 v46, v15;
	v23 =	vperm.xlane v63, v0;
	v50, _, _ =	vpop (xrf2)  }
0x9a: {  	v51 =	vadd.f32 v56, v47;
	v14 =	vsub.f32 v49, v14;
	v53 =	vperm.xlane v42, v0;
	v54, _, _ =	vpop (xrf2)  }
0x9b: {  	v52 =	vadd.f32 v61, v23;
	v55 =	vperm.xlane v48, v0;
	v24 =	vperm.xlane v54, v0  }
0x9c: {  	v13 =	vsel vm8, $0x0, v13;
	v16 =	vsub.f32 v51, v16;
	v56 =	vadd.f32 v39, v53  }
0x9d: {  	v15 =	vsel vm9, $0x0, v15;
	v19 =	vadd.f32 v45, v55;
	v57 =	vadd.f32 v50, v24  }
0x9e: {  	v14 =	vsel vm10, $0x0, v14;
	v17 =	vsub.f32 v52, v17;
	v18 =	vsub.f32 v56, v18  }
0x9f: {  	v16 =	vsel vm11, $0x0, v16;
	v19 =	vsub.f32 v19, v22;
	v20 =	vsub.f32 v57, v20  }
0xa0: {  	v61 =	vadd.f32 v15, v13;
	v62 =	vadd.f32 v16, v14;
	v17 =	vsel vm12, $0x0, v17  }
0xa1: {  	v18 =	vsel vm13, $0x0, v18;
	v58 =	vsel vm14, $0x0, v19;
	v60 =	vsel vm15, $0x0, v20  }
0xa2: {  	v63 =	vadd.f32 v18, v17;
	v8 =	vadd.f32 v60, v58  }
0xa3: {  	v5 =	vadd.f32 v6, v5;
	v6 =	vadd.f32 v59, v7  }
0xa4: {  	v7 =	vadd.f32 v62, v61;
	v8 =	vadd.f32 v8, v63  }
0xa5: {  	p1 =	sne.s32 s9, $0x680  }
.Ltmp0:
0xa6: {  	v5 =	vadd.f32 v6, v5;
	v6 =	vadd.f32 v8, v7;
	(pc) =	sbr.rel @p1 .LBB2_3-.Ltmp0, $4  }
0xa7: {  	_ = 	snop  }
0xa8: {  	v5 =	vadd.f32 v6, v5  }
0xa9: {  	s16 =	sshra.s32 s9, $0x2  }
0xaa: {  	s9 =	sadd.s32 $0x40, s9;
	s14 =	sadd.s32 $0x200, s14;
	[tilespmem:s16+$0x8000] =	vst v5  }
0xab: {  	s9 =	sadd.s32 s5, s13  }
0xac: {  	s9 =	smul.u32 $0x36, s9;
	_ =	sdelay $0x1  }
0xad: {  	s9 =	sadd.s32 s7, s9  }
0xae: {  	[hbm4b:s9+s2] =	stream.linear.scatter [tilespmem:s24], [sflag:$0x6], $0x1B0, $0x38;
	[tilespmem:$0x8360] =	vst v63  }
0xaf: {  	s9 =	sadd.s32 @!p0 s13, s12  }
0xb0: {  	_ =	swait.ge [sflag:s25], $0x3600;
	s9 =	smul.u32 @!p0 $0x38, s9  }
0xb1: {  	s14 =	simm.s32 @!p0 $0x1240;
	[sflag:s25] =	ssyncset.done $0x0  }
0xb2: {  	s13 =	simm.s32 @!p0 $0x0;
	[sflag:s25] =	ssyncadd.s32 $0xFFFFCA00;
	s9 =	sadd.s32 @!p0 s6, s9  }
0xb3: {  	[tilespmem:s14], [sflag:$0x3] =	stream.linear.gather @!p0 [hbm4b:s9+s13], $0x1C0, $0x38;
	[tilespmem:$0x8360] =	vst v63  }
0xb4: {  	s9 =	simm.s32 @!p0 $0x2  }
0xb5: {  	_ =	swait.ge @!p0 [sflag:s9], $0x1C0  }
0xb6: {  	s13 =	simm.s32 @!p0 $0x1080;
	[sflag:s9] =	ssyncset.done @!p0 $0x0  }
0xb7: {  	s14 =	simm.s32 @!p0 $0x1400;
	[sflag:s9] =	ssyncadd.s32 @!p0 $0xFFFFFE40;
	s9 =	simm.s32 @!p0 $0x6C  }
0xb8: {  	[tilespmem:s14], [sflag:$0x4] =	stream.indirect.gather @!p0 [hbm4b:s3+s9], $0x20, s13, s9, $0xb8;
	[tilespmem:$0x8360] =	vst v63  }
0xb9: {  	s13 =	simm.s32 @!p0 $0x10F0;
	s14 =	simm.s32 @!p0 $0x2180  }
0xba: {  	[tilespmem:s14], [sflag:$0x4] =	stream.indirect.gather @!p0 [hbm4b:s3+s9], $0x20, s13, s9, $0xb8;
	[tilespmem:$0x8360] =	vst v63  }
0xbb: {  	s13 =	simm.s32 @!p0 $0x1160;
	s14 =	simm.s32 @!p0 $0x2F00  }
0xbc: {  	[tilespmem:s14], [sflag:$0x4] =	stream.indirect.gather @!p0 [hbm4b:s3+s9], $0x20, s13, s9, $0xb8;
	[tilespmem:$0x8360] =	vst v63  }
0xbd: {  	p1 =	seq.s32 @!p0 s8, $0x0;
	s13 =	simm.s32 @!p0 $0x11D0;
	s14 =	simm.s32 @!p0 $0x3C80  }
0xbe: {  	[tilespmem:s14], [sflag:$0x4] =	stream.indirect.gather @!p0 [hbm4b:s3+s9], $0x20, s13, s9, $0xb8;
	[tilespmem:$0x8360] =	vst v63  }
0xbf: {  	p0 =	por p0, !p1  }
0xc0: {  	_ =	swait.ge @p0 [sflag:s4], $0x1B0  }
0xc1: {  	s16 =	sshll.u32 s10, $0x5;
	[sflag:s4] =	ssyncset.done @p0 $0x0  }
0xc2: {  	s9 =	sand.u32 $0x3FFFFFE0, s16;
	[sflag:s4] =	ssyncadd.s32 @p0 $0xFFFFFE50  }
0xc3: {  	v2 =	vld [tilespmem:s9+$0x80]  }
0xc4: {  	v4 =	vld [tilespmem:s9+$0x90];
	_ =	sdelay $0x3  }
0xc5: {  	v1 =	vunpack.i.u.bf16.f32 v2  }
0xc6: {  	s13 =	simm.s32 $0x4B00;
	s9 =	simm.s32 $0x0;
	v2 =	vunpack.i.l.bf16.f32 v2;
	v3 =	vunpack.i.u.bf16.f32 v4;
	v4 =	vunpack.i.l.bf16.f32 v4  }
.LBB2_5:
0xc7: {  	v5 =	vld [tilespmem:s13+$0xFFFFFF00]  }
0xc8: {  	v6 =	vld [tilespmem:s13+$0xFFFFFF10]  }
0xc9: {  	v7 =	vld [tilespmem:s13+$0xFFFFFF20]  }
0xca: {  	v10 =	vld [tilespmem:s13+$0xFFFFFF30]  }
0xcb: {  	v40 =	vld [tilespmem:s13+$0xFFFFFF40]  }
0xcc: {  	v12 =	vld [tilespmem:s13+$0xFFFFFF50]  }
0xcd: {  	v13 =	vld [tilespmem:s13+$0xFFFFFF60]  }
0xce: {  	v14 =	vld [tilespmem:s13+$0xFFFFFF70]  }
0xcf: {  	v44 =	vld [tilespmem:s13+$0xFFFFFF80]  }
0xd0: {  	v15 =	vld [tilespmem:s13+$0xFFFFFF90]  }
0xd1: {  	v48 =	vld [tilespmem:s13+$0xFFFFFFA0]  }
0xd2: {  	v19 =	vld [tilespmem:s13+$0xFFFFFFB0];
	v8 =	vunpack.i.u.bf16.f32 v5;
	v5 =	vunpack.i.l.bf16.f32 v5  }
0xd3: {  	v52 =	vld [tilespmem:s13+$0xFFFFFFC0];
	v9 =	vunpack.i.u.bf16.f32 v6;
	v6 =	vunpack.i.l.bf16.f32 v6;
	v41 =	vunpack.i.u.bf16.f32 v7  }
0xd4: {  	v55 =	vld [tilespmem:s13+$0xFFFFFFD0];
	v7 =	vunpack.i.l.bf16.f32 v7;
	v11 =	vunpack.i.u.bf16.f32 v10;
	v10 =	vunpack.i.l.bf16.f32 v10  }
0xd5: {  	v42 =	vunpack.i.u.bf16.f32 v40;
	v43 =	vunpack.i.u.bf16.f32 v12;
	v12 =	vunpack.i.l.bf16.f32 v12  }
0xd6: {  	v20 =	vld [tilespmem:s13+$0xFFFFFFE0];
	v45 =	vunpack.i.u.bf16.f32 v13;
	v13 =	vunpack.i.l.bf16.f32 v13;
	v16 =	vunpack.i.u.bf16.f32 v14  }
0xd7: {  	v14 =	vunpack.i.l.bf16.f32 v14;
	v17 =	vunpack.i.u.bf16.f32 v44;
	v18 =	vunpack.i.u.bf16.f32 v15  }
0xd8: {  	v56 =	vld [tilespmem:s13+$0xFFFFFFF0];
	v15 =	vunpack.i.l.bf16.f32 v15;
	v53 =	vunpack.i.u.bf16.f32 v48;
	v54 =	vunpack.i.u.bf16.f32 v19  }
0xd9: {  	v63 =	vld [tilespmem:s13+$0x0];
	v19 =	vunpack.i.l.bf16.f32 v19;
	v59 =	vunpack.i.u.bf16.f32 v52;
	v60 =	vunpack.i.u.bf16.f32 v55  }
0xda: {  	v23 =	vld [tilespmem:s13+$0x10];
	v61 =	vunpack.i.l.bf16.f32 v55;
	v5 =	vmul.f32 v5, v2;
	v8 =	vmul.f32 v8, v1  }
0xdb: {  	v27 =	vunpack.i.u.bf16.f32 v20;
	v6 =	vmul.f32 v6, v4;
	v9 =	vmul.f32 v9, v3  }
0xdc: {  	v31 =	vld [tilespmem:s13+$0x20];
	v28 =	vunpack.i.l.bf16.f32 v20;
	v7 =	vmul.f32 v7, v2;
	v10 =	vmul.f32 v10, v4  }
0xdd: {  	v33 =	vld [tilespmem:s13+$0x30];
	v29 =	vunpack.i.u.bf16.f32 v56;
	v11 =	vmul.f32 v11, v3;
	v13 =	vmul.f32 v13, v2  }
0xde: {  	v34 =	vunpack.i.u.bf16.f32 v63;
	v46 =	vmul.f32 v14, v4;
	v47 =	vmul.f32 v16, v3  }
0xdf: {  	v38 =	vunpack.i.u.bf16.f32 v23;
	v17 =	vmul.f32 v17, v1;
	v49 =	vmul.f32 v15, v4  }
0xe0: {  	v39 =	vunpack.i.l.bf16.f32 v23;
	v50 =	vmul.f32 v18, v3;
	v15 =	vmul.f32 v53, v1  }
0xe1: {  	v20 =	vunpack.i.l.bf16.f32 v31;
	v19 =	vmul.f32 v19, v4;
	v62 =	vmul.f32 v61, v4  }
0xe2: {  	v25 =	vunpack.i.u.bf16.f32 v33;
	v18 =	vmul.f32 v27, v1;
	v30 =	vmul.f32 v29, v3  }
0xe3: {  	v16 =	vunpack.i.l.bf16.f32 v48;
	v36 =	vmul.f32 v34, v1;
	v20 =	vmul.f32 v20, v2  }
0xe4: {  	v37 =	vld [tilespmem:s13+$0x40];
	v16 =	vmul.f32 v16, v2;
	v5 =	vadd.f32 v5, v8;
	v6 =	vadd.f32 v6, v9  }
0xe5: {  	v9 =	vmul.f32 v41, v1;
	v8 =	vunpack.i.l.bf16.f32 v40;
	v41 =	vunpack.i.u.bf16.f32 v31  }
0xe6: {  	v8 =	vmul.f32 v8, v2;
	v57 =	vadd.f32 v16, v15;
	v15 =	vmul.f32 v59, v1  }
0xe7: {  	v16 =	vmul.f32 v60, v3;
	v5 =	vadd.f32 v6, v5;
	v6 =	vadd.f32 v7, v9  }
0xe8: {  	v40 =	vld [tilespmem:s13+$0x50];
	v7 =	vadd.f32 v10, v11;
	v9 =	vmul.f32 v42, v1;
	v10 =	vmul.f32 v43, v3  }
0xe9: {  	v11 =	vunpack.i.l.bf16.f32 v44;
	v43 =	vmul.f32 v25, v3;
	v44 =	vunpack.i.u.bf16.f32 v37  }
0xea: {  	v11 =	vmul.f32 v11, v2;
	v25 =	vmul.f32 v44, v1;
	v6 =	vadd.f32 v7, v6  }
0xeb: {  	v60 =	vld [tilespmem:s13+$0x90];
	v7 =	vmul.f32 v12, v4;
	v12 =	vmul.f32 v45, v1;
	v8 =	vadd.f32 v8, v9  }
0xec: {  	v9 =	vadd.f32 v46, v47;
	v51 =	vperm.xlane v5, v0;
	v11 =	vadd.f32 v11, v17  }
0xed: {  	v17 =	vmul.f32 v54, v3;
	v26 =	vunpack.i.u.bf16.f32 v40;
	v7 =	vadd.f32 v7, v10  }
0xee: {  	v23 =	vunpack.i.l.bf16.f32 v40;
	v12 =	vadd.f32 v13, v12;
	v10 =	vadd.f32 v49, v50  }
0xef: {  	v21 =	vperm.xlane v6, v0;
	v13 =	vunpack.i.l.bf16.f32 v52;
	v45 =	vmul.f32 v23, v4  }
0xf0: {  	v27 =	vld [tilespmem:s13+$0x60];
	v46 =	vmul.f32 v26, v3;
	v44 =	vunpack.i.u.bf16.f32 v60;
	v58 =	vadd.f32 v19, v17  }
0xf1: {  	v13 =	vmul.f32 v13, v2;
	v19 =	vmul.f32 v28, v2;
	v8 =	vadd.f32 v7, v8  }
0xf2: {  	v17 =	vunpack.i.l.bf16.f32 v63;
	v9 =	vadd.f32 v9, v12;
	v7 =	vadd.f32 v10, v11  }
0xf3: {  	(xrf2) =	vadd.scan.msk.f32 $0xffff, v5;
	v47 =	vld [tilespmem:s13+$0x70];
	v11 =	vunpack.i.l.bf16.f32 v56;
	v12 =	vadd.f32 v62, v16;
	v35 =	vmul.f32 v17, v2  }
0xf4: {  	(xrf2) =	vadd.scan.msk.f32 $0xffff, v51;
	v16 =	vmul.f32 v39, v4;
	v17 =	vmul.f32 v41, v1;
	v51 =	vadd.f32 v45, v46  }
0xf5: {  	v56 =	vunpack.i.u.bf16.f32 v27;
	v45 =	vunpack.i.l.bf16.f32 v60;
	v10 =	vadd.f32 v58, v57  }
0xf6: {  	v13 =	vadd.f32 v13, v15;
	v11 =	vmul.f32 v11, v4;
	v32 =	vadd.f32 v19, v18  }
0xf7: {  	v18 =	vunpack.i.l.bf16.f32 v33;
	v19 =	vunpack.i.l.bf16.f32 v37;
	v57 =	vunpack.i.l.bf16.f32 v27  }
0xf8: {  	v31 =	vld [tilespmem:s13+$0xC0];
	v58 =	vunpack.i.u.bf16.f32 v47;
	v22 =	vperm.xlane v8, v0;
	v24 =	vperm.xlane v9, v0  }
0xf9: {  	v59 =	vunpack.i.l.bf16.f32 v47;
	v42 =	vmul.f32 v18, v4;
	v19 =	vmul.f32 v19, v2  }
0xfa: {  	v28 =	vperm.xlane v7, v0;
	v48 =	vadd.f32 v20, v17;
	v18 =	vmul.f32 v56, v1  }
0xfb: {  	(xrf2) =	vadd.scan.msk.f32 $0xffff, v6;
	v62 =	vld [tilespmem:s13+$0xA0];
	v61 =	vmul.f32 v59, v4;
	v17 =	vmul.f32 v44, v3;
	v15 =	vadd.f32 v11, v30  }
0xfc: {  	(xrf2) =	vadd.scan.msk.f32 $0xffff, v21;
	v46 =	vld [tilespmem:s13+$0xD0];
	v11 =	vadd.f32 v12, v13;
	v13 =	vadd.f32 v35, v36;
	v49 =	vperm.xlane v10, v0  }
0xfd: {  	v55 =	vld [tilespmem:s13+$0x80];
	(xrf2) =	vadd.scan.msk.f32 $0xffff, v8;
	v36 =	vunpack.i.u.bf16.f32 v31;
	v31 =	vunpack.i.l.bf16.f32 v31;
	v50 =	vadd.f32 v19, v25  }
0xfe: {  	(xrf2) =	vadd.scan.msk.f32 $0xffff, v22;
	v19 =	vmul.f32 v57, v2;
	v22 =	vmul.f32 v58, v3;
	v12 =	vadd.f32 v15, v32  }
0xff: {  	v15 =	vmul.f32 v38, v3;
	v52 =	vperm.xlane v11, v0;
	(xrf2) =	vadd.scan.msk.f32 $0xffff, v9;
	v14 =	vadd.f32 v51, v50  }
0x100: {  	v25 =	vunpack.i.l.bf16.f32 v62;
	(xrf2) =	vadd.scan.msk.f32 $0xffff, v24;
	v18 =	vadd.f32 v19, v18;
	v22 =	vadd.f32 v61, v22  }
0x101: {  	v37 =	vunpack.i.u.bf16.f32 v46;
	v15 =	vadd.f32 v16, v15;
	v16 =	vadd.f32 v42, v43;
	(xrf2) =	vadd.scan.msk.f32 $0xffff, v7;
	v42 =	vld [tilespmem:s13+$0xB0]  }
0x102: {  	v38 =	vld [tilespmem:s13+$0xF0];
	v25 =	vmul.f32 v25, v2;
	v53 =	vperm.xlane v12, v0;
	v43 =	vunpack.i.u.bf16.f32 v55;
	(xrf2) =	vadd.scan.msk.f32 $0xffff, v28  }
0x103: {  	v29 =	vperm.xlane v14, v0;
	v28, _, _ =	vpop (xrf2);
	v24 =	vmul.f32 v43, v1;
	v13 =	vadd.f32 v15, v13;
	(xrf2) =	vadd.scan.msk.f32 $0xffff, v10  }
0x104: {  	v51 =	vld [tilespmem:s13+$0xE0];
	v15 =	vadd.f32 v16, v48;
	v16 =	vunpack.i.l.bf16.f32 v55;
	v32, _, _ =	vpop (xrf2);
	v48 =	vunpack.i.u.bf16.f32 v62;
	(xrf2) =	vadd.scan.msk.f32 $0xffff, v49  }
0x105: {  	v30 =	vmul.f32 v16, v2;
	v16 =	vadd.f32 v22, v18;
	v26, _, _ =	vpop (xrf2);
	v18 =	vmul.f32 v45, v4;
	(xrf2) =	vadd.scan.msk.f32 $0xffff, v11  }
0x106: {  	v20 =	vmul.f32 v48, v1;
	v22 =	vunpack.i.l.bf16.f32 v46;
	v47, _, _ =	vpop (xrf2);
	(xrf2) =	vadd.scan.msk.f32 $0xffff, v52;
	v33 =	vunpack.i.u.bf16.f32 v42  }
0x107: {  	v60 =	vunpack.i.u.bf16.f32 v38;
	v43 =	vperm.xlane v32, v0;
	v54 =	vperm.xlane v13, v0;
	v34, _, _ =	vpop (xrf2);
	(xrf2) =	vadd.scan.msk.f32 $0xffff, v12  }
0x108: {  	v38 =	vunpack.i.l.bf16.f32 v38;
	v63 =	vperm.xlane v15, v0;
	v22 =	vmul.f32 v22, v4;
	v35, _, _ =	vpop (xrf2);
	(xrf2) =	vadd.scan.msk.f32 $0xffff, v53  }
0x109: {  	v59 =	vunpack.i.u.bf16.f32 v51;
	v61 =	vmul.f32 v38, v4;
	v50 =	vmul.f32 v33, v3;
	v33, _, _ =	vpop (xrf2);
	(xrf2) =	vadd.scan.msk.f32 $0xffff, v13  }
0x10a: {  	v62 =	vmul.f32 v60, v3;
	v24 =	vadd.f32 v30, v24;
	v19 =	vunpack.i.l.bf16.f32 v42;
	v39, _, _ =	vpop (xrf2);
	(xrf2) =	vadd.scan.msk.f32 $0xffff, v54  }
0x10b: {  	v17 =	vadd.f32 v18, v17;
	v52 =	vmul.f32 v31, v2;
	v53 =	vmul.f32 v36, v1;
	v36, _, _ =	vpop (xrf2);
	(xrf2) =	vadd.scan.msk.f32 $0xffff, v15  }
0x10c: {  	v21 =	vunpack.i.l.bf16.f32 v51;
	v56 =	vperm.xlane v16, v0;
	v49 =	vmul.f32 v19, v4;
	v55, _, _ =	vpop (xrf2);
	(xrf2) =	vadd.scan.msk.f32 $0xffff, v63  }
0x10d: {  	v20 =	vadd.f32 v25, v20;
	v21 =	vmul.f32 v21, v2;
	v17 =	vadd.f32 v17, v24;
	v19, _, _ =	vpop (xrf2);
	(xrf2) =	vadd.scan.msk.f32 $0xffff, v14  }
0x10e: {  	v28 =	vadd.f32 v28, v43;
	v18 =	vadd.f32 v49, v50;
	v54 =	vmul.f32 v37, v3;
	v58, _, _ =	vpop (xrf2);
	(xrf2) =	vadd.scan.msk.f32 $0xffff, v29  }
0x10f: {  	v48 =	vperm.xlane v35, v0;
	v57 =	vperm.xlane v17, v0;
	v23 =	vadd.f32 v52, v53;
	v40, _, _ =	vpop (xrf2);
	(xrf2) =	vadd.scan.msk.f32 $0xffff, v16  }
0x110: {  	v18 =	vadd.f32 v18, v20;
	v22 =	vadd.f32 v22, v54;
	v29 =	vmul.f32 v59, v1;
	v41, _, _ =	vpop (xrf2);
	(xrf2) =	vadd.scan.msk.f32 $0xffff, v56  }
0x111: {  	v20 =	vadd.f32 v61, v62;
	v53 =	vadd.f32 v34, v48;
	v31, _, _ =	vpop (xrf2);
	(xrf2) =	vadd.scan.msk.f32 $0xffff, v17  }
0x112: {  	v42 =	vperm.xlane v18, v0;
	v22 =	vadd.f32 v22, v23;
	v21 =	vadd.f32 v21, v29;
	v63, _, _ =	vpop (xrf2);
	(xrf2) =	vadd.scan.msk.f32 $0xffff, v57  }
0x113: {  	v46 =	vperm.xlane v47, v0;
	v5 =	vsub.f32 v28, v5;
	v54 =	vperm.xlane v55, v0;
	v27, _, _ =	vpop (xrf2);
	(xrf2) =	vadd.scan.msk.f32 $0xffff, v18  }
0x114: {  	v8 =	vsub.f32 v53, v8;
	v45 =	vperm.xlane v22, v0;
	v20 =	vadd.f32 v20, v21;
	v44, _, _ =	vpop (xrf2);
	(xrf2) =	vadd.scan.msk.f32 $0xffff, v42  }
0x115: {  	v5 =	vnsel vm0, $0x0, v5;
	v24 =	vperm.xlane v58, v0;
	v59 =	vadd.f32 v36, v54;
	v47, _, _ =	vpop (xrf2);
	(xrf2) =	vadd.scan.msk.f32 $0xffff, v22  }
0x116: {  	v51 =	vperm.xlane v39, v0;
	v8 =	vsel vm2, $0x0, v8;
	v50 =	vperm.xlane v20, v0;
	v49, _, _ =	vpop (xrf2);
	(xrf2) =	vadd.scan.msk.f32 $0xffff, v45  }
0x117: {  	v60 =	vperm.xlane v41, v0;
	v19 =	vadd.f32 v19, v24;
	v7 =	vsub.f32 v59, v7;
	v52, _, _ =	vpop (xrf2);
	(xrf2) =	vadd.scan.msk.f32 $0xffff, v20  }
0x118: {  	v21 =	vadd.f32 v26, v46;
	v57 =	vadd.f32 v33, v51;
	v62 =	vperm.xlane v63, v0;
	v55, _, _ =	vpop (xrf2);
	(xrf2) =	vadd.scan.msk.f32 $0xffff, v50  }
0x119: {  	v36 =	vadd.f32 v40, v60;
	v10 =	vsub.f32 v19, v10;
	v7 =	vsel vm4, $0x0, v7;
	v56, _, _ =	vpop (xrf2)  }
0x11a: {  	v6 =	vsub.f32 v21, v6;
	v9 =	vsub.f32 v57, v9;
	v37 =	vperm.xlane v44, v0;
	v58, _, _ =	vpop (xrf2)  }
0x11b: {  	v40 =	vadd.f32 v31, v62;
	v11 =	vsub.f32 v36, v11;
	v10 =	vsel vm5, $0x0, v10;
	v61, _, _ =	vpop (xrf2)  }
0x11c: {  	v6 =	vsel vm1, $0x0, v6;
	v9 =	vsel vm3, $0x0, v9;
	v7 =	vadd.f32 v10, v7;
	v63, _, _ =	vpop (xrf2)  }
0x11d: {  	v41 =	vperm.xlane v49, v0;
	v43 =	vadd.f32 v27, v37;
	v12 =	vsub.f32 v40, v12;
	v39, _, _ =	vpop (xrf2)  }
0x11e: {  	v5 =	vadd.f32 v6, v5;
	v6 =	vadd.f32 v9, v8;
	v44 =	vperm.xlane v55, v0;
	v42, _, _ =	vpop (xrf2)  }
0x11f: {  	v11 =	vsel vm6, $0x0, v11;
	v46 =	vadd.f32 v47, v41;
	v13 =	vsub.f32 v43, v13;
	v45, _, _ =	vpop (xrf2)  }
0x120: {  	v12 =	vsel vm7, $0x0, v12;
	v47 =	vperm.xlane v58, v0;
	v49 =	vadd.f32 v52, v44;
	v48, _, _ =	vpop (xrf2)  }
0x121: {  	v59 =	vadd.f32 v12, v11;
	v15 =	vsub.f32 v46, v15;
	v23 =	vperm.xlane v63, v0;
	v50, _, _ =	vpop (xrf2)  }
0x122: {  	v51 =	vadd.f32 v56, v47;
	v14 =	vsub.f32 v49, v14;
	v53 =	vperm.xlane v42, v0;
	v54, _, _ =	vpop (xrf2)  }
0x123: {  	v52 =	vadd.f32 v61, v23;
	v55 =	vperm.xlane v48, v0;
	v24 =	vperm.xlane v54, v0  }
0x124: {  	v13 =	vsel vm8, $0x0, v13;
	v16 =	vsub.f32 v51, v16;
	v56 =	vadd.f32 v39, v53  }
0x125: {  	v15 =	vsel vm9, $0x0, v15;
	v19 =	vadd.f32 v45, v55;
	v57 =	vadd.f32 v50, v24  }
0x126: {  	v14 =	vsel vm10, $0x0, v14;
	v17 =	vsub.f32 v52, v17;
	v18 =	vsub.f32 v56, v18  }
0x127: {  	v16 =	vsel vm11, $0x0, v16;
	v19 =	vsub.f32 v19, v22;
	v20 =	vsub.f32 v57, v20  }
0x128: {  	v61 =	vadd.f32 v15, v13;
	v62 =	vadd.f32 v16, v14;
	v17 =	vsel vm12, $0x0, v17  }
0x129: {  	v18 =	vsel vm13, $0x0, v18;
	v58 =	vsel vm14, $0x0, v19;
	v60 =	vsel vm15, $0x0, v20  }
0x12a: {  	v63 =	vadd.f32 v18, v17;
	v8 =	vadd.f32 v60, v58  }
0x12b: {  	v5 =	vadd.f32 v6, v5;
	v6 =	vadd.f32 v59, v7  }
0x12c: {  	v7 =	vadd.f32 v62, v61;
	v8 =	vadd.f32 v8, v63  }
0x12d: {  	p0 =	sne.s32 s9, $0x680  }
.Ltmp1:
0x12e: {  	v5 =	vadd.f32 v6, v5;
	v6 =	vadd.f32 v8, v7;
	(pc) =	sbr.rel @p0 .LBB2_5-.Ltmp1, $4  }
0x12f: {  	_ = 	snop  }
0x130: {  	v5 =	vadd.f32 v6, v5  }
0x131: {  	s14 =	sshra.s32 s9, $0x2  }
0x132: {  	s9 =	sadd.s32 $0x40, s9;
	s13 =	sadd.s32 $0x200, s13;
	[tilespmem:s14+$0x81B0] =	vst v5  }
0x133: {  	s8 =	sadd.s32 $0x1, s8  }
0x134: {  	p0 =	sne.s32 s8, $0x40  }
.Ltmp2:
0x135: {  	s9 =	sadd.s32 s5, s10;
	(pc) =	sbr.rel @p0 .LBB2_2-.Ltmp2, $3  }
0x136: {  	s9 =	smul.u32 $0x36, s9;
	_ =	sdelay $0x1  }
0x137: {  	s9 =	sadd.s32 s7, s9  }
0x138: {  	[hbm4b:s9+s2] =	stream.linear.scatter [tilespmem:s26], [sflag:$0x7], $0x1B0, $0x38;
	[tilespmem:$0x8360] =	vst v63  }
0x139: {  	_ =	swait.ge [sflag:s28], $0x1B0  }
0x13a: {  	[sflag:s28] =	ssyncset.done $0x0  }
0x13b: {  	[sflag:s28] =	ssyncadd.s32 $0xFFFFFE50  }
0x13c: {  	_ =	swait.ge [sflag:s4], $0x1B0  }
0x13d: {  	s17 =	sadd.s32 $0x1, s17;
	s8 =	rddreg [dreg:$0x7]  }
0x13e: {  	p0 =	sne.s32 s17, s8  }
.Ltmp3:
0x13f: {  	_ = 	snop;
	(pc) =	sbr.rel @p0 .LBB2_1-.Ltmp3, $3  }
0x140: {  	_ =	sdelay $0x1  }
0x141: {  	[sflag:s4] =	ssyncset.done $0x0  }
0x142: {  	[sflag:s4] =	ssyncadd.s32 $0xFFFFFE50  }
0x143: {  	_ =	sfence.sel $0x180000  }
0x144: {  	[bflag:$0x0] =	sbarrier.arrive $0xFFFF  }
0x145: {  	_ =	strace $0x90000047  }
0x146: {  	s0 =	stileid.u32;
	[bflag:$0x2] =	sbarrier.arrive $0xFFFF  }
0x147: {  	p0 =	sne.s32 s0, $0x0;
	s0 =	rddreg [dreg:$0x2]  }
0x148: {  	s0 =	sadd.s32 @!p0 $0x100000, s0  }
0x149: {  	[sflag:s0] =	ssyncadd.tile.s32 @!p0 $0x1;
	_ =	shalt  }
.Lfunc_end2:
_tile_overlayer_lowered:
.L_overlay_start_2:
0x14a: {  	(tag) =	ssettag $0x2  }
0x14b: {  	s0 =	rddreg [dreg:$0x0];
	s2 =	stileid.u32  }
0x14c: {  	s1 =	rddreg [dreg:$0x1];
	p0 =	sne.s32 s2, $0x0  }
0x14d: {  	s3 =	rddreg [dreg:$0x2];
	[bflag:$0x3] =	sbarrier.arrive $0xFFFF;
	s2 =	simm.s32 @!p0 $0x1C08  }
0x14e: {  	[timem:s3], [sflag:s2] =	dma.local @!p0 [hbm:s0], s1  }
0x14f: {  	s0 =	simm.s32 @!p0 $0x8  }
0x150: {  	_ =	swait.ge @!p0 [sflag:s0], s1  }
0x151: {  	s1 =	ssub.s32 @!p0 $0x0, s1;
	[sflag:s0] =	ssyncset.done @!p0 $0x0  }
0x152: {  	[sflag:s0] =	ssyncadd.s32 @!p0 s1  }
0x153: {  	[bflag:$0x3] =	sbarrier.arrive $0xFFFF  }
0x154: {  	_ =	shalt  }

</sc_bundles>
